<compile_context>
chip_gen: v7x
topology: tpu7x:2x2x1
jax: 0.10.2.dev20260603
libtpu: 0.0.44.dev20260713+nightly
codegen_flags: <defaults>
</compile_context>

<pallas_src>
import functools

import jax
import jax.numpy as jnp
from jax import lax
from jax.experimental import pallas as pl
from jax.experimental.pallas import tpu as pltpu
from jax.experimental.pallas import tpu_sc as plsc

N = 10000
E = 320000
D = 128
HD = D // 2
NC = 2
NS = 16
CHW = 128
CH_N = 80
CH_T = NC * CH_N
NBUF = 5
DW = 64
EPAD = NC * NS * CH_N * CHW
NPAD = 10112
ROWS_PER_TILE = NPAD // NS

_MESH = dict(core_axis_name="c", subcore_axis_name="s", num_cores=NC,
             num_subcores=NS)



def _sc_deg(dsti, ones, zeros_h):

    @functools.partial(
        pl.kernel,
        out_type=jax.ShapeDtypeStruct((NC, NPAD, DW), jnp.float32),
        mesh=plsc.VectorSubcoreMesh(**_MESH),
        scratch_types=[
            pltpu.VMEM((CH_N, CHW), jnp.int32),
            pltpu.VMEM((CHW, DW), jnp.float32),
            pltpu.VMEM_SHARED((NPAD, DW), jnp.float32),
            pltpu.SemaphoreType.DMA,
        ],
        compiler_params=pltpu.CompilerParams(use_tc_tiling_on_sc=False),
    )
    def k(dsti_hbm, ones_hbm, z_hbm, out_hbm, di_v, ones_v, acc_sh, sem):
        cid = lax.axis_index("c")
        sid = lax.axis_index("s")
        pltpu.sync_copy(dsti_hbm.at[sid].at[pl.ds(cid * CH_N, CH_N)], di_v)
        pltpu.sync_copy(ones_hbm, ones_v)

        base = sid * ROWS_PER_TILE
        pltpu.sync_copy(z_hbm, acc_sh.at[pl.ds(base, ROWS_PER_TILE)])
        plsc.subcore_barrier()

        @pl.loop(0, CH_N, step=16)
        def _(j):
            for i in range(16):
                pltpu.async_copy(ones_v, acc_sh.at[di_v.at[j + i]], sem,
                                 add=True)
            for i in range(16):
                pltpu.make_async_copy(z_hbm.at[pl.ds(0, CHW)], ones_v,
                                      sem).wait()

        plsc.subcore_barrier()
        pltpu.sync_copy(acc_sh.at[pl.ds(base, ROWS_PER_TILE)],
                        out_hbm.at[cid].at[pl.ds(base, ROWS_PER_TILE)])

    return k(dsti, ones, zeros_h)


def _sc_agg(vals2, srci, dsti, zeros_h):

    @functools.partial(
        pl.kernel,
        out_type=jax.ShapeDtypeStruct((NC, NPAD, HD), jnp.float32),
        mesh=plsc.VectorSubcoreMesh(**_MESH),
        scratch_types=(
            [pltpu.VMEM((CH_T, CHW), jnp.int32),
             pltpu.VMEM((CH_T, CHW), jnp.int32)]
            + [pltpu.VMEM((CHW, HD), jnp.float32) for _ in range(NBUF)]
            + [pltpu.VMEM_SHARED((NPAD, HD), jnp.float32)]
            + [pltpu.SemaphoreType.DMA for _ in range(NBUF)]
            + [pltpu.SemaphoreType.DMA for _ in range(NBUF)]
        ),
        compiler_params=pltpu.CompilerParams(use_tc_tiling_on_sc=False),
    )
    def k(vals_hbm, srci_hbm, dsti_hbm, z_hbm, out_hbm, si_v, di_v, *rest):
        gbufs = rest[:NBUF]
        acc_sh = rest[NBUF]
        sems = rest[NBUF + 1:NBUF + 1 + NBUF]
        ssems = rest[NBUF + 1 + NBUF:]
        cid = lax.axis_index("c")
        sid = lax.axis_index("s")

        def fire_g(c, b):
            pltpu.async_copy(vals_hbm.at[cid].at[si_v.at[c]], gbufs[b],
                             sems[b])

        def wait_g(b):
            pltpu.make_async_copy(z_hbm.at[pl.ds(0, CHW)], gbufs[b],
                                  sems[b]).wait()

        def fire_s(c, b):
            pltpu.async_copy(gbufs[b], acc_sh.at[di_v.at[c]], ssems[b],
                             add=True)

        def wait_s(b):
            pltpu.make_async_copy(z_hbm.at[pl.ds(0, CHW)], gbufs[b],
                                  ssems[b]).wait()

        pltpu.sync_copy(srci_hbm.at[sid], si_v)
        for b in range(NBUF):
            fire_g(b, b)

        pltpu.sync_copy(dsti_hbm.at[sid], di_v)
        base = sid * ROWS_PER_TILE
        pltpu.sync_copy(z_hbm, acc_sh.at[pl.ds(base, ROWS_PER_TILE)])
        plsc.subcore_barrier()

        @pl.loop(0, CH_T - NBUF, step=NBUF)
        def _(j):
            for b in range(NBUF):
                c = j + b
                wait_g(b)
                fire_s(c, b)
                wait_s(b)
                fire_g(c + NBUF, b)

        for b in range(NBUF):
            wait_g(b)
            fire_s(CH_T - NBUF + b, b)
            wait_s(b)

        plsc.subcore_barrier()
        pltpu.sync_copy(acc_sh.at[pl.ds(base, ROWS_PER_TILE)],
                        out_hbm.at[cid].at[pl.ds(base, ROWS_PER_TILE)])

    return k(vals2, srci, dsti, zeros_h)



def _dinv(degp_ref):
    deg = 1.0 + degp_ref[0, :, 0:1] + degp_ref[1, :, 0:1]
    return lax.rsqrt(deg)


def _tc_prep_body(x_ref, degp_ref, xs_ref):
    xs = x_ref[...] * _dinv(degp_ref)
    xs_ref[0, :, :] = xs[:, :HD]
    xs_ref[1, :, :] = xs[:, HD:]


def _tc_prep(x_pad, degp):
    return pl.pallas_call(
        _tc_prep_body,
        out_shape=jax.ShapeDtypeStruct((NC, NPAD, HD), jnp.float32),
    )(x_pad, degp)


def _tc_mid_body(a_ref, xs_ref, degp_ref, w, b, hs_ref):
    dinv = _dinv(degp_ref)
    a = jnp.concatenate([a_ref[0], a_ref[1]], axis=-1)
    xs = jnp.concatenate([xs_ref[0], xs_ref[1]], axis=-1)
    p = dinv * (a + xs)
    h = jnp.dot(p, w[...], preferred_element_type=jnp.float32) + b[...]
    hs = dinv * jnp.maximum(h, 0.0)
    hs_ref[0, :, :] = hs[:, :HD]
    hs_ref[1, :, :] = hs[:, HD:]


def _tc_mid(a, xs, degp, w, b):
    return pl.pallas_call(
        _tc_mid_body,
        out_shape=jax.ShapeDtypeStruct((NC, NPAD, HD), jnp.float32),
    )(a, xs, degp, w, b)


def _tc_post_body(a_ref, hs_ref, degp_ref, w, b, out_ref):
    dinv = _dinv(degp_ref)
    a = jnp.concatenate([a_ref[0], a_ref[1]], axis=-1)
    hs = jnp.concatenate([hs_ref[0], hs_ref[1]], axis=-1)
    p = dinv * (a + hs)
    z = jnp.dot(p, w[...], preferred_element_type=jnp.float32) + b[...]
    m = jnp.max(z, axis=-1, keepdims=True)
    zm = z - m
    lse = jnp.log(jnp.sum(jnp.exp(zm), axis=-1, keepdims=True))
    out_ref[...] = zm - lse


def _tc_post(a, hs, degp, w, b):
    return pl.pallas_call(
        _tc_post_body,
        out_shape=jax.ShapeDtypeStruct((NPAD, D), jnp.float32),
    )(a, hs, degp, w, b)



def kernel(x, edge_index, W1, b1, W2, b2):
    src = edge_index[0].astype(jnp.int32)
    dst = edge_index[1].astype(jnp.int32)
    pad = jnp.full((EPAD - E,), N, jnp.int32)
    src_t = jnp.concatenate([src, pad]).reshape(NS, CH_T, CHW)
    dst_t = jnp.concatenate([dst, pad]).reshape(NS, CH_T, CHW)
    x_pad = jnp.pad(x, ((0, NPAD - N), (0, 0)))
    zeros_h = jnp.zeros((ROWS_PER_TILE, HD), jnp.float32)
    zeros_d = jnp.zeros((ROWS_PER_TILE, DW), jnp.float32)
    ones = jnp.ones((CHW, DW), jnp.float32)
    b1r = b1.reshape(1, D)
    b2r = b2.reshape(1, D)

    degp = _sc_deg(dst_t, ones, zeros_d)
    xs = _tc_prep(x_pad, degp)
    agg = _sc_agg(xs, src_t, dst_t, zeros_h)
    hs = _tc_mid(agg, xs, degp, W1, b1r)
    agg2 = _sc_agg(hs, src_t, dst_t, zeros_h)
    out = _tc_post(agg2, hs, degp, W2, b2r)
    return out[:N]

# --- scband reference (transcript-rebuilt; emitter-appended) ---
"""Pipeline reference for scband-sgc-69389491634484 (READ-ONLY COPY).

The authoritative reference and input builder live on the scoring server;
editing this copy changes nothing except your own understanding.
"""

import jax, jax.numpy as jnp
import numpy as np

N_NODES = 10000
N_EDGES = 320000
D_IN = 128
D_HID = 128
D_OUT = 128


def setup_inputs(seed: int = 0) -> dict:
    key = jax.random.key(seed)
    k1, k2, k3, k4, k5, k6 = jax.random.split(key, 6)
    x = jax.random.normal(k1, (N_NODES, D_IN), dtype=jnp.float32)
    edge_index = jax.random.randint(k2, (2, N_EDGES), 0, N_NODES, dtype=jnp.int64)
    # Glorot-style init for linear weights (as in torch_geometric SGConv / nn.Linear)
    lim1 = 1.0 / np.sqrt(D_IN)
    lim2 = 1.0 / np.sqrt(D_HID)
    W1 = jax.random.uniform(k3, (D_IN, D_HID), minval=-lim1, maxval=lim1, dtype=jnp.float32)
    b1 = jax.random.uniform(k4, (D_HID,), minval=-lim1, maxval=lim1, dtype=jnp.float32)
    W2 = jax.random.uniform(k5, (D_HID, D_OUT), minval=-lim2, maxval=lim2, dtype=jnp.float32)
    b2 = jax.random.uniform(k6, (D_OUT,), minval=-lim2, maxval=lim2, dtype=jnp.float32)
    return {"x": x, "edge_index": edge_index, "W1": W1, "b1": b1, "W2": W2, "b2": b2}


def _gcn_propagate(x, src, dst, n):
    # add self loops
    loop = jnp.arange(n, dtype=src.dtype)
    src_l = jnp.concatenate([src, loop])
    dst_l = jnp.concatenate([dst, loop])
    # symmetric GCN normalization: D^{-1/2} (A + I) D^{-1/2}
    deg = jnp.zeros((n,), dtype=x.dtype).at[dst_l].add(1.0)
    dinv = jnp.where(deg > 0, deg ** -0.5, 0.0)
    norm = dinv[src_l] * dinv[dst_l]
    msg = jnp.take(x, src_l, axis=0) * norm[:, None]
    out = jnp.zeros_like(x).at[dst_l].add(msg)
    return out


def reference(x, edge_index, W1, b1, W2, b2):
    src = edge_index[0]
    dst = edge_index[1]
    n = x.shape[0]
    # SGConv layer 1 (K=1): propagate then linear
    h = _gcn_propagate(x, src, dst, n)
    h = h @ W1 + b1
    h = jax.nn.relu(h)
    # dropout is identity in eval / deterministic reference
    # SGConv layer 2
    h = _gcn_propagate(h, src, dst, n)
    h = h @ W2 + b2
    return jax.nn.log_softmax(h, axis=-1)

if __name__ == "__main__":
    import jax
    _d = setup_inputs()
    print(jax.jit(kernel)(*tuple(_d.values())))

</pallas_src>

<mosaic_0001>
#map = affine_map<(d0, d1) -> (0, 0, 0)>
#map1 = affine_map<(d0, d1) -> (0, 0)>
module attributes {stable_mosaic.version = 14 : i64} {
  func.func @k(%arg0: i32, %arg1: i32, %arg2: memref<16x160x128xi32, #tpu.memory_space<hbm>>, %arg3: memref<128x64xf32, #tpu.memory_space<hbm>>, %arg4: memref<632x64xf32, #tpu.memory_space<hbm>>, %arg5: memref<2x10112x64xf32, #tpu.memory_space<hbm>>, %arg6: memref<80x128xi32, #tpu.memory_space<vmem>>, %arg7: memref<128x64xf32, #tpu.memory_space<vmem>>, %arg8: memref<10112x64xf32, #tpu.memory_space<vmem_shared>>, %arg9: memref<!tpu.dma_semaphore, #tpu.memory_space<semaphore_mem>>) attributes {dimension_semantics = [#tpu.dimension_semantics<core_parallel>, #tpu.dimension_semantics<subcore_parallel>], iteration_bounds = array<i64: 2, 16>, scalar_prefetch = 0 : i64, scratch_operands = 4 : i64, tpu.core_type = #tpu.core_type<sc_vector_subcore>, window_params = [{transform_indices = #map}, {transform_indices = #map1}, {transform_indices = #map1}, {transform_indices = #map}]} {
    %mul3A = arith.constant 80 : i32
    %mul3A_0 = arith.muli %arg0, %mul3A : i32
    "tpu.region"() ({
      %run_scoped3A = tpu.sem_alloc : memref<!tpu.dma_semaphore, #tpu.memory_space<semaphore_mem>>
      %dma_start3A = arith.constant 0 : i32
      %dma_start3A_8 = arith.constant 0 : i32
      %dma_start3A_9 = tpu.memref_slice %arg2[%arg1, %dma_start3A, %dma_start3A_8] : memref<16x160x128xi32, #tpu.memory_space<hbm>> -> memref<1x160x128xi32, #tpu.memory_space<hbm>>
      %dma_start3A_10 = tpu.memref_squeeze %dma_start3A_9 : memref<1x160x128xi32, #tpu.memory_space<hbm>> -> memref<160x128xi32, #tpu.memory_space<hbm>>
      %dma_start3A_11 = arith.constant 0 : i32
      %dma_start3A_12 = tpu.memref_slice %dma_start3A_10[%mul3A_0, %dma_start3A_11] : memref<160x128xi32, #tpu.memory_space<hbm>> -> memref<80x128xi32, #tpu.memory_space<hbm>>
      %dma_start3A_13 = arith.constant 0 : i32
      %dma_start3A_14 = arith.constant 0 : i32
      %dma_start3A_15 = tpu.memref_slice %arg2[%arg1, %dma_start3A_13, %dma_start3A_14] : memref<16x160x128xi32, #tpu.memory_space<hbm>> -> memref<1x160x128xi32, #tpu.memory_space<hbm>>
      %dma_start3A_16 = tpu.memref_squeeze %dma_start3A_15 : memref<1x160x128xi32, #tpu.memory_space<hbm>> -> memref<160x128xi32, #tpu.memory_space<hbm>>
      %dma_start3A_17 = arith.constant 0 : i32
      %dma_start3A_18 = tpu.memref_slice %dma_start3A_16[%mul3A_0, %dma_start3A_17] : memref<160x128xi32, #tpu.memory_space<hbm>> -> memref<80x128xi32, #tpu.memory_space<hbm>>
      tpu.enqueue_dma source(%dma_start3A_18 : memref<80x128xi32, #tpu.memory_space<hbm>>) target(%arg6 : memref<80x128xi32, #tpu.memory_space<vmem>>) target_semaphore(%run_scoped3A : memref<!tpu.dma_semaphore, #tpu.memory_space<semaphore_mem>>)
      %dma_wait3A = arith.constant 0 : i32
      %dma_wait3A_19 = arith.constant 0 : i32
      %dma_wait3A_20 = tpu.memref_slice %arg2[%arg1, %dma_wait3A, %dma_wait3A_19] : memref<16x160x128xi32, #tpu.memory_space<hbm>> -> memref<1x160x128xi32, #tpu.memory_space<hbm>>
      %dma_wait3A_21 = tpu.memref_squeeze %dma_wait3A_20 : memref<1x160x128xi32, #tpu.memory_space<hbm>> -> memref<160x128xi32, #tpu.memory_space<hbm>>
      %dma_wait3A_22 = arith.constant 0 : i32
      %dma_wait3A_23 = tpu.memref_slice %dma_wait3A_21[%mul3A_0, %dma_wait3A_22] : memref<160x128xi32, #tpu.memory_space<hbm>> -> memref<80x128xi32, #tpu.memory_space<hbm>>
      %dma_wait3A_24 = arith.constant 0 : i32
      %dma_wait3A_25 = arith.constant 0 : i32
      %dma_wait3A_26 = tpu.memref_slice %arg2[%arg1, %dma_wait3A_24, %dma_wait3A_25] : memref<16x160x128xi32, #tpu.memory_space<hbm>> -> memref<1x160x128xi32, #tpu.memory_space<hbm>>
      %dma_wait3A_27 = tpu.memref_squeeze %dma_wait3A_26 : memref<1x160x128xi32, #tpu.memory_space<hbm>> -> memref<160x128xi32, #tpu.memory_space<hbm>>
      %dma_wait3A_28 = arith.constant 0 : i32
      %dma_wait3A_29 = tpu.memref_slice %dma_wait3A_27[%mul3A_0, %dma_wait3A_28] : memref<160x128xi32, #tpu.memory_space<hbm>> -> memref<80x128xi32, #tpu.memory_space<hbm>>
      tpu.wait_dma2 semaphore(%run_scoped3A : memref<!tpu.dma_semaphore, #tpu.memory_space<semaphore_mem>>) src(%dma_wait3A_29 : memref<80x128xi32, #tpu.memory_space<hbm>>) dst(%arg6 : memref<80x128xi32, #tpu.memory_space<vmem>>)
      tpu.yield
    }) : () -> ()
    "tpu.region"() ({
      %run_scoped3A = tpu.sem_alloc : memref<!tpu.dma_semaphore, #tpu.memory_space<semaphore_mem>>
      tpu.enqueue_dma source(%arg3 : memref<128x64xf32, #tpu.memory_space<hbm>>) target(%arg7 : memref<128x64xf32, #tpu.memory_space<vmem>>) target_semaphore(%run_scoped3A : memref<!tpu.dma_semaphore, #tpu.memory_space<semaphore_mem>>)
      tpu.wait_dma2 semaphore(%run_scoped3A : memref<!tpu.dma_semaphore, #tpu.memory_space<semaphore_mem>>) src(%arg3 : memref<128x64xf32, #tpu.memory_space<hbm>>) dst(%arg7 : memref<128x64xf32, #tpu.memory_space<vmem>>)
      tpu.yield
    }) : () -> ()
    %mul3A_1 = arith.constant 632 : i32
    %mul3A_2 = arith.muli %arg1, %mul3A_1 : i32
    "tpu.region"() ({
      %run_scoped3A = tpu.sem_alloc : memref<!tpu.dma_semaphore, #tpu.memory_space<semaphore_mem>>
      %dma_start3A = arith.constant 0 : i32
      %dma_start3A_8 = tpu.memref_slice %arg8[%mul3A_2, %dma_start3A] : memref<10112x64xf32, #tpu.memory_space<vmem_shared>> -> memref<632x64xf32, #tpu.memory_space<vmem_shared>>
      tpu.enqueue_dma source(%arg4 : memref<632x64xf32, #tpu.memory_space<hbm>>) target(%dma_start3A_8 : memref<632x64xf32, #tpu.memory_space<vmem_shared>>) target_semaphore(%run_scoped3A : memref<!tpu.dma_semaphore, #tpu.memory_space<semaphore_mem>>)
      %dma_wait3A = arith.constant 0 : i32
      %dma_wait3A_9 = tpu.memref_slice %arg8[%mul3A_2, %dma_wait3A] : memref<10112x64xf32, #tpu.memory_space<vmem_shared>> -> memref<632x64xf32, #tpu.memory_space<vmem_shared>>
      tpu.wait_dma2 semaphore(%run_scoped3A : memref<!tpu.dma_semaphore, #tpu.memory_space<semaphore_mem>>) src(%arg4 : memref<632x64xf32, #tpu.memory_space<hbm>>) dst(%dma_wait3A_9 : memref<632x64xf32, #tpu.memory_space<vmem_shared>>)
      tpu.yield
    }) : () -> ()
    %barrier3A = arith.constant 0 : index
    tpu.barrier barrier_id(%barrier3A)
    %scan3A = arith.constant 0 : i32
    %scan3A_3 = arith.constant 5 : i32
    %scan3A_4 = arith.addi %scan3A, %scan3A_3 : i32
    %scan3A_5 = arith.constant 1 : i32
    scf.for %scan3A_8 = %scan3A to %scan3A_4 step %scan3A_5  : i32 {
      %mul3A_9 = arith.constant 16 : i32
      %mul3A_10 = arith.muli %scan3A_8, %mul3A_9 : i32
      %add3A = arith.constant 0 : i32
      %add3A_11 = arith.addi %add3A, %mul3A_10 : i32
      %add3A_12 = arith.constant 0 : i32
      %add3A_13 = arith.addi %add3A_11, %add3A_12 : i32
      %dma_start3A = arith.constant 0 : i32
      %dma_start3A_14 = tpu.memref_slice %arg6[%add3A_13, %dma_start3A] : memref<80x128xi32, #tpu.memory_space<vmem>> -> memref<1x128xi32, #tpu.memory_space<vmem>>
      %dma_start3A_15 = tpu.memref_squeeze %dma_start3A_14 : memref<1x128xi32, #tpu.memory_space<vmem>> -> memref<128xi32, #tpu.memory_space<vmem>>
      %dma_start3A_16 = arith.constant 0 : i32
      %dma_start3A_17 = arith.constant 0 : i32
      %dma_start3A_18 = tpu.memref_slice %arg8[%dma_start3A_16, %dma_start3A_17] : memref<10112x64xf32, #tpu.memory_space<vmem_shared>> -> memref<10112x64xf32, #tpu.memory_space<vmem_shared>>
      tpu.enqueue_indirect_dma source(%arg7 : memref<128x64xf32, #tpu.memory_space<vmem>>) target(%dma_start3A_18 : memref<10112x64xf32, #tpu.memory_space<vmem_shared>>) offsets(%dma_start3A_15 : memref<128xi32, #tpu.memory_space<vmem>>) semaphore(%arg9 : memref<!tpu.dma_semaphore, #tpu.memory_space<semaphore_mem>>) {add = true}
      %add3A_19 = arith.constant 1 : i32
      %add3A_20 = arith.addi %add3A_11, %add3A_19 : i32
      %dma_start3A_21 = arith.constant 0 : i32
      %dma_start3A_22 = tpu.memref_slice %arg6[%add3A_20, %dma_start3A_21] : memref<80x128xi32, #tpu.memory_space<vmem>> -> memref<1x128xi32, #tpu.memory_space<vmem>>
      %dma_start3A_23 = tpu.memref_squeeze %dma_start3A_22 : memref<1x128xi32, #tpu.memory_space<vmem>> -> memref<128xi32, #tpu.memory_space<vmem>>
      %dma_start3A_24 = arith.constant 0 : i32
      %dma_start3A_25 = arith.constant 0 : i32
      %dma_start3A_26 = tpu.memref_slice %arg8[%dma_start3A_24, %dma_start3A_25] : memref<10112x64xf32, #tpu.memory_space<vmem_shared>> -> memref<10112x64xf32, #tpu.memory_space<vmem_shared>>
      tpu.enqueue_indirect_dma source(%arg7 : memref<128x64xf32, #tpu.memory_space<vmem>>) target(%dma_start3A_26 : memref<10112x64xf32, #tpu.memory_space<vmem_shared>>) offsets(%dma_start3A_23 : memref<128xi32, #tpu.memory_space<vmem>>) semaphore(%arg9 : memref<!tpu.dma_semaphore, #tpu.memory_space<semaphore_mem>>) {add = true}
      %add3A_27 = arith.constant 2 : i32
      %add3A_28 = arith.addi %add3A_11, %add3A_27 : i32
      %dma_start3A_29 = arith.constant 0 : i32
      %dma_start3A_30 = tpu.memref_slice %arg6[%add3A_28, %dma_start3A_29] : memref<80x128xi32, #tpu.memory_space<vmem>> -> memref<1x128xi32, #tpu.memory_space<vmem>>
      %dma_start3A_31 = tpu.memref_squeeze %dma_start3A_30 : memref<1x128xi32, #tpu.memory_space<vmem>> -> memref<128xi32, #tpu.memory_space<vmem>>
      %dma_start3A_32 = arith.constant 0 : i32
      %dma_start3A_33 = arith.constant 0 : i32
      %dma_start3A_34 = tpu.memref_slice %arg8[%dma_start3A_32, %dma_start3A_33] : memref<10112x64xf32, #tpu.memory_space<vmem_shared>> -> memref<10112x64xf32, #tpu.memory_space<vmem_shared>>
      tpu.enqueue_indirect_dma source(%arg7 : memref<128x64xf32, #tpu.memory_space<vmem>>) target(%dma_start3A_34 : memref<10112x64xf32, #tpu.memory_space<vmem_shared>>) offsets(%dma_start3A_31 : memref<128xi32, #tpu.memory_space<vmem>>) semaphore(%arg9 : memref<!tpu.dma_semaphore, #tpu.memory_space<semaphore_mem>>) {add = true}
      %add3A_35 = arith.constant 3 : i32
      %add3A_36 = arith.addi %add3A_11, %add3A_35 : i32
      %dma_start3A_37 = arith.constant 0 : i32
      %dma_start3A_38 = tpu.memref_slice %arg6[%add3A_36, %dma_start3A_37] : memref<80x128xi32, #tpu.memory_space<vmem>> -> memref<1x128xi32, #tpu.memory_space<vmem>>
      %dma_start3A_39 = tpu.memref_squeeze %dma_start3A_38 : memref<1x128xi32, #tpu.memory_space<vmem>> -> memref<128xi32, #tpu.memory_space<vmem>>
      %dma_start3A_40 = arith.constant 0 : i32
      %dma_start3A_41 = arith.constant 0 : i32
      %dma_start3A_42 = tpu.memref_slice %arg8[%dma_start3A_40, %dma_start3A_41] : memref<10112x64xf32, #tpu.memory_space<vmem_shared>> -> memref<10112x64xf32, #tpu.memory_space<vmem_shared>>
      tpu.enqueue_indirect_dma source(%arg7 : memref<128x64xf32, #tpu.memory_space<vmem>>) target(%dma_start3A_42 : memref<10112x64xf32, #tpu.memory_space<vmem_shared>>) offsets(%dma_start3A_39 : memref<128xi32, #tpu.memory_space<vmem>>) semaphore(%arg9 : memref<!tpu.dma_semaphore, #tpu.memory_space<semaphore_mem>>) {add = true}
      %add3A_43 = arith.constant 4 : i32
      %add3A_44 = arith.addi %add3A_11, %add3A_43 : i32
      %dma_start3A_45 = arith.constant 0 : i32
      %dma_start3A_46 = tpu.memref_slice %arg6[%add3A_44, %dma_start3A_45] : memref<80x128xi32, #tpu.memory_space<vmem>> -> memref<1x128xi32, #tpu.memory_space<vmem>>
      %dma_start3A_47 = tpu.memref_squeeze %dma_start3A_46 : memref<1x128xi32, #tpu.memory_space<vmem>> -> memref<128xi32, #tpu.memory_space<vmem>>
      %dma_start3A_48 = arith.constant 0 : i32
      %dma_start3A_49 = arith.constant 0 : i32
      %dma_start3A_50 = tpu.memref_slice %arg8[%dma_start3A_48, %dma_start3A_49] : memref<10112x64xf32, #tpu.memory_space<vmem_shared>> -> memref<10112x64xf32, #tpu.memory_space<vmem_shared>>
      tpu.enqueue_indirect_dma source(%arg7 : memref<128x64xf32, #tpu.memory_space<vmem>>) target(%dma_start3A_50 : memref<10112x64xf32, #tpu.memory_space<vmem_shared>>) offsets(%dma_start3A_47 : memref<128xi32, #tpu.memory_space<vmem>>) semaphore(%arg9 : memref<!tpu.dma_semaphore, #tpu.memory_space<semaphore_mem>>) {add = true}
      %add3A_51 = arith.constant 5 : i32
      %add3A_52 = arith.addi %add3A_11, %add3A_51 : i32
      %dma_start3A_53 = arith.constant 0 : i32
      %dma_start3A_54 = tpu.memref_slice %arg6[%add3A_52, %dma_start3A_53] : memref<80x128xi32, #tpu.memory_space<vmem>> -> memref<1x128xi32, #tpu.memory_space<vmem>>
      %dma_start3A_55 = tpu.memref_squeeze %dma_start3A_54 : memref<1x128xi32, #tpu.memory_space<vmem>> -> memref<128xi32, #tpu.memory_space<vmem>>
      %dma_start3A_56 = arith.constant 0 : i32
      %dma_start3A_57 = arith.constant 0 : i32
      %dma_start3A_58 = tpu.memref_slice %arg8[%dma_start3A_56, %dma_start3A_57] : memref<10112x64xf32, #tpu.memory_space<vmem_shared>> -> memref<10112x64xf32, #tpu.memory_space<vmem_shared>>
      tpu.enqueue_indirect_dma source(%arg7 : memref<128x64xf32, #tpu.memory_space<vmem>>) target(%dma_start3A_58 : memref<10112x64xf32, #tpu.memory_space<vmem_shared>>) offsets(%dma_start3A_55 : memref<128xi32, #tpu.memory_space<vmem>>) semaphore(%arg9 : memref<!tpu.dma_semaphore, #tpu.memory_space<semaphore_mem>>) {add = true}
      %add3A_59 = arith.constant 6 : i32
      %add3A_60 = arith.addi %add3A_11, %add3A_59 : i32
      %dma_start3A_61 = arith.constant 0 : i32
      %dma_start3A_62 = tpu.memref_slice %arg6[%add3A_60, %dma_start3A_61] : memref<80x128xi32, #tpu.memory_space<vmem>> -> memref<1x128xi32, #tpu.memory_space<vmem>>
      %dma_start3A_63 = tpu.memref_squeeze %dma_start3A_62 : memref<1x128xi32, #tpu.memory_space<vmem>> -> memref<128xi32, #tpu.memory_space<vmem>>
      %dma_start3A_64 = arith.constant 0 : i32
      %dma_start3A_65 = arith.constant 0 : i32
      %dma_start3A_66 = tpu.memref_slice %arg8[%dma_start3A_64, %dma_start3A_65] : memref<10112x64xf32, #tpu.memory_space<vmem_shared>> -> memref<10112x64xf32, #tpu.memory_space<vmem_shared>>
      tpu.enqueue_indirect_dma source(%arg7 : memref<128x64xf32, #tpu.memory_space<vmem>>) target(%dma_start3A_66 : memref<10112x64xf32, #tpu.memory_space<vmem_shared>>) offsets(%dma_start3A_63 : memref<128xi32, #tpu.memory_space<vmem>>) semaphore(%arg9 : memref<!tpu.dma_semaphore, #tpu.memory_space<semaphore_mem>>) {add = true}
      %add3A_67 = arith.constant 7 : i32
      %add3A_68 = arith.addi %add3A_11, %add3A_67 : i32
      %dma_start3A_69 = arith.constant 0 : i32
      %dma_start3A_70 = tpu.memref_slice %arg6[%add3A_68, %dma_start3A_69] : memref<80x128xi32, #tpu.memory_space<vmem>> -> memref<1x128xi32, #tpu.memory_space<vmem>>
      %dma_start3A_71 = tpu.memref_squeeze %dma_start3A_70 : memref<1x128xi32, #tpu.memory_space<vmem>> -> memref<128xi32, #tpu.memory_space<vmem>>
      %dma_start3A_72 = arith.constant 0 : i32
      %dma_start3A_73 = arith.constant 0 : i32
      %dma_start3A_74 = tpu.memref_slice %arg8[%dma_start3A_72, %dma_start3A_73] : memref<10112x64xf32, #tpu.memory_space<vmem_shared>> -> memref<10112x64xf32, #tpu.memory_space<vmem_shared>>
      tpu.enqueue_indirect_dma source(%arg7 : memref<128x64xf32, #tpu.memory_space<vmem>>) target(%dma_start3A_74 : memref<10112x64xf32, #tpu.memory_space<vmem_shared>>) offsets(%dma_start3A_71 : memref<128xi32, #tpu.memory_space<vmem>>) semaphore(%arg9 : memref<!tpu.dma_semaphore, #tpu.memory_space<semaphore_mem>>) {add = true}
      %add3A_75 = arith.constant 8 : i32
      %add3A_76 = arith.addi %add3A_11, %add3A_75 : i32
      %dma_start3A_77 = arith.constant 0 : i32
      %dma_start3A_78 = tpu.memref_slice %arg6[%add3A_76, %dma_start3A_77] : memref<80x128xi32, #tpu.memory_space<vmem>> -> memref<1x128xi32, #tpu.memory_space<vmem>>
      %dma_start3A_79 = tpu.memref_squeeze %dma_start3A_78 : memref<1x128xi32, #tpu.memory_space<vmem>> -> memref<128xi32, #tpu.memory_space<vmem>>
      %dma_start3A_80 = arith.constant 0 : i32
      %dma_start3A_81 = arith.constant 0 : i32
      %dma_start3A_82 = tpu.memref_slice %arg8[%dma_start3A_80, %dma_start3A_81] : memref<10112x64xf32, #tpu.memory_space<vmem_shared>> -> memref<10112x64xf32, #tpu.memory_space<vmem_shared>>
      tpu.enqueue_indirect_dma source(%arg7 : memref<128x64xf32, #tpu.memory_space<vmem>>) target(%dma_start3A_82 : memref<10112x64xf32, #tpu.memory_space<vmem_shared>>) offsets(%dma_start3A_79 : memref<128xi32, #tpu.memory_space<vmem>>) semaphore(%arg9 : memref<!tpu.dma_semaphore, #tpu.memory_space<semaphore_mem>>) {add = true}
      %add3A_83 = arith.constant 9 : i32
      %add3A_84 = arith.addi %add3A_11, %add3A_83 : i32
      %dma_start3A_85 = arith.constant 0 : i32
      %dma_start3A_86 = tpu.memref_slice %arg6[%add3A_84, %dma_start3A_85] : memref<80x128xi32, #tpu.memory_space<vmem>> -> memref<1x128xi32, #tpu.memory_space<vmem>>
      %dma_start3A_87 = tpu.memref_squeeze %dma_start3A_86 : memref<1x128xi32, #tpu.memory_space<vmem>> -> memref<128xi32, #tpu.memory_space<vmem>>
      %dma_start3A_88 = arith.constant 0 : i32
      %dma_start3A_89 = arith.constant 0 : i32
      %dma_start3A_90 = tpu.memref_slice %arg8[%dma_start3A_88, %dma_start3A_89] : memref<10112x64xf32, #tpu.memory_space<vmem_shared>> -> memref<10112x64xf32, #tpu.memory_space<vmem_shared>>
      tpu.enqueue_indirect_dma source(%arg7 : memref<128x64xf32, #tpu.memory_space<vmem>>) target(%dma_start3A_90 : memref<10112x64xf32, #tpu.memory_space<vmem_shared>>) offsets(%dma_start3A_87 : memref<128xi32, #tpu.memory_space<vmem>>) semaphore(%arg9 : memref<!tpu.dma_semaphore, #tpu.memory_space<semaphore_mem>>) {add = true}
      %add3A_91 = arith.constant 10 : i32
      %add3A_92 = arith.addi %add3A_11, %add3A_91 : i32
      %dma_start3A_93 = arith.constant 0 : i32
      %dma_start3A_94 = tpu.memref_slice %arg6[%add3A_92, %dma_start3A_93] : memref<80x128xi32, #tpu.memory_space<vmem>> -> memref<1x128xi32, #tpu.memory_space<vmem>>
      %dma_start3A_95 = tpu.memref_squeeze %dma_start3A_94 : memref<1x128xi32, #tpu.memory_space<vmem>> -> memref<128xi32, #tpu.memory_space<vmem>>
      %dma_start3A_96 = arith.constant 0 : i32
      %dma_start3A_97 = arith.constant 0 : i32
      %dma_start3A_98 = tpu.memref_slice %arg8[%dma_start3A_96, %dma_start3A_97] : memref<10112x64xf32, #tpu.memory_space<vmem_shared>> -> memref<10112x64xf32, #tpu.memory_space<vmem_shared>>
      tpu.enqueue_indirect_dma source(%arg7 : memref<128x64xf32, #tpu.memory_space<vmem>>) target(%dma_start3A_98 : memref<10112x64xf32, #tpu.memory_space<vmem_shared>>) offsets(%dma_start3A_95 : memref<128xi32, #tpu.memory_space<vmem>>) semaphore(%arg9 : memref<!tpu.dma_semaphore, #tpu.memory_space<semaphore_mem>>) {add = true}
      %add3A_99 = arith.constant 11 : i32
      %add3A_100 = arith.addi %add3A_11, %add3A_99 : i32
      %dma_start3A_101 = arith.constant 0 : i32
      %dma_start3A_102 = tpu.memref_slice %arg6[%add3A_100, %dma_start3A_101] : memref<80x128xi32, #tpu.memory_space<vmem>> -> memref<1x128xi32, #tpu.memory_space<vmem>>
      %dma_start3A_103 = tpu.memref_squeeze %dma_start3A_102 : memref<1x128xi32, #tpu.memory_space<vmem>> -> memref<128xi32, #tpu.memory_space<vmem>>
      %dma_start3A_104 = arith.constant 0 : i32
      %dma_start3A_105 = arith.constant 0 : i32
      %dma_start3A_106 = tpu.memref_slice %arg8[%dma_start3A_104, %dma_start3A_105] : memref<10112x64xf32, #tpu.memory_space<vmem_shared>> -> memref<10112x64xf32, #tpu.memory_space<vmem_shared>>
      tpu.enqueue_indirect_dma source(%arg7 : memref<128x64xf32, #tpu.memory_space<vmem>>) target(%dma_start3A_106 : memref<10112x64xf32, #tpu.memory_space<vmem_shared>>) offsets(%dma_start3A_103 : memref<128xi32, #tpu.memory_space<vmem>>) semaphore(%arg9 : memref<!tpu.dma_semaphore, #tpu.memory_space<semaphore_mem>>) {add = true}
      %add3A_107 = arith.constant 12 : i32
      %add3A_108 = arith.addi %add3A_11, %add3A_107 : i32
      %dma_start3A_109 = arith.constant 0 : i32
      %dma_start3A_110 = tpu.memref_slice %arg6[%add3A_108, %dma_start3A_109] : memref<80x128xi32, #tpu.memory_space<vmem>> -> memref<1x128xi32, #tpu.memory_space<vmem>>
      %dma_start3A_111 = tpu.memref_squeeze %dma_start3A_110 : memref<1x128xi32, #tpu.memory_space<vmem>> -> memref<128xi32, #tpu.memory_space<vmem>>
      %dma_start3A_112 = arith.constant 0 : i32
      %dma_start3A_113 = arith.constant 0 : i32
      %dma_start3A_114 = tpu.memref_slice %arg8[%dma_start3A_112, %dma_start3A_113] : memref<10112x64xf32, #tpu.memory_space<vmem_shared>> -> memref<10112x64xf32, #tpu.memory_space<vmem_shared>>
      tpu.enqueue_indirect_dma source(%arg7 : memref<128x64xf32, #tpu.memory_space<vmem>>) target(%dma_start3A_114 : memref<10112x64xf32, #tpu.memory_space<vmem_shared>>) offsets(%dma_start3A_111 : memref<128xi32, #tpu.memory_space<vmem>>) semaphore(%arg9 : memref<!tpu.dma_semaphore, #tpu.memory_space<semaphore_mem>>) {add = true}
      %add3A_115 = arith.constant 13 : i32
      %add3A_116 = arith.addi %add3A_11, %add3A_115 : i32
      %dma_start3A_117 = arith.constant 0 : i32
      %dma_start3A_118 = tpu.memref_slice %arg6[%add3A_116, %dma_start3A_117] : memref<80x128xi32, #tpu.memory_space<vmem>> -> memref<1x128xi32, #tpu.memory_space<vmem>>
      %dma_start3A_119 = tpu.memref_squeeze %dma_start3A_118 : memref<1x128xi32, #tpu.memory_space<vmem>> -> memref<128xi32, #tpu.memory_space<vmem>>
      %dma_start3A_120 = arith.constant 0 : i32
      %dma_start3A_121 = arith.constant 0 : i32
      %dma_start3A_122 = tpu.memref_slice %arg8[%dma_start3A_120, %dma_start3A_121] : memref<10112x64xf32, #tpu.memory_space<vmem_shared>> -> memref<10112x64xf32, #tpu.memory_space<vmem_shared>>
      tpu.enqueue_indirect_dma source(%arg7 : memref<128x64xf32, #tpu.memory_space<vmem>>) target(%dma_start3A_122 : memref<10112x64xf32, #tpu.memory_space<vmem_shared>>) offsets(%dma_start3A_119 : memref<128xi32, #tpu.memory_space<vmem>>) semaphore(%arg9 : memref<!tpu.dma_semaphore, #tpu.memory_space<semaphore_mem>>) {add = true}
      %add3A_123 = arith.constant 14 : i32
      %add3A_124 = arith.addi %add3A_11, %add3A_123 : i32
      %dma_start3A_125 = arith.constant 0 : i32
      %dma_start3A_126 = tpu.memref_slice %arg6[%add3A_124, %dma_start3A_125] : memref<80x128xi32, #tpu.memory_space<vmem>> -> memref<1x128xi32, #tpu.memory_space<vmem>>
      %dma_start3A_127 = tpu.memref_squeeze %dma_start3A_126 : memref<1x128xi32, #tpu.memory_space<vmem>> -> memref<128xi32, #tpu.memory_space<vmem>>
      %dma_start3A_128 = arith.constant 0 : i32
      %dma_start3A_129 = arith.constant 0 : i32
      %dma_start3A_130 = tpu.memref_slice %arg8[%dma_start3A_128, %dma_start3A_129] : memref<10112x64xf32, #tpu.memory_space<vmem_shared>> -> memref<10112x64xf32, #tpu.memory_space<vmem_shared>>
      tpu.enqueue_indirect_dma source(%arg7 : memref<128x64xf32, #tpu.memory_space<vmem>>) target(%dma_start3A_130 : memref<10112x64xf32, #tpu.memory_space<vmem_shared>>) offsets(%dma_start3A_127 : memref<128xi32, #tpu.memory_space<vmem>>) semaphore(%arg9 : memref<!tpu.dma_semaphore, #tpu.memory_space<semaphore_mem>>) {add = true}
      %add3A_131 = arith.constant 15 : i32
      %add3A_132 = arith.addi %add3A_11, %add3A_131 : i32
      %dma_start3A_133 = arith.constant 0 : i32
      %dma_start3A_134 = tpu.memref_slice %arg6[%add3A_132, %dma_start3A_133] : memref<80x128xi32, #tpu.memory_space<vmem>> -> memref<1x128xi32, #tpu.memory_space<vmem>>
      %dma_start3A_135 = tpu.memref_squeeze %dma_start3A_134 : memref<1x128xi32, #tpu.memory_space<vmem>> -> memref<128xi32, #tpu.memory_space<vmem>>
      %dma_start3A_136 = arith.constant 0 : i32
      %dma_start3A_137 = arith.constant 0 : i32
      %dma_start3A_138 = tpu.memref_slice %arg8[%dma_start3A_136, %dma_start3A_137] : memref<10112x64xf32, #tpu.memory_space<vmem_shared>> -> memref<10112x64xf32, #tpu.memory_space<vmem_shared>>
      tpu.enqueue_indirect_dma source(%arg7 : memref<128x64xf32, #tpu.memory_space<vmem>>) target(%dma_start3A_138 : memref<10112x64xf32, #tpu.memory_space<vmem_shared>>) offsets(%dma_start3A_135 : memref<128xi32, #tpu.memory_space<vmem>>) semaphore(%arg9 : memref<!tpu.dma_semaphore, #tpu.memory_space<semaphore_mem>>) {add = true}
      %dma_wait3A = arith.constant 0 : i32
      %dma_wait3A_139 = arith.constant 0 : i32
      %dma_wait3A_140 = tpu.memref_slice %arg4[%dma_wait3A, %dma_wait3A_139] : memref<632x64xf32, #tpu.memory_space<hbm>> -> memref<128x64xf32, #tpu.memory_space<hbm>>
      %dma_wait3A_141 = arith.constant 0 : i32
      %dma_wait3A_142 = arith.constant 0 : i32
      %dma_wait3A_143 = tpu.memref_slice %arg4[%dma_wait3A_141, %dma_wait3A_142] : memref<632x64xf32, #tpu.memory_space<hbm>> -> memref<128x64xf32, #tpu.memory_space<hbm>>
      tpu.wait_dma2 semaphore(%arg9 : memref<!tpu.dma_semaphore, #tpu.memory_space<semaphore_mem>>) src(%dma_wait3A_143 : memref<128x64xf32, #tpu.memory_space<hbm>>) dst(%arg7 : memref<128x64xf32, #tpu.memory_space<vmem>>)
      %dma_wait3A_144 = arith.constant 0 : i32
      %dma_wait3A_145 = arith.constant 0 : i32
      %dma_wait3A_146 = tpu.memref_slice %arg4[%dma_wait3A_144, %dma_wait3A_145] : memref<632x64xf32, #tpu.memory_space<hbm>> -> memref<128x64xf32, #tpu.memory_space<hbm>>
      %dma_wait3A_147 = arith.constant 0 : i32
      %dma_wait3A_148 = arith.constant 0 : i32
      %dma_wait3A_149 = tpu.memref_slice %arg4[%dma_wait3A_147, %dma_wait3A_148] : memref<632x64xf32, #tpu.memory_space<hbm>> -> memref<128x64xf32, #tpu.memory_space<hbm>>
      tpu.wait_dma2 semaphore(%arg9 : memref<!tpu.dma_semaphore, #tpu.memory_space<semaphore_mem>>) src(%dma_wait3A_149 : memref<128x64xf32, #tpu.memory_space<hbm>>) dst(%arg7 : memref<128x64xf32, #tpu.memory_space<vmem>>)
      %dma_wait3A_150 = arith.constant 0 : i32
      %dma_wait3A_151 = arith.constant 0 : i32
      %dma_wait3A_152 = tpu.memref_slice %arg4[%dma_wait3A_150, %dma_wait3A_151] : memref<632x64xf32, #tpu.memory_space<hbm>> -> memref<128x64xf32, #tpu.memory_space<hbm>>
      %dma_wait3A_153 = arith.constant 0 : i32
      %dma_wait3A_154 = arith.constant 0 : i32
      %dma_wait3A_155 = tpu.memref_slice %arg4[%dma_wait3A_153, %dma_wait3A_154] : memref<632x64xf32, #tpu.memory_space<hbm>> -> memref<128x64xf32, #tpu.memory_space<hbm>>
      tpu.wait_dma2 semaphore(%arg9 : memref<!tpu.dma_semaphore, #tpu.memory_space<semaphore_mem>>) src(%dma_wait3A_155 : memref<128x64xf32, #tpu.memory_space<hbm>>) dst(%arg7 : memref<128x64xf32, #tpu.memory_space<vmem>>)
      %dma_wait3A_156 = arith.constant 0 : i32
      %dma_wait3A_157 = arith.constant 0 : i32
      %dma_wait3A_158 = tpu.memref_slice %arg4[%dma_wait3A_156, %dma_wait3A_157] : memref<632x64xf32, #tpu.memory_space<hbm>> -> memref<128x64xf32, #tpu.memory_space<hbm>>
      %dma_wait3A_159 = arith.constant 0 : i32
      %dma_wait3A_160 = arith.constant 0 : i32
      %dma_wait3A_161 = tpu.memref_slice %arg4[%dma_wait3A_159, %dma_wait3A_160] : memref<632x64xf32, #tpu.memory_space<hbm>> -> memref<128x64xf32, #tpu.memory_space<hbm>>
      tpu.wait_dma2 semaphore(%arg9 : memref<!tpu.dma_semaphore, #tpu.memory_space<semaphore_mem>>) src(%dma_wait3A_161 : memref<128x64xf32, #tpu.memory_space<hbm>>) dst(%arg7 : memref<128x64xf32, #tpu.memory_space<vmem>>)
      %dma_wait3A_162 = arith.constant 0 : i32
      %dma_wait3A_163 = arith.constant 0 : i32
      %dma_wait3A_164 = tpu.memref_slice %arg4[%dma_wait3A_162, %dma_wait3A_163] : memref<632x64xf32, #tpu.memory_space<hbm>> -> memref<128x64xf32, #tpu.memory_space<hbm>>
      %dma_wait3A_165 = arith.constant 0 : i32
      %dma_wait3A_166 = arith.constant 0 : i32
      %dma_wait3A_167 = tpu.memref_slice %arg4[%dma_wait3A_165, %dma_wait3A_166] : memref<632x64xf32, #tpu.memory_space<hbm>> -> memref<128x64xf32, #tpu.memory_space<hbm>>
      tpu.wait_dma2 semaphore(%arg9 : memref<!tpu.dma_semaphore, #tpu.memory_space<semaphore_mem>>) src(%dma_wait3A_167 : memref<128x64xf32, #tpu.memory_space<hbm>>) dst(%arg7 : memref<128x64xf32, #tpu.memory_space<vmem>>)
      %dma_wait3A_168 = arith.constant 0 : i32
      %dma_wait3A_169 = arith.constant 0 : i32
      %dma_wait3A_170 = tpu.memref_slice %arg4[%dma_wait3A_168, %dma_wait3A_169] : memref<632x64xf32, #tpu.memory_space<hbm>> -> memref<128x64xf32, #tpu.memory_space<hbm>>
      %dma_wait3A_171 = arith.constant 0 : i32
      %dma_wait3A_172 = arith.constant 0 : i32
      %dma_wait3A_173 = tpu.memref_slice %arg4[%dma_wait3A_171, %dma_wait3A_172] : memref<632x64xf32, #tpu.memory_space<hbm>> -> memref<128x64xf32, #tpu.memory_space<hbm>>
      tpu.wait_dma2 semaphore(%arg9 : memref<!tpu.dma_semaphore, #tpu.memory_space<semaphore_mem>>) src(%dma_wait3A_173 : memref<128x64xf32, #tpu.memory_space<hbm>>) dst(%arg7 : memref<128x64xf32, #tpu.memory_space<vmem>>)
      %dma_wait3A_174 = arith.constant 0 : i32
      %dma_wait3A_175 = arith.constant 0 : i32
      %dma_wait3A_176 = tpu.memref_slice %arg4[%dma_wait3A_174, %dma_wait3A_175] : memref<632x64xf32, #tpu.memory_space<hbm>> -> memref<128x64xf32, #tpu.memory_space<hbm>>
      %dma_wait3A_177 = arith.constant 0 : i32
      %dma_wait3A_178 = arith.constant 0 : i32
      %dma_wait3A_179 = tpu.memref_slice %arg4[%dma_wait3A_177, %dma_wait3A_178] : memref<632x64xf32, #tpu.memory_space<hbm>> -> memref<128x64xf32, #tpu.memory_space<hbm>>
      tpu.wait_dma2 semaphore(%arg9 : memref<!tpu.dma_semaphore, #tpu.memory_space<semaphore_mem>>) src(%dma_wait3A_179 : memref<128x64xf32, #tpu.memory_space<hbm>>) dst(%arg7 : memref<128x64xf32, #tpu.memory_space<vmem>>)
      %dma_wait3A_180 = arith.constant 0 : i32
      %dma_wait3A_181 = arith.constant 0 : i32
      %dma_wait3A_182 = tpu.memref_slice %arg4[%dma_wait3A_180, %dma_wait3A_181] : memref<632x64xf32, #tpu.memory_space<hbm>> -> memref<128x64xf32, #tpu.memory_space<hbm>>
      %dma_wait3A_183 = arith.constant 0 : i32
      %dma_wait3A_184 = arith.constant 0 : i32
      %dma_wait3A_185 = tpu.memref_slice %arg4[%dma_wait3A_183, %dma_wait3A_184] : memref<632x64xf32, #tpu.memory_space<hbm>> -> memref<128x64xf32, #tpu.memory_space<hbm>>
      tpu.wait_dma2 semaphore(%arg9 : memref<!tpu.dma_semaphore, #tpu.memory_space<semaphore_mem>>) src(%dma_wait3A_185 : memref<128x64xf32, #tpu.memory_space<hbm>>) dst(%arg7 : memref<128x64xf32, #tpu.memory_space<vmem>>)
      %dma_wait3A_186 = arith.constant 0 : i32
      %dma_wait3A_187 = arith.constant 0 : i32
      %dma_wait3A_188 = tpu.memref_slice %arg4[%dma_wait3A_186, %dma_wait3A_187] : memref<632x64xf32, #tpu.memory_space<hbm>> -> memref<128x64xf32, #tpu.memory_space<hbm>>
      %dma_wait3A_189 = arith.constant 0 : i32
      %dma_wait3A_190 = arith.constant 0 : i32
      %dma_wait3A_191 = tpu.memref_slice %arg4[%dma_wait3A_189, %dma_wait3A_190] : memref<632x64xf32, #tpu.memory_space<hbm>> -> memref<128x64xf32, #tpu.memory_space<hbm>>
      tpu.wait_dma2 semaphore(%arg9 : memref<!tpu.dma_semaphore, #tpu.memory_space<semaphore_mem>>) src(%dma_wait3A_191 : memref<128x64xf32, #tpu.memory_space<hbm>>) dst(%arg7 : memref<128x64xf32, #tpu.memory_space<vmem>>)
      %dma_wait3A_192 = arith.constant 0 : i32
      %dma_wait3A_193 = arith.constant 0 : i32
      %dma_wait3A_194 = tpu.memref_slice %arg4[%dma_wait3A_192, %dma_wait3A_193] : memref<632x64xf32, #tpu.memory_space<hbm>> -> memref<128x64xf32, #tpu.memory_space<hbm>>
      %dma_wait3A_195 = arith.constant 0 : i32
      %dma_wait3A_196 = arith.constant 0 : i32
      %dma_wait3A_197 = tpu.memref_slice %arg4[%dma_wait3A_195, %dma_wait3A_196] : memref<632x64xf32, #tpu.memory_space<hbm>> -> memref<128x64xf32, #tpu.memory_space<hbm>>
      tpu.wait_dma2 semaphore(%arg9 : memref<!tpu.dma_semaphore, #tpu.memory_space<semaphore_mem>>) src(%dma_wait3A_197 : memref<128x64xf32, #tpu.memory_space<hbm>>) dst(%arg7 : memref<128x64xf32, #tpu.memory_space<vmem>>)
      %dma_wait3A_198 = arith.constant 0 : i32
      %dma_wait3A_199 = arith.constant 0 : i32
      %dma_wait3A_200 = tpu.memref_slice %arg4[%dma_wait3A_198, %dma_wait3A_199] : memref<632x64xf32, #tpu.memory_space<hbm>> -> memref<128x64xf32, #tpu.memory_space<hbm>>
      %dma_wait3A_201 = arith.constant 0 : i32
      %dma_wait3A_202 = arith.constant 0 : i32
      %dma_wait3A_203 = tpu.memref_slice %arg4[%dma_wait3A_201, %dma_wait3A_202] : memref<632x64xf32, #tpu.memory_space<hbm>> -> memref<128x64xf32, #tpu.memory_space<hbm>>
      tpu.wait_dma2 semaphore(%arg9 : memref<!tpu.dma_semaphore, #tpu.memory_space<semaphore_mem>>) src(%dma_wait3A_203 : memref<128x64xf32, #tpu.memory_space<hbm>>) dst(%arg7 : memref<128x64xf32, #tpu.memory_space<vmem>>)
      %dma_wait3A_204 = arith.constant 0 : i32
      %dma_wait3A_205 = arith.constant 0 : i32
      %dma_wait3A_206 = tpu.memref_slice %arg4[%dma_wait3A_204, %dma_wait3A_205] : memref<632x64xf32, #tpu.memory_space<hbm>> -> memref<128x64xf32, #tpu.memory_space<hbm>>
      %dma_wait3A_207 = arith.constant 0 : i32
      %dma_wait3A_208 = arith.constant 0 : i32
      %dma_wait3A_209 = tpu.memref_slice %arg4[%dma_wait3A_207, %dma_wait3A_208] : memref<632x64xf32, #tpu.memory_space<hbm>> -> memref<128x64xf32, #tpu.memory_space<hbm>>
      tpu.wait_dma2 semaphore(%arg9 : memref<!tpu.dma_semaphore, #tpu.memory_space<semaphore_mem>>) src(%dma_wait3A_209 : memref<128x64xf32, #tpu.memory_space<hbm>>) dst(%arg7 : memref<128x64xf32, #tpu.memory_space<vmem>>)
      %dma_wait3A_210 = arith.constant 0 : i32
      %dma_wait3A_211 = arith.constant 0 : i32
      %dma_wait3A_212 = tpu.memref_slice %arg4[%dma_wait3A_210, %dma_wait3A_211] : memref<632x64xf32, #tpu.memory_space<hbm>> -> memref<128x64xf32, #tpu.memory_space<hbm>>
      %dma_wait3A_213 = arith.constant 0 : i32
      %dma_wait3A_214 = arith.constant 0 : i32
      %dma_wait3A_215 = tpu.memref_slice %arg4[%dma_wait3A_213, %dma_wait3A_214] : memref<632x64xf32, #tpu.memory_space<hbm>> -> memref<128x64xf32, #tpu.memory_space<hbm>>
      tpu.wait_dma2 semaphore(%arg9 : memref<!tpu.dma_semaphore, #tpu.memory_space<semaphore_mem>>) src(%dma_wait3A_215 : memref<128x64xf32, #tpu.memory_space<hbm>>) dst(%arg7 : memref<128x64xf32, #tpu.memory_space<vmem>>)
      %dma_wait3A_216 = arith.constant 0 : i32
      %dma_wait3A_217 = arith.constant 0 : i32
      %dma_wait3A_218 = tpu.memref_slice %arg4[%dma_wait3A_216, %dma_wait3A_217] : memref<632x64xf32, #tpu.memory_space<hbm>> -> memref<128x64xf32, #tpu.memory_space<hbm>>
      %dma_wait3A_219 = arith.constant 0 : i32
      %dma_wait3A_220 = arith.constant 0 : i32
      %dma_wait3A_221 = tpu.memref_slice %arg4[%dma_wait3A_219, %dma_wait3A_220] : memref<632x64xf32, #tpu.memory_space<hbm>> -> memref<128x64xf32, #tpu.memory_space<hbm>>
      tpu.wait_dma2 semaphore(%arg9 : memref<!tpu.dma_semaphore, #tpu.memory_space<semaphore_mem>>) src(%dma_wait3A_221 : memref<128x64xf32, #tpu.memory_space<hbm>>) dst(%arg7 : memref<128x64xf32, #tpu.memory_space<vmem>>)
      %dma_wait3A_222 = arith.constant 0 : i32
      %dma_wait3A_223 = arith.constant 0 : i32
      %dma_wait3A_224 = tpu.memref_slice %arg4[%dma_wait3A_222, %dma_wait3A_223] : memref<632x64xf32, #tpu.memory_space<hbm>> -> memref<128x64xf32, #tpu.memory_space<hbm>>
      %dma_wait3A_225 = arith.constant 0 : i32
      %dma_wait3A_226 = arith.constant 0 : i32
      %dma_wait3A_227 = tpu.memref_slice %arg4[%dma_wait3A_225, %dma_wait3A_226] : memref<632x64xf32, #tpu.memory_space<hbm>> -> memref<128x64xf32, #tpu.memory_space<hbm>>
      tpu.wait_dma2 semaphore(%arg9 : memref<!tpu.dma_semaphore, #tpu.memory_space<semaphore_mem>>) src(%dma_wait3A_227 : memref<128x64xf32, #tpu.memory_space<hbm>>) dst(%arg7 : memref<128x64xf32, #tpu.memory_space<vmem>>)
      %dma_wait3A_228 = arith.constant 0 : i32
      %dma_wait3A_229 = arith.constant 0 : i32
      %dma_wait3A_230 = tpu.memref_slice %arg4[%dma_wait3A_228, %dma_wait3A_229] : memref<632x64xf32, #tpu.memory_space<hbm>> -> memref<128x64xf32, #tpu.memory_space<hbm>>
      %dma_wait3A_231 = arith.constant 0 : i32
      %dma_wait3A_232 = arith.constant 0 : i32
      %dma_wait3A_233 = tpu.memref_slice %arg4[%dma_wait3A_231, %dma_wait3A_232] : memref<632x64xf32, #tpu.memory_space<hbm>> -> memref<128x64xf32, #tpu.memory_space<hbm>>
      tpu.wait_dma2 semaphore(%arg9 : memref<!tpu.dma_semaphore, #tpu.memory_space<semaphore_mem>>) src(%dma_wait3A_233 : memref<128x64xf32, #tpu.memory_space<hbm>>) dst(%arg7 : memref<128x64xf32, #tpu.memory_space<vmem>>)
    }
    %scan3A_6 = arith.constant 5 : i32
    %barrier3A_7 = arith.constant 0 : index
    tpu.barrier barrier_id(%barrier3A_7)
    "tpu.region"() ({
      %run_scoped3A = tpu.sem_alloc : memref<!tpu.dma_semaphore, #tpu.memory_space<semaphore_mem>>
      %dma_start3A = arith.constant 0 : i32
      %dma_start3A_8 = arith.constant 0 : i32
      %dma_start3A_9 = tpu.memref_slice %arg5[%arg0, %dma_start3A, %dma_start3A_8] : memref<2x10112x64xf32, #tpu.memory_space<hbm>> -> memref<1x10112x64xf32, #tpu.memory_space<hbm>>
      %dma_start3A_10 = tpu.memref_squeeze %dma_start3A_9 : memref<1x10112x64xf32, #tpu.memory_space<hbm>> -> memref<10112x64xf32, #tpu.memory_space<hbm>>
      %dma_start3A_11 = arith.constant 0 : i32
      %dma_start3A_12 = tpu.memref_slice %dma_start3A_10[%mul3A_2, %dma_start3A_11] : memref<10112x64xf32, #tpu.memory_space<hbm>> -> memref<632x64xf32, #tpu.memory_space<hbm>>
      %dma_start3A_13 = arith.constant 0 : i32
      %dma_start3A_14 = tpu.memref_slice %arg8[%mul3A_2, %dma_start3A_13] : memref<10112x64xf32, #tpu.memory_space<vmem_shared>> -> memref<632x64xf32, #tpu.memory_space<vmem_shared>>
      tpu.enqueue_dma source(%dma_start3A_14 : memref<632x64xf32, #tpu.memory_space<vmem_shared>>) target(%dma_start3A_12 : memref<632x64xf32, #tpu.memory_space<hbm>>) target_semaphore(%run_scoped3A : memref<!tpu.dma_semaphore, #tpu.memory_space<semaphore_mem>>)
      %dma_wait3A = arith.constant 0 : i32
      %dma_wait3A_15 = arith.constant 0 : i32
      %dma_wait3A_16 = tpu.memref_slice %arg5[%arg0, %dma_wait3A, %dma_wait3A_15] : memref<2x10112x64xf32, #tpu.memory_space<hbm>> -> memref<1x10112x64xf32, #tpu.memory_space<hbm>>
      %dma_wait3A_17 = tpu.memref_squeeze %dma_wait3A_16 : memref<1x10112x64xf32, #tpu.memory_space<hbm>> -> memref<10112x64xf32, #tpu.memory_space<hbm>>
      %dma_wait3A_18 = arith.constant 0 : i32
      %dma_wait3A_19 = tpu.memref_slice %dma_wait3A_17[%mul3A_2, %dma_wait3A_18] : memref<10112x64xf32, #tpu.memory_space<hbm>> -> memref<632x64xf32, #tpu.memory_space<hbm>>
      %dma_wait3A_20 = arith.constant 0 : i32
      %dma_wait3A_21 = tpu.memref_slice %arg8[%mul3A_2, %dma_wait3A_20] : memref<10112x64xf32, #tpu.memory_space<vmem_shared>> -> memref<632x64xf32, #tpu.memory_space<vmem_shared>>
      tpu.wait_dma2 semaphore(%run_scoped3A : memref<!tpu.dma_semaphore, #tpu.memory_space<semaphore_mem>>) src(%dma_wait3A_21 : memref<632x64xf32, #tpu.memory_space<vmem_shared>>) dst(%dma_wait3A_19 : memref<632x64xf32, #tpu.memory_space<hbm>>)
      tpu.yield
    }) : () -> ()
    return
  }
}

#map = affine_map<(d0, d1) -> (0, 0, 0)>
#map1 = affine_map<(d0, d1) -> (0, 0)>
module attributes {stable_mosaic.version = 14 : i64} {
  func.func @k(%arg0: i32, %arg1: i32, %arg2: memref<2x10112x64xf32, #tpu.memory_space<hbm>>, %arg3: memref<16x160x128xi32, #tpu.memory_space<hbm>>, %arg4: memref<16x160x128xi32, #tpu.memory_space<hbm>>, %arg5: memref<632x64xf32, #tpu.memory_space<hbm>>, %arg6: memref<2x10112x64xf32, #tpu.memory_space<hbm>>, %arg7: memref<160x128xi32, #tpu.memory_space<vmem>>, %arg8: memref<160x128xi32, #tpu.memory_space<vmem>>, %arg9: memref<128x64xf32, #tpu.memory_space<vmem>>, %arg10: memref<128x64xf32, #tpu.memory_space<vmem>>, %arg11: memref<128x64xf32, #tpu.memory_space<vmem>>, %arg12: memref<128x64xf32, #tpu.memory_space<vmem>>, %arg13: memref<128x64xf32, #tpu.memory_space<vmem>>, %arg14: memref<10112x64xf32, #tpu.memory_space<vmem_shared>>, %arg15: memref<!tpu.dma_semaphore, #tpu.memory_space<semaphore_mem>>, %arg16: memref<!tpu.dma_semaphore, #tpu.memory_space<semaphore_mem>>, %arg17: memref<!tpu.dma_semaphore, #tpu.memory_space<semaphore_mem>>, %arg18: memref<!tpu.dma_semaphore, #tpu.memory_space<semaphore_mem>>, %arg19: memref<!tpu.dma_semaphore, #tpu.memory_space<semaphore_mem>>, %arg20: memref<!tpu.dma_semaphore, #tpu.memory_space<semaphore_mem>>, %arg21: memref<!tpu.dma_semaphore, #tpu.memory_space<semaphore_mem>>, %arg22: memref<!tpu.dma_semaphore, #tpu.memory_space<semaphore_mem>>, %arg23: memref<!tpu.dma_semaphore, #tpu.memory_space<semaphore_mem>>, %arg24: memref<!tpu.dma_semaphore, #tpu.memory_space<semaphore_mem>>) attributes {dimension_semantics = [#tpu.dimension_semantics<core_parallel>, #tpu.dimension_semantics<subcore_parallel>], iteration_bounds = array<i64: 2, 16>, scalar_prefetch = 0 : i64, scratch_operands = 18 : i64, tpu.core_type = #tpu.core_type<sc_vector_subcore>, window_params = [{transform_indices = #map}, {transform_indices = #map}, {transform_indices = #map}, {transform_indices = #map1}, {transform_indices = #map}]} {
    "tpu.region"() ({
      %run_scoped3A = tpu.sem_alloc : memref<!tpu.dma_semaphore, #tpu.memory_space<semaphore_mem>>
      %dma_start3A_154 = arith.constant 0 : i32
      %dma_start3A_155 = arith.constant 0 : i32
      %dma_start3A_156 = tpu.memref_slice %arg3[%arg1, %dma_start3A_154, %dma_start3A_155] : memref<16x160x128xi32, #tpu.memory_space<hbm>> -> memref<1x160x128xi32, #tpu.memory_space<hbm>>
      %dma_start3A_157 = tpu.memref_squeeze %dma_start3A_156 : memref<1x160x128xi32, #tpu.memory_space<hbm>> -> memref<160x128xi32, #tpu.memory_space<hbm>>
      %dma_start3A_158 = arith.constant 0 : i32
      %dma_start3A_159 = arith.constant 0 : i32
      %dma_start3A_160 = tpu.memref_slice %arg3[%arg1, %dma_start3A_158, %dma_start3A_159] : memref<16x160x128xi32, #tpu.memory_space<hbm>> -> memref<1x160x128xi32, #tpu.memory_space<hbm>>
      %dma_start3A_161 = tpu.memref_squeeze %dma_start3A_160 : memref<1x160x128xi32, #tpu.memory_space<hbm>> -> memref<160x128xi32, #tpu.memory_space<hbm>>
      tpu.enqueue_dma source(%dma_start3A_161 : memref<160x128xi32, #tpu.memory_space<hbm>>) target(%arg7 : memref<160x128xi32, #tpu.memory_space<vmem>>) target_semaphore(%run_scoped3A : memref<!tpu.dma_semaphore, #tpu.memory_space<semaphore_mem>>)
      %dma_wait3A_162 = arith.constant 0 : i32
      %dma_wait3A_163 = arith.constant 0 : i32
      %dma_wait3A_164 = tpu.memref_slice %arg3[%arg1, %dma_wait3A_162, %dma_wait3A_163] : memref<16x160x128xi32, #tpu.memory_space<hbm>> -> memref<1x160x128xi32, #tpu.memory_space<hbm>>
      %dma_wait3A_165 = tpu.memref_squeeze %dma_wait3A_164 : memref<1x160x128xi32, #tpu.memory_space<hbm>> -> memref<160x128xi32, #tpu.memory_space<hbm>>
      %dma_wait3A_166 = arith.constant 0 : i32
      %dma_wait3A_167 = arith.constant 0 : i32
      %dma_wait3A_168 = tpu.memref_slice %arg3[%arg1, %dma_wait3A_166, %dma_wait3A_167] : memref<16x160x128xi32, #tpu.memory_space<hbm>> -> memref<1x160x128xi32, #tpu.memory_space<hbm>>
      %dma_wait3A_169 = tpu.memref_squeeze %dma_wait3A_168 : memref<1x160x128xi32, #tpu.memory_space<hbm>> -> memref<160x128xi32, #tpu.memory_space<hbm>>
      tpu.wait_dma2 semaphore(%run_scoped3A : memref<!tpu.dma_semaphore, #tpu.memory_space<semaphore_mem>>) src(%dma_wait3A_169 : memref<160x128xi32, #tpu.memory_space<hbm>>) dst(%arg7 : memref<160x128xi32, #tpu.memory_space<vmem>>)
      tpu.yield
    }) : () -> ()
    %dma_start3A = arith.constant 0 : i32
    %dma_start3A_0 = arith.constant 0 : i32
    %dma_start3A_1 = tpu.memref_slice %arg7[%dma_start3A, %dma_start3A_0] : memref<160x128xi32, #tpu.memory_space<vmem>> -> memref<1x128xi32, #tpu.memory_space<vmem>>
    %dma_start3A_2 = tpu.memref_squeeze %dma_start3A_1 : memref<1x128xi32, #tpu.memory_space<vmem>> -> memref<128xi32, #tpu.memory_space<vmem>>
    %dma_start3A_3 = arith.constant 0 : i32
    %dma_start3A_4 = arith.constant 0 : i32
    %dma_start3A_5 = tpu.memref_slice %arg2[%arg0, %dma_start3A_3, %dma_start3A_4] : memref<2x10112x64xf32, #tpu.memory_space<hbm>> -> memref<1x10112x64xf32, #tpu.memory_space<hbm>>
    %dma_start3A_6 = tpu.memref_squeeze %dma_start3A_5 : memref<1x10112x64xf32, #tpu.memory_space<hbm>> -> memref<10112x64xf32, #tpu.memory_space<hbm>>
    %dma_start3A_7 = arith.constant 0 : i32
    %dma_start3A_8 = arith.constant 0 : i32
    %dma_start3A_9 = tpu.memref_slice %dma_start3A_6[%dma_start3A_7, %dma_start3A_8] : memref<10112x64xf32, #tpu.memory_space<hbm>> -> memref<10112x64xf32, #tpu.memory_space<hbm>>
    tpu.enqueue_indirect_dma source(%dma_start3A_9 : memref<10112x64xf32, #tpu.memory_space<hbm>>) target(%arg9 : memref<128x64xf32, #tpu.memory_space<vmem>>) offsets(%dma_start3A_2 : memref<128xi32, #tpu.memory_space<vmem>>) semaphore(%arg15 : memref<!tpu.dma_semaphore, #tpu.memory_space<semaphore_mem>>)
    %dma_start3A_10 = arith.constant 1 : i32
    %dma_start3A_11 = arith.constant 0 : i32
    %dma_start3A_12 = tpu.memref_slice %arg7[%dma_start3A_10, %dma_start3A_11] : memref<160x128xi32, #tpu.memory_space<vmem>> -> memref<1x128xi32, #tpu.memory_space<vmem>>
    %dma_start3A_13 = tpu.memref_squeeze %dma_start3A_12 : memref<1x128xi32, #tpu.memory_space<vmem>> -> memref<128xi32, #tpu.memory_space<vmem>>
    %dma_start3A_14 = arith.constant 0 : i32
    %dma_start3A_15 = arith.constant 0 : i32
    %dma_start3A_16 = tpu.memref_slice %arg2[%arg0, %dma_start3A_14, %dma_start3A_15] : memref<2x10112x64xf32, #tpu.memory_space<hbm>> -> memref<1x10112x64xf32, #tpu.memory_space<hbm>>
    %dma_start3A_17 = tpu.memref_squeeze %dma_start3A_16 : memref<1x10112x64xf32, #tpu.memory_space<hbm>> -> memref<10112x64xf32, #tpu.memory_space<hbm>>
    %dma_start3A_18 = arith.constant 0 : i32
    %dma_start3A_19 = arith.constant 0 : i32
    %dma_start3A_20 = tpu.memref_slice %dma_start3A_17[%dma_start3A_18, %dma_start3A_19] : memref<10112x64xf32, #tpu.memory_space<hbm>> -> memref<10112x64xf32, #tpu.memory_space<hbm>>
    tpu.enqueue_indirect_dma source(%dma_start3A_20 : memref<10112x64xf32, #tpu.memory_space<hbm>>) target(%arg10 : memref<128x64xf32, #tpu.memory_space<vmem>>) offsets(%dma_start3A_13 : memref<128xi32, #tpu.memory_space<vmem>>) semaphore(%arg16 : memref<!tpu.dma_semaphore, #tpu.memory_space<semaphore_mem>>)
    %dma_start3A_21 = arith.constant 2 : i32
    %dma_start3A_22 = arith.constant 0 : i32
    %dma_start3A_23 = tpu.memref_slice %arg7[%dma_start3A_21, %dma_start3A_22] : memref<160x128xi32, #tpu.memory_space<vmem>> -> memref<1x128xi32, #tpu.memory_space<vmem>>
    %dma_start3A_24 = tpu.memref_squeeze %dma_start3A_23 : memref<1x128xi32, #tpu.memory_space<vmem>> -> memref<128xi32, #tpu.memory_space<vmem>>
    %dma_start3A_25 = arith.constant 0 : i32
    %dma_start3A_26 = arith.constant 0 : i32
    %dma_start3A_27 = tpu.memref_slice %arg2[%arg0, %dma_start3A_25, %dma_start3A_26] : memref<2x10112x64xf32, #tpu.memory_space<hbm>> -> memref<1x10112x64xf32, #tpu.memory_space<hbm>>
    %dma_start3A_28 = tpu.memref_squeeze %dma_start3A_27 : memref<1x10112x64xf32, #tpu.memory_space<hbm>> -> memref<10112x64xf32, #tpu.memory_space<hbm>>
    %dma_start3A_29 = arith.constant 0 : i32
    %dma_start3A_30 = arith.constant 0 : i32
    %dma_start3A_31 = tpu.memref_slice %dma_start3A_28[%dma_start3A_29, %dma_start3A_30] : memref<10112x64xf32, #tpu.memory_space<hbm>> -> memref<10112x64xf32, #tpu.memory_space<hbm>>
    tpu.enqueue_indirect_dma source(%dma_start3A_31 : memref<10112x64xf32, #tpu.memory_space<hbm>>) target(%arg11 : memref<128x64xf32, #tpu.memory_space<vmem>>) offsets(%dma_start3A_24 : memref<128xi32, #tpu.memory_space<vmem>>) semaphore(%arg17 : memref<!tpu.dma_semaphore, #tpu.memory_space<semaphore_mem>>)
    %dma_start3A_32 = arith.constant 3 : i32
    %dma_start3A_33 = arith.constant 0 : i32
    %dma_start3A_34 = tpu.memref_slice %arg7[%dma_start3A_32, %dma_start3A_33] : memref<160x128xi32, #tpu.memory_space<vmem>> -> memref<1x128xi32, #tpu.memory_space<vmem>>
    %dma_start3A_35 = tpu.memref_squeeze %dma_start3A_34 : memref<1x128xi32, #tpu.memory_space<vmem>> -> memref<128xi32, #tpu.memory_space<vmem>>
    %dma_start3A_36 = arith.constant 0 : i32
    %dma_start3A_37 = arith.constant 0 : i32
    %dma_start3A_38 = tpu.memref_slice %arg2[%arg0, %dma_start3A_36, %dma_start3A_37] : memref<2x10112x64xf32, #tpu.memory_space<hbm>> -> memref<1x10112x64xf32, #tpu.memory_space<hbm>>
    %dma_start3A_39 = tpu.memref_squeeze %dma_start3A_38 : memref<1x10112x64xf32, #tpu.memory_space<hbm>> -> memref<10112x64xf32, #tpu.memory_space<hbm>>
    %dma_start3A_40 = arith.constant 0 : i32
    %dma_start3A_41 = arith.constant 0 : i32
    %dma_start3A_42 = tpu.memref_slice %dma_start3A_39[%dma_start3A_40, %dma_start3A_41] : memref<10112x64xf32, #tpu.memory_space<hbm>> -> memref<10112x64xf32, #tpu.memory_space<hbm>>
    tpu.enqueue_indirect_dma source(%dma_start3A_42 : memref<10112x64xf32, #tpu.memory_space<hbm>>) target(%arg12 : memref<128x64xf32, #tpu.memory_space<vmem>>) offsets(%dma_start3A_35 : memref<128xi32, #tpu.memory_space<vmem>>) semaphore(%arg18 : memref<!tpu.dma_semaphore, #tpu.memory_space<semaphore_mem>>)
    %dma_start3A_43 = arith.constant 4 : i32
    %dma_start3A_44 = arith.constant 0 : i32
    %dma_start3A_45 = tpu.memref_slice %arg7[%dma_start3A_43, %dma_start3A_44] : memref<160x128xi32, #tpu.memory_space<vmem>> -> memref<1x128xi32, #tpu.memory_space<vmem>>
    %dma_start3A_46 = tpu.memref_squeeze %dma_start3A_45 : memref<1x128xi32, #tpu.memory_space<vmem>> -> memref<128xi32, #tpu.memory_space<vmem>>
    %dma_start3A_47 = arith.constant 0 : i32
    %dma_start3A_48 = arith.constant 0 : i32
    %dma_start3A_49 = tpu.memref_slice %arg2[%arg0, %dma_start3A_47, %dma_start3A_48] : memref<2x10112x64xf32, #tpu.memory_space<hbm>> -> memref<1x10112x64xf32, #tpu.memory_space<hbm>>
    %dma_start3A_50 = tpu.memref_squeeze %dma_start3A_49 : memref<1x10112x64xf32, #tpu.memory_space<hbm>> -> memref<10112x64xf32, #tpu.memory_space<hbm>>
    %dma_start3A_51 = arith.constant 0 : i32
    %dma_start3A_52 = arith.constant 0 : i32
    %dma_start3A_53 = tpu.memref_slice %dma_start3A_50[%dma_start3A_51, %dma_start3A_52] : memref<10112x64xf32, #tpu.memory_space<hbm>> -> memref<10112x64xf32, #tpu.memory_space<hbm>>
    tpu.enqueue_indirect_dma source(%dma_start3A_53 : memref<10112x64xf32, #tpu.memory_space<hbm>>) target(%arg13 : memref<128x64xf32, #tpu.memory_space<vmem>>) offsets(%dma_start3A_46 : memref<128xi32, #tpu.memory_space<vmem>>) semaphore(%arg19 : memref<!tpu.dma_semaphore, #tpu.memory_space<semaphore_mem>>)
    "tpu.region"() ({
      %run_scoped3A = tpu.sem_alloc : memref<!tpu.dma_semaphore, #tpu.memory_space<semaphore_mem>>
      %dma_start3A_154 = arith.constant 0 : i32
      %dma_start3A_155 = arith.constant 0 : i32
      %dma_start3A_156 = tpu.memref_slice %arg4[%arg1, %dma_start3A_154, %dma_start3A_155] : memref<16x160x128xi32, #tpu.memory_space<hbm>> -> memref<1x160x128xi32, #tpu.memory_space<hbm>>
      %dma_start3A_157 = tpu.memref_squeeze %dma_start3A_156 : memref<1x160x128xi32, #tpu.memory_space<hbm>> -> memref<160x128xi32, #tpu.memory_space<hbm>>
      %dma_start3A_158 = arith.constant 0 : i32
      %dma_start3A_159 = arith.constant 0 : i32
      %dma_start3A_160 = tpu.memref_slice %arg4[%arg1, %dma_start3A_158, %dma_start3A_159] : memref<16x160x128xi32, #tpu.memory_space<hbm>> -> memref<1x160x128xi32, #tpu.memory_space<hbm>>
      %dma_start3A_161 = tpu.memref_squeeze %dma_start3A_160 : memref<1x160x128xi32, #tpu.memory_space<hbm>> -> memref<160x128xi32, #tpu.memory_space<hbm>>
      tpu.enqueue_dma source(%dma_start3A_161 : memref<160x128xi32, #tpu.memory_space<hbm>>) target(%arg8 : memref<160x128xi32, #tpu.memory_space<vmem>>) target_semaphore(%run_scoped3A : memref<!tpu.dma_semaphore, #tpu.memory_space<semaphore_mem>>)
      %dma_wait3A_162 = arith.constant 0 : i32
      %dma_wait3A_163 = arith.constant 0 : i32
      %dma_wait3A_164 = tpu.memref_slice %arg4[%arg1, %dma_wait3A_162, %dma_wait3A_163] : memref<16x160x128xi32, #tpu.memory_space<hbm>> -> memref<1x160x128xi32, #tpu.memory_space<hbm>>
      %dma_wait3A_165 = tpu.memref_squeeze %dma_wait3A_164 : memref<1x160x128xi32, #tpu.memory_space<hbm>> -> memref<160x128xi32, #tpu.memory_space<hbm>>
      %dma_wait3A_166 = arith.constant 0 : i32
      %dma_wait3A_167 = arith.constant 0 : i32
      %dma_wait3A_168 = tpu.memref_slice %arg4[%arg1, %dma_wait3A_166, %dma_wait3A_167] : memref<16x160x128xi32, #tpu.memory_space<hbm>> -> memref<1x160x128xi32, #tpu.memory_space<hbm>>
      %dma_wait3A_169 = tpu.memref_squeeze %dma_wait3A_168 : memref<1x160x128xi32, #tpu.memory_space<hbm>> -> memref<160x128xi32, #tpu.memory_space<hbm>>
      tpu.wait_dma2 semaphore(%run_scoped3A : memref<!tpu.dma_semaphore, #tpu.memory_space<semaphore_mem>>) src(%dma_wait3A_169 : memref<160x128xi32, #tpu.memory_space<hbm>>) dst(%arg8 : memref<160x128xi32, #tpu.memory_space<vmem>>)
      tpu.yield
    }) : () -> ()
    %mul3A = arith.constant 632 : i32
    %mul3A_54 = arith.muli %arg1, %mul3A : i32
    "tpu.region"() ({
      %run_scoped3A = tpu.sem_alloc : memref<!tpu.dma_semaphore, #tpu.memory_space<semaphore_mem>>
      %dma_start3A_154 = arith.constant 0 : i32
      %dma_start3A_155 = tpu.memref_slice %arg14[%mul3A_54, %dma_start3A_154] : memref<10112x64xf32, #tpu.memory_space<vmem_shared>> -> memref<632x64xf32, #tpu.memory_space<vmem_shared>>
      tpu.enqueue_dma source(%arg5 : memref<632x64xf32, #tpu.memory_space<hbm>>) target(%dma_start3A_155 : memref<632x64xf32, #tpu.memory_space<vmem_shared>>) target_semaphore(%run_scoped3A : memref<!tpu.dma_semaphore, #tpu.memory_space<semaphore_mem>>)
      %dma_wait3A_156 = arith.constant 0 : i32
      %dma_wait3A_157 = tpu.memref_slice %arg14[%mul3A_54, %dma_wait3A_156] : memref<10112x64xf32, #tpu.memory_space<vmem_shared>> -> memref<632x64xf32, #tpu.memory_space<vmem_shared>>
      tpu.wait_dma2 semaphore(%run_scoped3A : memref<!tpu.dma_semaphore, #tpu.memory_space<semaphore_mem>>) src(%arg5 : memref<632x64xf32, #tpu.memory_space<hbm>>) dst(%dma_wait3A_157 : memref<632x64xf32, #tpu.memory_space<vmem_shared>>)
      tpu.yield
    }) : () -> ()
    %barrier3A = arith.constant 0 : index
    tpu.barrier barrier_id(%barrier3A)
    %scan3A = arith.constant 0 : i32
    %scan3A_55 = arith.constant 31 : i32
    %scan3A_56 = arith.addi %scan3A, %scan3A_55 : i32
    %scan3A_57 = arith.constant 1 : i32
    scf.for %scan3A_154 = %scan3A to %scan3A_56 step %scan3A_57  : i32 {
      %mul3A_155 = arith.constant 5 : i32
      %mul3A_156 = arith.muli %scan3A_154, %mul3A_155 : i32
      %add3A = arith.constant 0 : i32
      %add3A_157 = arith.addi %add3A, %mul3A_156 : i32
      %add3A_158 = arith.constant 0 : i32
      %add3A_159 = arith.addi %add3A_157, %add3A_158 : i32
      %dma_wait3A_160 = arith.constant 0 : i32
      %dma_wait3A_161 = arith.constant 0 : i32
      %dma_wait3A_162 = tpu.memref_slice %arg5[%dma_wait3A_160, %dma_wait3A_161] : memref<632x64xf32, #tpu.memory_space<hbm>> -> memref<128x64xf32, #tpu.memory_space<hbm>>
      %dma_wait3A_163 = arith.constant 0 : i32
      %dma_wait3A_164 = arith.constant 0 : i32
      %dma_wait3A_165 = tpu.memref_slice %arg5[%dma_wait3A_163, %dma_wait3A_164] : memref<632x64xf32, #tpu.memory_space<hbm>> -> memref<128x64xf32, #tpu.memory_space<hbm>>
      tpu.wait_dma2 semaphore(%arg15 : memref<!tpu.dma_semaphore, #tpu.memory_space<semaphore_mem>>) src(%dma_wait3A_165 : memref<128x64xf32, #tpu.memory_space<hbm>>) dst(%arg9 : memref<128x64xf32, #tpu.memory_space<vmem>>)
      %dma_start3A_166 = arith.constant 0 : i32
      %dma_start3A_167 = tpu.memref_slice %arg8[%add3A_159, %dma_start3A_166] : memref<160x128xi32, #tpu.memory_space<vmem>> -> memref<1x128xi32, #tpu.memory_space<vmem>>
      %dma_start3A_168 = tpu.memref_squeeze %dma_start3A_167 : memref<1x128xi32, #tpu.memory_space<vmem>> -> memref<128xi32, #tpu.memory_space<vmem>>
      %dma_start3A_169 = arith.constant 0 : i32
      %dma_start3A_170 = arith.constant 0 : i32
      %dma_start3A_171 = tpu.memref_slice %arg14[%dma_start3A_169, %dma_start3A_170] : memref<10112x64xf32, #tpu.memory_space<vmem_shared>> -> memref<10112x64xf32, #tpu.memory_space<vmem_shared>>
      tpu.enqueue_indirect_dma source(%arg9 : memref<128x64xf32, #tpu.memory_space<vmem>>) target(%dma_start3A_171 : memref<10112x64xf32, #tpu.memory_space<vmem_shared>>) offsets(%dma_start3A_168 : memref<128xi32, #tpu.memory_space<vmem>>) semaphore(%arg20 : memref<!tpu.dma_semaphore, #tpu.memory_space<semaphore_mem>>) {add = true}
      %dma_wait3A_172 = arith.constant 0 : i32
      %dma_wait3A_173 = arith.constant 0 : i32
      %dma_wait3A_174 = tpu.memref_slice %arg5[%dma_wait3A_172, %dma_wait3A_173] : memref<632x64xf32, #tpu.memory_space<hbm>> -> memref<128x64xf32, #tpu.memory_space<hbm>>
      %dma_wait3A_175 = arith.constant 0 : i32
      %dma_wait3A_176 = arith.constant 0 : i32
      %dma_wait3A_177 = tpu.memref_slice %arg5[%dma_wait3A_175, %dma_wait3A_176] : memref<632x64xf32, #tpu.memory_space<hbm>> -> memref<128x64xf32, #tpu.memory_space<hbm>>
      tpu.wait_dma2 semaphore(%arg20 : memref<!tpu.dma_semaphore, #tpu.memory_space<semaphore_mem>>) src(%dma_wait3A_177 : memref<128x64xf32, #tpu.memory_space<hbm>>) dst(%arg9 : memref<128x64xf32, #tpu.memory_space<vmem>>)
      %add3A_178 = arith.constant 5 : i32
      %add3A_179 = arith.addi %add3A_159, %add3A_178 : i32
      %dma_start3A_180 = arith.constant 0 : i32
      %dma_start3A_181 = tpu.memref_slice %arg7[%add3A_179, %dma_start3A_180] : memref<160x128xi32, #tpu.memory_space<vmem>> -> memref<1x128xi32, #tpu.memory_space<vmem>>
      %dma_start3A_182 = tpu.memref_squeeze %dma_start3A_181 : memref<1x128xi32, #tpu.memory_space<vmem>> -> memref<128xi32, #tpu.memory_space<vmem>>
      %dma_start3A_183 = arith.constant 0 : i32
      %dma_start3A_184 = arith.constant 0 : i32
      %dma_start3A_185 = tpu.memref_slice %arg2[%arg0, %dma_start3A_183, %dma_start3A_184] : memref<2x10112x64xf32, #tpu.memory_space<hbm>> -> memref<1x10112x64xf32, #tpu.memory_space<hbm>>
      %dma_start3A_186 = tpu.memref_squeeze %dma_start3A_185 : memref<1x10112x64xf32, #tpu.memory_space<hbm>> -> memref<10112x64xf32, #tpu.memory_space<hbm>>
      %dma_start3A_187 = arith.constant 0 : i32
      %dma_start3A_188 = arith.constant 0 : i32
      %dma_start3A_189 = tpu.memref_slice %dma_start3A_186[%dma_start3A_187, %dma_start3A_188] : memref<10112x64xf32, #tpu.memory_space<hbm>> -> memref<10112x64xf32, #tpu.memory_space<hbm>>
      tpu.enqueue_indirect_dma source(%dma_start3A_189 : memref<10112x64xf32, #tpu.memory_space<hbm>>) target(%arg9 : memref<128x64xf32, #tpu.memory_space<vmem>>) offsets(%dma_start3A_182 : memref<128xi32, #tpu.memory_space<vmem>>) semaphore(%arg15 : memref<!tpu.dma_semaphore, #tpu.memory_space<semaphore_mem>>)
      %add3A_190 = arith.constant 1 : i32
      %add3A_191 = arith.addi %add3A_157, %add3A_190 : i32
      %dma_wait3A_192 = arith.constant 0 : i32
      %dma_wait3A_193 = arith.constant 0 : i32
      %dma_wait3A_194 = tpu.memref_slice %arg5[%dma_wait3A_192, %dma_wait3A_193] : memref<632x64xf32, #tpu.memory_space<hbm>> -> memref<128x64xf32, #tpu.memory_space<hbm>>
      %dma_wait3A_195 = arith.constant 0 : i32
      %dma_wait3A_196 = arith.constant 0 : i32
      %dma_wait3A_197 = tpu.memref_slice %arg5[%dma_wait3A_195, %dma_wait3A_196] : memref<632x64xf32, #tpu.memory_space<hbm>> -> memref<128x64xf32, #tpu.memory_space<hbm>>
      tpu.wait_dma2 semaphore(%arg16 : memref<!tpu.dma_semaphore, #tpu.memory_space<semaphore_mem>>) src(%dma_wait3A_197 : memref<128x64xf32, #tpu.memory_space<hbm>>) dst(%arg10 : memref<128x64xf32, #tpu.memory_space<vmem>>)
      %dma_start3A_198 = arith.constant 0 : i32
      %dma_start3A_199 = tpu.memref_slice %arg8[%add3A_191, %dma_start3A_198] : memref<160x128xi32, #tpu.memory_space<vmem>> -> memref<1x128xi32, #tpu.memory_space<vmem>>
      %dma_start3A_200 = tpu.memref_squeeze %dma_start3A_199 : memref<1x128xi32, #tpu.memory_space<vmem>> -> memref<128xi32, #tpu.memory_space<vmem>>
      %dma_start3A_201 = arith.constant 0 : i32
      %dma_start3A_202 = arith.constant 0 : i32
      %dma_start3A_203 = tpu.memref_slice %arg14[%dma_start3A_201, %dma_start3A_202] : memref<10112x64xf32, #tpu.memory_space<vmem_shared>> -> memref<10112x64xf32, #tpu.memory_space<vmem_shared>>
      tpu.enqueue_indirect_dma source(%arg10 : memref<128x64xf32, #tpu.memory_space<vmem>>) target(%dma_start3A_203 : memref<10112x64xf32, #tpu.memory_space<vmem_shared>>) offsets(%dma_start3A_200 : memref<128xi32, #tpu.memory_space<vmem>>) semaphore(%arg21 : memref<!tpu.dma_semaphore, #tpu.memory_space<semaphore_mem>>) {add = true}
      %dma_wait3A_204 = arith.constant 0 : i32
      %dma_wait3A_205 = arith.constant 0 : i32
      %dma_wait3A_206 = tpu.memref_slice %arg5[%dma_wait3A_204, %dma_wait3A_205] : memref<632x64xf32, #tpu.memory_space<hbm>> -> memref<128x64xf32, #tpu.memory_space<hbm>>
      %dma_wait3A_207 = arith.constant 0 : i32
      %dma_wait3A_208 = arith.constant 0 : i32
      %dma_wait3A_209 = tpu.memref_slice %arg5[%dma_wait3A_207, %dma_wait3A_208] : memref<632x64xf32, #tpu.memory_space<hbm>> -> memref<128x64xf32, #tpu.memory_space<hbm>>
      tpu.wait_dma2 semaphore(%arg21 : memref<!tpu.dma_semaphore, #tpu.memory_space<semaphore_mem>>) src(%dma_wait3A_209 : memref<128x64xf32, #tpu.memory_space<hbm>>) dst(%arg10 : memref<128x64xf32, #tpu.memory_space<vmem>>)
      %add3A_210 = arith.constant 5 : i32
      %add3A_211 = arith.addi %add3A_191, %add3A_210 : i32
      %dma_start3A_212 = arith.constant 0 : i32
      %dma_start3A_213 = tpu.memref_slice %arg7[%add3A_211, %dma_start3A_212] : memref<160x128xi32, #tpu.memory_space<vmem>> -> memref<1x128xi32, #tpu.memory_space<vmem>>
      %dma_start3A_214 = tpu.memref_squeeze %dma_start3A_213 : memref<1x128xi32, #tpu.memory_space<vmem>> -> memref<128xi32, #tpu.memory_space<vmem>>
      %dma_start3A_215 = arith.constant 0 : i32
      %dma_start3A_216 = arith.constant 0 : i32
      %dma_start3A_217 = tpu.memref_slice %arg2[%arg0, %dma_start3A_215, %dma_start3A_216] : memref<2x10112x64xf32, #tpu.memory_space<hbm>> -> memref<1x10112x64xf32, #tpu.memory_space<hbm>>
      %dma_start3A_218 = tpu.memref_squeeze %dma_start3A_217 : memref<1x10112x64xf32, #tpu.memory_space<hbm>> -> memref<10112x64xf32, #tpu.memory_space<hbm>>
      %dma_start3A_219 = arith.constant 0 : i32
      %dma_start3A_220 = arith.constant 0 : i32
      %dma_start3A_221 = tpu.memref_slice %dma_start3A_218[%dma_start3A_219, %dma_start3A_220] : memref<10112x64xf32, #tpu.memory_space<hbm>> -> memref<10112x64xf32, #tpu.memory_space<hbm>>
      tpu.enqueue_indirect_dma source(%dma_start3A_221 : memref<10112x64xf32, #tpu.memory_space<hbm>>) target(%arg10 : memref<128x64xf32, #tpu.memory_space<vmem>>) offsets(%dma_start3A_214 : memref<128xi32, #tpu.memory_space<vmem>>) semaphore(%arg16 : memref<!tpu.dma_semaphore, #tpu.memory_space<semaphore_mem>>)
      %add3A_222 = arith.constant 2 : i32
      %add3A_223 = arith.addi %add3A_157, %add3A_222 : i32
      %dma_wait3A_224 = arith.constant 0 : i32
      %dma_wait3A_225 = arith.constant 0 : i32
      %dma_wait3A_226 = tpu.memref_slice %arg5[%dma_wait3A_224, %dma_wait3A_225] : memref<632x64xf32, #tpu.memory_space<hbm>> -> memref<128x64xf32, #tpu.memory_space<hbm>>
      %dma_wait3A_227 = arith.constant 0 : i32
      %dma_wait3A_228 = arith.constant 0 : i32
      %dma_wait3A_229 = tpu.memref_slice %arg5[%dma_wait3A_227, %dma_wait3A_228] : memref<632x64xf32, #tpu.memory_space<hbm>> -> memref<128x64xf32, #tpu.memory_space<hbm>>
      tpu.wait_dma2 semaphore(%arg17 : memref<!tpu.dma_semaphore, #tpu.memory_space<semaphore_mem>>) src(%dma_wait3A_229 : memref<128x64xf32, #tpu.memory_space<hbm>>) dst(%arg11 : memref<128x64xf32, #tpu.memory_space<vmem>>)
      %dma_start3A_230 = arith.constant 0 : i32
      %dma_start3A_231 = tpu.memref_slice %arg8[%add3A_223, %dma_start3A_230] : memref<160x128xi32, #tpu.memory_space<vmem>> -> memref<1x128xi32, #tpu.memory_space<vmem>>
      %dma_start3A_232 = tpu.memref_squeeze %dma_start3A_231 : memref<1x128xi32, #tpu.memory_space<vmem>> -> memref<128xi32, #tpu.memory_space<vmem>>
      %dma_start3A_233 = arith.constant 0 : i32
      %dma_start3A_234 = arith.constant 0 : i32
      %dma_start3A_235 = tpu.memref_slice %arg14[%dma_start3A_233, %dma_start3A_234] : memref<10112x64xf32, #tpu.memory_space<vmem_shared>> -> memref<10112x64xf32, #tpu.memory_space<vmem_shared>>
      tpu.enqueue_indirect_dma source(%arg11 : memref<128x64xf32, #tpu.memory_space<vmem>>) target(%dma_start3A_235 : memref<10112x64xf32, #tpu.memory_space<vmem_shared>>) offsets(%dma_start3A_232 : memref<128xi32, #tpu.memory_space<vmem>>) semaphore(%arg22 : memref<!tpu.dma_semaphore, #tpu.memory_space<semaphore_mem>>) {add = true}
      %dma_wait3A_236 = arith.constant 0 : i32
      %dma_wait3A_237 = arith.constant 0 : i32
      %dma_wait3A_238 = tpu.memref_slice %arg5[%dma_wait3A_236, %dma_wait3A_237] : memref<632x64xf32, #tpu.memory_space<hbm>> -> memref<128x64xf32, #tpu.memory_space<hbm>>
      %dma_wait3A_239 = arith.constant 0 : i32
      %dma_wait3A_240 = arith.constant 0 : i32
      %dma_wait3A_241 = tpu.memref_slice %arg5[%dma_wait3A_239, %dma_wait3A_240] : memref<632x64xf32, #tpu.memory_space<hbm>> -> memref<128x64xf32, #tpu.memory_space<hbm>>
      tpu.wait_dma2 semaphore(%arg22 : memref<!tpu.dma_semaphore, #tpu.memory_space<semaphore_mem>>) src(%dma_wait3A_241 : memref<128x64xf32, #tpu.memory_space<hbm>>) dst(%arg11 : memref<128x64xf32, #tpu.memory_space<vmem>>)
      %add3A_242 = arith.constant 5 : i32
      %add3A_243 = arith.addi %add3A_223, %add3A_242 : i32
      %dma_start3A_244 = arith.constant 0 : i32
      %dma_start3A_245 = tpu.memref_slice %arg7[%add3A_243, %dma_start3A_244] : memref<160x128xi32, #tpu.memory_space<vmem>> -> memref<1x128xi32, #tpu.memory_space<vmem>>
      %dma_start3A_246 = tpu.memref_squeeze %dma_start3A_245 : memref<1x128xi32, #tpu.memory_space<vmem>> -> memref<128xi32, #tpu.memory_space<vmem>>
      %dma_start3A_247 = arith.constant 0 : i32
      %dma_start3A_248 = arith.constant 0 : i32
      %dma_start3A_249 = tpu.memref_slice %arg2[%arg0, %dma_start3A_247, %dma_start3A_248] : memref<2x10112x64xf32, #tpu.memory_space<hbm>> -> memref<1x10112x64xf32, #tpu.memory_space<hbm>>
      %dma_start3A_250 = tpu.memref_squeeze %dma_start3A_249 : memref<1x10112x64xf32, #tpu.memory_space<hbm>> -> memref<10112x64xf32, #tpu.memory_space<hbm>>
      %dma_start3A_251 = arith.constant 0 : i32
      %dma_start3A_252 = arith.constant 0 : i32
      %dma_start3A_253 = tpu.memref_slice %dma_start3A_250[%dma_start3A_251, %dma_start3A_252] : memref<10112x64xf32, #tpu.memory_space<hbm>> -> memref<10112x64xf32, #tpu.memory_space<hbm>>
      tpu.enqueue_indirect_dma source(%dma_start3A_253 : memref<10112x64xf32, #tpu.memory_space<hbm>>) target(%arg11 : memref<128x64xf32, #tpu.memory_space<vmem>>) offsets(%dma_start3A_246 : memref<128xi32, #tpu.memory_space<vmem>>) semaphore(%arg17 : memref<!tpu.dma_semaphore, #tpu.memory_space<semaphore_mem>>)
      %add3A_254 = arith.constant 3 : i32
      %add3A_255 = arith.addi %add3A_157, %add3A_254 : i32
      %dma_wait3A_256 = arith.constant 0 : i32
      %dma_wait3A_257 = arith.constant 0 : i32
      %dma_wait3A_258 = tpu.memref_slice %arg5[%dma_wait3A_256, %dma_wait3A_257] : memref<632x64xf32, #tpu.memory_space<hbm>> -> memref<128x64xf32, #tpu.memory_space<hbm>>
      %dma_wait3A_259 = arith.constant 0 : i32
      %dma_wait3A_260 = arith.constant 0 : i32
      %dma_wait3A_261 = tpu.memref_slice %arg5[%dma_wait3A_259, %dma_wait3A_260] : memref<632x64xf32, #tpu.memory_space<hbm>> -> memref<128x64xf32, #tpu.memory_space<hbm>>
      tpu.wait_dma2 semaphore(%arg18 : memref<!tpu.dma_semaphore, #tpu.memory_space<semaphore_mem>>) src(%dma_wait3A_261 : memref<128x64xf32, #tpu.memory_space<hbm>>) dst(%arg12 : memref<128x64xf32, #tpu.memory_space<vmem>>)
      %dma_start3A_262 = arith.constant 0 : i32
      %dma_start3A_263 = tpu.memref_slice %arg8[%add3A_255, %dma_start3A_262] : memref<160x128xi32, #tpu.memory_space<vmem>> -> memref<1x128xi32, #tpu.memory_space<vmem>>
      %dma_start3A_264 = tpu.memref_squeeze %dma_start3A_263 : memref<1x128xi32, #tpu.memory_space<vmem>> -> memref<128xi32, #tpu.memory_space<vmem>>
      %dma_start3A_265 = arith.constant 0 : i32
      %dma_start3A_266 = arith.constant 0 : i32
      %dma_start3A_267 = tpu.memref_slice %arg14[%dma_start3A_265, %dma_start3A_266] : memref<10112x64xf32, #tpu.memory_space<vmem_shared>> -> memref<10112x64xf32, #tpu.memory_space<vmem_shared>>
      tpu.enqueue_indirect_dma source(%arg12 : memref<128x64xf32, #tpu.memory_space<vmem>>) target(%dma_start3A_267 : memref<10112x64xf32, #tpu.memory_space<vmem_shared>>) offsets(%dma_start3A_264 : memref<128xi32, #tpu.memory_space<vmem>>) semaphore(%arg23 : memref<!tpu.dma_semaphore, #tpu.memory_space<semaphore_mem>>) {add = true}
      %dma_wait3A_268 = arith.constant 0 : i32
      %dma_wait3A_269 = arith.constant 0 : i32
      %dma_wait3A_270 = tpu.memref_slice %arg5[%dma_wait3A_268, %dma_wait3A_269] : memref<632x64xf32, #tpu.memory_space<hbm>> -> memref<128x64xf32, #tpu.memory_space<hbm>>
      %dma_wait3A_271 = arith.constant 0 : i32
      %dma_wait3A_272 = arith.constant 0 : i32
      %dma_wait3A_273 = tpu.memref_slice %arg5[%dma_wait3A_271, %dma_wait3A_272] : memref<632x64xf32, #tpu.memory_space<hbm>> -> memref<128x64xf32, #tpu.memory_space<hbm>>
      tpu.wait_dma2 semaphore(%arg23 : memref<!tpu.dma_semaphore, #tpu.memory_space<semaphore_mem>>) src(%dma_wait3A_273 : memref<128x64xf32, #tpu.memory_space<hbm>>) dst(%arg12 : memref<128x64xf32, #tpu.memory_space<vmem>>)
      %add3A_274 = arith.constant 5 : i32
      %add3A_275 = arith.addi %add3A_255, %add3A_274 : i32
      %dma_start3A_276 = arith.constant 0 : i32
      %dma_start3A_277 = tpu.memref_slice %arg7[%add3A_275, %dma_start3A_276] : memref<160x128xi32, #tpu.memory_space<vmem>> -> memref<1x128xi32, #tpu.memory_space<vmem>>
      %dma_start3A_278 = tpu.memref_squeeze %dma_start3A_277 : memref<1x128xi32, #tpu.memory_space<vmem>> -> memref<128xi32, #tpu.memory_space<vmem>>
      %dma_start3A_279 = arith.constant 0 : i32
      %dma_start3A_280 = arith.constant 0 : i32
      %dma_start3A_281 = tpu.memref_slice %arg2[%arg0, %dma_start3A_279, %dma_start3A_280] : memref<2x10112x64xf32, #tpu.memory_space<hbm>> -> memref<1x10112x64xf32, #tpu.memory_space<hbm>>
      %dma_start3A_282 = tpu.memref_squeeze %dma_start3A_281 : memref<1x10112x64xf32, #tpu.memory_space<hbm>> -> memref<10112x64xf32, #tpu.memory_space<hbm>>
      %dma_start3A_283 = arith.constant 0 : i32
      %dma_start3A_284 = arith.constant 0 : i32
      %dma_start3A_285 = tpu.memref_slice %dma_start3A_282[%dma_start3A_283, %dma_start3A_284] : memref<10112x64xf32, #tpu.memory_space<hbm>> -> memref<10112x64xf32, #tpu.memory_space<hbm>>
      tpu.enqueue_indirect_dma source(%dma_start3A_285 : memref<10112x64xf32, #tpu.memory_space<hbm>>) target(%arg12 : memref<128x64xf32, #tpu.memory_space<vmem>>) offsets(%dma_start3A_278 : memref<128xi32, #tpu.memory_space<vmem>>) semaphore(%arg18 : memref<!tpu.dma_semaphore, #tpu.memory_space<semaphore_mem>>)
      %add3A_286 = arith.constant 4 : i32
      %add3A_287 = arith.addi %add3A_157, %add3A_286 : i32
      %dma_wait3A_288 = arith.constant 0 : i32
      %dma_wait3A_289 = arith.constant 0 : i32
      %dma_wait3A_290 = tpu.memref_slice %arg5[%dma_wait3A_288, %dma_wait3A_289] : memref<632x64xf32, #tpu.memory_space<hbm>> -> memref<128x64xf32, #tpu.memory_space<hbm>>
      %dma_wait3A_291 = arith.constant 0 : i32
      %dma_wait3A_292 = arith.constant 0 : i32
      %dma_wait3A_293 = tpu.memref_slice %arg5[%dma_wait3A_291, %dma_wait3A_292] : memref<632x64xf32, #tpu.memory_space<hbm>> -> memref<128x64xf32, #tpu.memory_space<hbm>>
      tpu.wait_dma2 semaphore(%arg19 : memref<!tpu.dma_semaphore, #tpu.memory_space<semaphore_mem>>) src(%dma_wait3A_293 : memref<128x64xf32, #tpu.memory_space<hbm>>) dst(%arg13 : memref<128x64xf32, #tpu.memory_space<vmem>>)
      %dma_start3A_294 = arith.constant 0 : i32
      %dma_start3A_295 = tpu.memref_slice %arg8[%add3A_287, %dma_start3A_294] : memref<160x128xi32, #tpu.memory_space<vmem>> -> memref<1x128xi32, #tpu.memory_space<vmem>>
      %dma_start3A_296 = tpu.memref_squeeze %dma_start3A_295 : memref<1x128xi32, #tpu.memory_space<vmem>> -> memref<128xi32, #tpu.memory_space<vmem>>
      %dma_start3A_297 = arith.constant 0 : i32
      %dma_start3A_298 = arith.constant 0 : i32
      %dma_start3A_299 = tpu.memref_slice %arg14[%dma_start3A_297, %dma_start3A_298] : memref<10112x64xf32, #tpu.memory_space<vmem_shared>> -> memref<10112x64xf32, #tpu.memory_space<vmem_shared>>
      tpu.enqueue_indirect_dma source(%arg13 : memref<128x64xf32, #tpu.memory_space<vmem>>) target(%dma_start3A_299 : memref<10112x64xf32, #tpu.memory_space<vmem_shared>>) offsets(%dma_start3A_296 : memref<128xi32, #tpu.memory_space<vmem>>) semaphore(%arg24 : memref<!tpu.dma_semaphore, #tpu.memory_space<semaphore_mem>>) {add = true}
      %dma_wait3A_300 = arith.constant 0 : i32
      %dma_wait3A_301 = arith.constant 0 : i32
      %dma_wait3A_302 = tpu.memref_slice %arg5[%dma_wait3A_300, %dma_wait3A_301] : memref<632x64xf32, #tpu.memory_space<hbm>> -> memref<128x64xf32, #tpu.memory_space<hbm>>
      %dma_wait3A_303 = arith.constant 0 : i32
      %dma_wait3A_304 = arith.constant 0 : i32
      %dma_wait3A_305 = tpu.memref_slice %arg5[%dma_wait3A_303, %dma_wait3A_304] : memref<632x64xf32, #tpu.memory_space<hbm>> -> memref<128x64xf32, #tpu.memory_space<hbm>>
      tpu.wait_dma2 semaphore(%arg24 : memref<!tpu.dma_semaphore, #tpu.memory_space<semaphore_mem>>) src(%dma_wait3A_305 : memref<128x64xf32, #tpu.memory_space<hbm>>) dst(%arg13 : memref<128x64xf32, #tpu.memory_space<vmem>>)
      %add3A_306 = arith.constant 5 : i32
      %add3A_307 = arith.addi %add3A_287, %add3A_306 : i32
      %dma_start3A_308 = arith.constant 0 : i32
      %dma_start3A_309 = tpu.memref_slice %arg7[%add3A_307, %dma_start3A_308] : memref<160x128xi32, #tpu.memory_space<vmem>> -> memref<1x128xi32, #tpu.memory_space<vmem>>
      %dma_start3A_310 = tpu.memref_squeeze %dma_start3A_309 : memref<1x128xi32, #tpu.memory_space<vmem>> -> memref<128xi32, #tpu.memory_space<vmem>>
      %dma_start3A_311 = arith.constant 0 : i32
      %dma_start3A_312 = arith.constant 0 : i32
      %dma_start3A_313 = tpu.memref_slice %arg2[%arg0, %dma_start3A_311, %dma_start3A_312] : memref<2x10112x64xf32, #tpu.memory_space<hbm>> -> memref<1x10112x64xf32, #tpu.memory_space<hbm>>
      %dma_start3A_314 = tpu.memref_squeeze %dma_start3A_313 : memref<1x10112x64xf32, #tpu.memory_space<hbm>> -> memref<10112x64xf32, #tpu.memory_space<hbm>>
      %dma_start3A_315 = arith.constant 0 : i32
      %dma_start3A_316 = arith.constant 0 : i32
      %dma_start3A_317 = tpu.memref_slice %dma_start3A_314[%dma_start3A_315, %dma_start3A_316] : memref<10112x64xf32, #tpu.memory_space<hbm>> -> memref<10112x64xf32, #tpu.memory_space<hbm>>
      tpu.enqueue_indirect_dma source(%dma_start3A_317 : memref<10112x64xf32, #tpu.memory_space<hbm>>) target(%arg13 : memref<128x64xf32, #tpu.memory_space<vmem>>) offsets(%dma_start3A_310 : memref<128xi32, #tpu.memory_space<vmem>>) semaphore(%arg19 : memref<!tpu.dma_semaphore, #tpu.memory_space<semaphore_mem>>)
    }
    %scan3A_58 = arith.constant 31 : i32
    %dma_wait3A = arith.constant 0 : i32
    %dma_wait3A_59 = arith.constant 0 : i32
    %dma_wait3A_60 = tpu.memref_slice %arg5[%dma_wait3A, %dma_wait3A_59] : memref<632x64xf32, #tpu.memory_space<hbm>> -> memref<128x64xf32, #tpu.memory_space<hbm>>
    %dma_wait3A_61 = arith.constant 0 : i32
    %dma_wait3A_62 = arith.constant 0 : i32
    %dma_wait3A_63 = tpu.memref_slice %arg5[%dma_wait3A_61, %dma_wait3A_62] : memref<632x64xf32, #tpu.memory_space<hbm>> -> memref<128x64xf32, #tpu.memory_space<hbm>>
    tpu.wait_dma2 semaphore(%arg15 : memref<!tpu.dma_semaphore, #tpu.memory_space<semaphore_mem>>) src(%dma_wait3A_63 : memref<128x64xf32, #tpu.memory_space<hbm>>) dst(%arg9 : memref<128x64xf32, #tpu.memory_space<vmem>>)
    %dma_start3A_64 = arith.constant 155 : i32
    %dma_start3A_65 = arith.constant 0 : i32
    %dma_start3A_66 = tpu.memref_slice %arg8[%dma_start3A_64, %dma_start3A_65] : memref<160x128xi32, #tpu.memory_space<vmem>> -> memref<1x128xi32, #tpu.memory_space<vmem>>
    %dma_start3A_67 = tpu.memref_squeeze %dma_start3A_66 : memref<1x128xi32, #tpu.memory_space<vmem>> -> memref<128xi32, #tpu.memory_space<vmem>>
    %dma_start3A_68 = arith.constant 0 : i32
    %dma_start3A_69 = arith.constant 0 : i32
    %dma_start3A_70 = tpu.memref_slice %arg14[%dma_start3A_68, %dma_start3A_69] : memref<10112x64xf32, #tpu.memory_space<vmem_shared>> -> memref<10112x64xf32, #tpu.memory_space<vmem_shared>>
    tpu.enqueue_indirect_dma source(%arg9 : memref<128x64xf32, #tpu.memory_space<vmem>>) target(%dma_start3A_70 : memref<10112x64xf32, #tpu.memory_space<vmem_shared>>) offsets(%dma_start3A_67 : memref<128xi32, #tpu.memory_space<vmem>>) semaphore(%arg20 : memref<!tpu.dma_semaphore, #tpu.memory_space<semaphore_mem>>) {add = true}
    %dma_wait3A_71 = arith.constant 0 : i32
    %dma_wait3A_72 = arith.constant 0 : i32
    %dma_wait3A_73 = tpu.memref_slice %arg5[%dma_wait3A_71, %dma_wait3A_72] : memref<632x64xf32, #tpu.memory_space<hbm>> -> memref<128x64xf32, #tpu.memory_space<hbm>>
    %dma_wait3A_74 = arith.constant 0 : i32
    %dma_wait3A_75 = arith.constant 0 : i32
    %dma_wait3A_76 = tpu.memref_slice %arg5[%dma_wait3A_74, %dma_wait3A_75] : memref<632x64xf32, #tpu.memory_space<hbm>> -> memref<128x64xf32, #tpu.memory_space<hbm>>
    tpu.wait_dma2 semaphore(%arg20 : memref<!tpu.dma_semaphore, #tpu.memory_space<semaphore_mem>>) src(%dma_wait3A_76 : memref<128x64xf32, #tpu.memory_space<hbm>>) dst(%arg9 : memref<128x64xf32, #tpu.memory_space<vmem>>)
    %dma_wait3A_77 = arith.constant 0 : i32
    %dma_wait3A_78 = arith.constant 0 : i32
    %dma_wait3A_79 = tpu.memref_slice %arg5[%dma_wait3A_77, %dma_wait3A_78] : memref<632x64xf32, #tpu.memory_space<hbm>> -> memref<128x64xf32, #tpu.memory_space<hbm>>
    %dma_wait3A_80 = arith.constant 0 : i32
    %dma_wait3A_81 = arith.constant 0 : i32
    %dma_wait3A_82 = tpu.memref_slice %arg5[%dma_wait3A_80, %dma_wait3A_81] : memref<632x64xf32, #tpu.memory_space<hbm>> -> memref<128x64xf32, #tpu.memory_space<hbm>>
    tpu.wait_dma2 semaphore(%arg16 : memref<!tpu.dma_semaphore, #tpu.memory_space<semaphore_mem>>) src(%dma_wait3A_82 : memref<128x64xf32, #tpu.memory_space<hbm>>) dst(%arg10 : memref<128x64xf32, #tpu.memory_space<vmem>>)
    %dma_start3A_83 = arith.constant 156 : i32
    %dma_start3A_84 = arith.constant 0 : i32
    %dma_start3A_85 = tpu.memref_slice %arg8[%dma_start3A_83, %dma_start3A_84] : memref<160x128xi32, #tpu.memory_space<vmem>> -> memref<1x128xi32, #tpu.memory_space<vmem>>
    %dma_start3A_86 = tpu.memref_squeeze %dma_start3A_85 : memref<1x128xi32, #tpu.memory_space<vmem>> -> memref<128xi32, #tpu.memory_space<vmem>>
    %dma_start3A_87 = arith.constant 0 : i32
    %dma_start3A_88 = arith.constant 0 : i32
    %dma_start3A_89 = tpu.memref_slice %arg14[%dma_start3A_87, %dma_start3A_88] : memref<10112x64xf32, #tpu.memory_space<vmem_shared>> -> memref<10112x64xf32, #tpu.memory_space<vmem_shared>>
    tpu.enqueue_indirect_dma source(%arg10 : memref<128x64xf32, #tpu.memory_space<vmem>>) target(%dma_start3A_89 : memref<10112x64xf32, #tpu.memory_space<vmem_shared>>) offsets(%dma_start3A_86 : memref<128xi32, #tpu.memory_space<vmem>>) semaphore(%arg21 : memref<!tpu.dma_semaphore, #tpu.memory_space<semaphore_mem>>) {add = true}
    %dma_wait3A_90 = arith.constant 0 : i32
    %dma_wait3A_91 = arith.constant 0 : i32
    %dma_wait3A_92 = tpu.memref_slice %arg5[%dma_wait3A_90, %dma_wait3A_91] : memref<632x64xf32, #tpu.memory_space<hbm>> -> memref<128x64xf32, #tpu.memory_space<hbm>>
    %dma_wait3A_93 = arith.constant 0 : i32
    %dma_wait3A_94 = arith.constant 0 : i32
    %dma_wait3A_95 = tpu.memref_slice %arg5[%dma_wait3A_93, %dma_wait3A_94] : memref<632x64xf32, #tpu.memory_space<hbm>> -> memref<128x64xf32, #tpu.memory_space<hbm>>
    tpu.wait_dma2 semaphore(%arg21 : memref<!tpu.dma_semaphore, #tpu.memory_space<semaphore_mem>>) src(%dma_wait3A_95 : memref<128x64xf32, #tpu.memory_space<hbm>>) dst(%arg10 : memref<128x64xf32, #tpu.memory_space<vmem>>)
    %dma_wait3A_96 = arith.constant 0 : i32
    %dma_wait3A_97 = arith.constant 0 : i32
    %dma_wait3A_98 = tpu.memref_slice %arg5[%dma_wait3A_96, %dma_wait3A_97] : memref<632x64xf32, #tpu.memory_space<hbm>> -> memref<128x64xf32, #tpu.memory_space<hbm>>
    %dma_wait3A_99 = arith.constant 0 : i32
    %dma_wait3A_100 = arith.constant 0 : i32
    %dma_wait3A_101 = tpu.memref_slice %arg5[%dma_wait3A_99, %dma_wait3A_100] : memref<632x64xf32, #tpu.memory_space<hbm>> -> memref<128x64xf32, #tpu.memory_space<hbm>>
    tpu.wait_dma2 semaphore(%arg17 : memref<!tpu.dma_semaphore, #tpu.memory_space<semaphore_mem>>) src(%dma_wait3A_101 : memref<128x64xf32, #tpu.memory_space<hbm>>) dst(%arg11 : memref<128x64xf32, #tpu.memory_space<vmem>>)
    %dma_start3A_102 = arith.constant 157 : i32
    %dma_start3A_103 = arith.constant 0 : i32
    %dma_start3A_104 = tpu.memref_slice %arg8[%dma_start3A_102, %dma_start3A_103] : memref<160x128xi32, #tpu.memory_space<vmem>> -> memref<1x128xi32, #tpu.memory_space<vmem>>
    %dma_start3A_105 = tpu.memref_squeeze %dma_start3A_104 : memref<1x128xi32, #tpu.memory_space<vmem>> -> memref<128xi32, #tpu.memory_space<vmem>>
    %dma_start3A_106 = arith.constant 0 : i32
    %dma_start3A_107 = arith.constant 0 : i32
    %dma_start3A_108 = tpu.memref_slice %arg14[%dma_start3A_106, %dma_start3A_107] : memref<10112x64xf32, #tpu.memory_space<vmem_shared>> -> memref<10112x64xf32, #tpu.memory_space<vmem_shared>>
    tpu.enqueue_indirect_dma source(%arg11 : memref<128x64xf32, #tpu.memory_space<vmem>>) target(%dma_start3A_108 : memref<10112x64xf32, #tpu.memory_space<vmem_shared>>) offsets(%dma_start3A_105 : memref<128xi32, #tpu.memory_space<vmem>>) semaphore(%arg22 : memref<!tpu.dma_semaphore, #tpu.memory_space<semaphore_mem>>) {add = true}
    %dma_wait3A_109 = arith.constant 0 : i32
    %dma_wait3A_110 = arith.constant 0 : i32
    %dma_wait3A_111 = tpu.memref_slice %arg5[%dma_wait3A_109, %dma_wait3A_110] : memref<632x64xf32, #tpu.memory_space<hbm>> -> memref<128x64xf32, #tpu.memory_space<hbm>>
    %dma_wait3A_112 = arith.constant 0 : i32
    %dma_wait3A_113 = arith.constant 0 : i32
    %dma_wait3A_114 = tpu.memref_slice %arg5[%dma_wait3A_112, %dma_wait3A_113] : memref<632x64xf32, #tpu.memory_space<hbm>> -> memref<128x64xf32, #tpu.memory_space<hbm>>
    tpu.wait_dma2 semaphore(%arg22 : memref<!tpu.dma_semaphore, #tpu.memory_space<semaphore_mem>>) src(%dma_wait3A_114 : memref<128x64xf32, #tpu.memory_space<hbm>>) dst(%arg11 : memref<128x64xf32, #tpu.memory_space<vmem>>)
    %dma_wait3A_115 = arith.constant 0 : i32
    %dma_wait3A_116 = arith.constant 0 : i32
    %dma_wait3A_117 = tpu.memref_slice %arg5[%dma_wait3A_115, %dma_wait3A_116] : memref<632x64xf32, #tpu.memory_space<hbm>> -> memref<128x64xf32, #tpu.memory_space<hbm>>
    %dma_wait3A_118 = arith.constant 0 : i32
    %dma_wait3A_119 = arith.constant 0 : i32
    %dma_wait3A_120 = tpu.memref_slice %arg5[%dma_wait3A_118, %dma_wait3A_119] : memref<632x64xf32, #tpu.memory_space<hbm>> -> memref<128x64xf32, #tpu.memory_space<hbm>>
    tpu.wait_dma2 semaphore(%arg18 : memref<!tpu.dma_semaphore, #tpu.memory_space<semaphore_mem>>) src(%dma_wait3A_120 : memref<128x64xf32, #tpu.memory_space<hbm>>) dst(%arg12 : memref<128x64xf32, #tpu.memory_space<vmem>>)
    %dma_start3A_121 = arith.constant 158 : i32
    %dma_start3A_122 = arith.constant 0 : i32
    %dma_start3A_123 = tpu.memref_slice %arg8[%dma_start3A_121, %dma_start3A_122] : memref<160x128xi32, #tpu.memory_space<vmem>> -> memref<1x128xi32, #tpu.memory_space<vmem>>
    %dma_start3A_124 = tpu.memref_squeeze %dma_start3A_123 : memref<1x128xi32, #tpu.memory_space<vmem>> -> memref<128xi32, #tpu.memory_space<vmem>>
    %dma_start3A_125 = arith.constant 0 : i32
    %dma_start3A_126 = arith.constant 0 : i32
    %dma_start3A_127 = tpu.memref_slice %arg14[%dma_start3A_125, %dma_start3A_126] : memref<10112x64xf32, #tpu.memory_space<vmem_shared>> -> memref<10112x64xf32, #tpu.memory_space<vmem_shared>>
    tpu.enqueue_indirect_dma source(%arg12 : memref<128x64xf32, #tpu.memory_space<vmem>>) target(%dma_start3A_127 : memref<10112x64xf32, #tpu.memory_space<vmem_shared>>) offsets(%dma_start3A_124 : memref<128xi32, #tpu.memory_space<vmem>>) semaphore(%arg23 : memref<!tpu.dma_semaphore, #tpu.memory_space<semaphore_mem>>) {add = true}
    %dma_wait3A_128 = arith.constant 0 : i32
    %dma_wait3A_129 = arith.constant 0 : i32
    %dma_wait3A_130 = tpu.memref_slice %arg5[%dma_wait3A_128, %dma_wait3A_129] : memref<632x64xf32, #tpu.memory_space<hbm>> -> memref<128x64xf32, #tpu.memory_space<hbm>>
    %dma_wait3A_131 = arith.constant 0 : i32
    %dma_wait3A_132 = arith.constant 0 : i32
    %dma_wait3A_133 = tpu.memref_slice %arg5[%dma_wait3A_131, %dma_wait3A_132] : memref<632x64xf32, #tpu.memory_space<hbm>> -> memref<128x64xf32, #tpu.memory_space<hbm>>
    tpu.wait_dma2 semaphore(%arg23 : memref<!tpu.dma_semaphore, #tpu.memory_space<semaphore_mem>>) src(%dma_wait3A_133 : memref<128x64xf32, #tpu.memory_space<hbm>>) dst(%arg12 : memref<128x64xf32, #tpu.memory_space<vmem>>)
    %dma_wait3A_134 = arith.constant 0 : i32
    %dma_wait3A_135 = arith.constant 0 : i32
    %dma_wait3A_136 = tpu.memref_slice %arg5[%dma_wait3A_134, %dma_wait3A_135] : memref<632x64xf32, #tpu.memory_space<hbm>> -> memref<128x64xf32, #tpu.memory_space<hbm>>
    %dma_wait3A_137 = arith.constant 0 : i32
    %dma_wait3A_138 = arith.constant 0 : i32
    %dma_wait3A_139 = tpu.memref_slice %arg5[%dma_wait3A_137, %dma_wait3A_138] : memref<632x64xf32, #tpu.memory_space<hbm>> -> memref<128x64xf32, #tpu.memory_space<hbm>>
    tpu.wait_dma2 semaphore(%arg19 : memref<!tpu.dma_semaphore, #tpu.memory_space<semaphore_mem>>) src(%dma_wait3A_139 : memref<128x64xf32, #tpu.memory_space<hbm>>) dst(%arg13 : memref<128x64xf32, #tpu.memory_space<vmem>>)
    %dma_start3A_140 = arith.constant 159 : i32
    %dma_start3A_141 = arith.constant 0 : i32
    %dma_start3A_142 = tpu.memref_slice %arg8[%dma_start3A_140, %dma_start3A_141] : memref<160x128xi32, #tpu.memory_space<vmem>> -> memref<1x128xi32, #tpu.memory_space<vmem>>
    %dma_start3A_143 = tpu.memref_squeeze %dma_start3A_142 : memref<1x128xi32, #tpu.memory_space<vmem>> -> memref<128xi32, #tpu.memory_space<vmem>>
    %dma_start3A_144 = arith.constant 0 : i32
    %dma_start3A_145 = arith.constant 0 : i32
    %dma_start3A_146 = tpu.memref_slice %arg14[%dma_start3A_144, %dma_start3A_145] : memref<10112x64xf32, #tpu.memory_space<vmem_shared>> -> memref<10112x64xf32, #tpu.memory_space<vmem_shared>>
    tpu.enqueue_indirect_dma source(%arg13 : memref<128x64xf32, #tpu.memory_space<vmem>>) target(%dma_start3A_146 : memref<10112x64xf32, #tpu.memory_space<vmem_shared>>) offsets(%dma_start3A_143 : memref<128xi32, #tpu.memory_space<vmem>>) semaphore(%arg24 : memref<!tpu.dma_semaphore, #tpu.memory_space<semaphore_mem>>) {add = true}
    %dma_wait3A_147 = arith.constant 0 : i32
    %dma_wait3A_148 = arith.constant 0 : i32
    %dma_wait3A_149 = tpu.memref_slice %arg5[%dma_wait3A_147, %dma_wait3A_148] : memref<632x64xf32, #tpu.memory_space<hbm>> -> memref<128x64xf32, #tpu.memory_space<hbm>>
    %dma_wait3A_150 = arith.constant 0 : i32
    %dma_wait3A_151 = arith.constant 0 : i32
    %dma_wait3A_152 = tpu.memref_slice %arg5[%dma_wait3A_150, %dma_wait3A_151] : memref<632x64xf32, #tpu.memory_space<hbm>> -> memref<128x64xf32, #tpu.memory_space<hbm>>
    tpu.wait_dma2 semaphore(%arg24 : memref<!tpu.dma_semaphore, #tpu.memory_space<semaphore_mem>>) src(%dma_wait3A_152 : memref<128x64xf32, #tpu.memory_space<hbm>>) dst(%arg13 : memref<128x64xf32, #tpu.memory_space<vmem>>)
    %barrier3A_153 = arith.constant 0 : index
    tpu.barrier barrier_id(%barrier3A_153)
    "tpu.region"() ({
      %run_scoped3A = tpu.sem_alloc : memref<!tpu.dma_semaphore, #tpu.memory_space<semaphore_mem>>
      %dma_start3A_154 = arith.constant 0 : i32
      %dma_start3A_155 = arith.constant 0 : i32
      %dma_start3A_156 = tpu.memref_slice %arg6[%arg0, %dma_start3A_154, %dma_start3A_155] : memref<2x10112x64xf32, #tpu.memory_space<hbm>> -> memref<1x10112x64xf32, #tpu.memory_space<hbm>>
      %dma_start3A_157 = tpu.memref_squeeze %dma_start3A_156 : memref<1x10112x64xf32, #tpu.memory_space<hbm>> -> memref<10112x64xf32, #tpu.memory_space<hbm>>
      %dma_start3A_158 = arith.constant 0 : i32
      %dma_start3A_159 = tpu.memref_slice %dma_start3A_157[%mul3A_54, %dma_start3A_158] : memref<10112x64xf32, #tpu.memory_space<hbm>> -> memref<632x64xf32, #tpu.memory_space<hbm>>
      %dma_start3A_160 = arith.constant 0 : i32
      %dma_start3A_161 = tpu.memref_slice %arg14[%mul3A_54, %dma_start3A_160] : memref<10112x64xf32, #tpu.memory_space<vmem_shared>> -> memref<632x64xf32, #tpu.memory_space<vmem_shared>>
      tpu.enqueue_dma source(%dma_start3A_161 : memref<632x64xf32, #tpu.memory_space<vmem_shared>>) target(%dma_start3A_159 : memref<632x64xf32, #tpu.memory_space<hbm>>) target_semaphore(%run_scoped3A : memref<!tpu.dma_semaphore, #tpu.memory_space<semaphore_mem>>)
      %dma_wait3A_162 = arith.constant 0 : i32
      %dma_wait3A_163 = arith.constant 0 : i32
      %dma_wait3A_164 = tpu.memref_slice %arg6[%arg0, %dma_wait3A_162, %dma_wait3A_163] : memref<2x10112x64xf32, #tpu.memory_space<hbm>> -> memref<1x10112x64xf32, #tpu.memory_space<hbm>>
      %dma_wait3A_165 = tpu.memref_squeeze %dma_wait3A_164 : memref<1x10112x64xf32, #tpu.memory_space<hbm>> -> memref<10112x64xf32, #tpu.memory_space<hbm>>
      %dma_wait3A_166 = arith.constant 0 : i32
      %dma_wait3A_167 = tpu.memref_slice %dma_wait3A_165[%mul3A_54, %dma_wait3A_166] : memref<10112x64xf32, #tpu.memory_space<hbm>> -> memref<632x64xf32, #tpu.memory_space<hbm>>
      %dma_wait3A_168 = arith.constant 0 : i32
      %dma_wait3A_169 = tpu.memref_slice %arg14[%mul3A_54, %dma_wait3A_168] : memref<10112x64xf32, #tpu.memory_space<vmem_shared>> -> memref<632x64xf32, #tpu.memory_space<vmem_shared>>
      tpu.wait_dma2 semaphore(%run_scoped3A : memref<!tpu.dma_semaphore, #tpu.memory_space<semaphore_mem>>) src(%dma_wait3A_169 : memref<632x64xf32, #tpu.memory_space<vmem_shared>>) dst(%dma_wait3A_167 : memref<632x64xf32, #tpu.memory_space<hbm>>)
      tpu.yield
    }) : () -> ()
    return
  }
}

#map = affine_map<(d0, d1) -> (0, 0, 0)>
#map1 = affine_map<(d0, d1) -> (0, 0)>
module attributes {stable_mosaic.version = 14 : i64} {
  func.func @k(%arg0: i32, %arg1: i32, %arg2: memref<2x10112x64xf32, #tpu.memory_space<hbm>>, %arg3: memref<16x160x128xi32, #tpu.memory_space<hbm>>, %arg4: memref<16x160x128xi32, #tpu.memory_space<hbm>>, %arg5: memref<632x64xf32, #tpu.memory_space<hbm>>, %arg6: memref<2x10112x64xf32, #tpu.memory_space<hbm>>, %arg7: memref<160x128xi32, #tpu.memory_space<vmem>>, %arg8: memref<160x128xi32, #tpu.memory_space<vmem>>, %arg9: memref<128x64xf32, #tpu.memory_space<vmem>>, %arg10: memref<128x64xf32, #tpu.memory_space<vmem>>, %arg11: memref<128x64xf32, #tpu.memory_space<vmem>>, %arg12: memref<128x64xf32, #tpu.memory_space<vmem>>, %arg13: memref<128x64xf32, #tpu.memory_space<vmem>>, %arg14: memref<10112x64xf32, #tpu.memory_space<vmem_shared>>, %arg15: memref<!tpu.dma_semaphore, #tpu.memory_space<semaphore_mem>>, %arg16: memref<!tpu.dma_semaphore, #tpu.memory_space<semaphore_mem>>, %arg17: memref<!tpu.dma_semaphore, #tpu.memory_space<semaphore_mem>>, %arg18: memref<!tpu.dma_semaphore, #tpu.memory_space<semaphore_mem>>, %arg19: memref<!tpu.dma_semaphore, #tpu.memory_space<semaphore_mem>>, %arg20: memref<!tpu.dma_semaphore, #tpu.memory_space<semaphore_mem>>, %arg21: memref<!tpu.dma_semaphore, #tpu.memory_space<semaphore_mem>>, %arg22: memref<!tpu.dma_semaphore, #tpu.memory_space<semaphore_mem>>, %arg23: memref<!tpu.dma_semaphore, #tpu.memory_space<semaphore_mem>>, %arg24: memref<!tpu.dma_semaphore, #tpu.memory_space<semaphore_mem>>) attributes {dimension_semantics = [#tpu.dimension_semantics<core_parallel>, #tpu.dimension_semantics<subcore_parallel>], iteration_bounds = array<i64: 2, 16>, scalar_prefetch = 0 : i64, scratch_operands = 18 : i64, tpu.core_type = #tpu.core_type<sc_vector_subcore>, window_params = [{transform_indices = #map}, {transform_indices = #map}, {transform_indices = #map}, {transform_indices = #map1}, {transform_indices = #map}]} {
    "tpu.region"() ({
      %run_scoped3A = tpu.sem_alloc : memref<!tpu.dma_semaphore, #tpu.memory_space<semaphore_mem>>
      %dma_start3A_154 = arith.constant 0 : i32
      %dma_start3A_155 = arith.constant 0 : i32
      %dma_start3A_156 = tpu.memref_slice %arg3[%arg1, %dma_start3A_154, %dma_start3A_155] : memref<16x160x128xi32, #tpu.memory_space<hbm>> -> memref<1x160x128xi32, #tpu.memory_space<hbm>>
      %dma_start3A_157 = tpu.memref_squeeze %dma_start3A_156 : memref<1x160x128xi32, #tpu.memory_space<hbm>> -> memref<160x128xi32, #tpu.memory_space<hbm>>
      %dma_start3A_158 = arith.constant 0 : i32
      %dma_start3A_159 = arith.constant 0 : i32
      %dma_start3A_160 = tpu.memref_slice %arg3[%arg1, %dma_start3A_158, %dma_start3A_159] : memref<16x160x128xi32, #tpu.memory_space<hbm>> -> memref<1x160x128xi32, #tpu.memory_space<hbm>>
      %dma_start3A_161 = tpu.memref_squeeze %dma_start3A_160 : memref<1x160x128xi32, #tpu.memory_space<hbm>> -> memref<160x128xi32, #tpu.memory_space<hbm>>
      tpu.enqueue_dma source(%dma_start3A_161 : memref<160x128xi32, #tpu.memory_space<hbm>>) target(%arg7 : memref<160x128xi32, #tpu.memory_space<vmem>>) target_semaphore(%run_scoped3A : memref<!tpu.dma_semaphore, #tpu.memory_space<semaphore_mem>>)
      %dma_wait3A_162 = arith.constant 0 : i32
      %dma_wait3A_163 = arith.constant 0 : i32
      %dma_wait3A_164 = tpu.memref_slice %arg3[%arg1, %dma_wait3A_162, %dma_wait3A_163] : memref<16x160x128xi32, #tpu.memory_space<hbm>> -> memref<1x160x128xi32, #tpu.memory_space<hbm>>
      %dma_wait3A_165 = tpu.memref_squeeze %dma_wait3A_164 : memref<1x160x128xi32, #tpu.memory_space<hbm>> -> memref<160x128xi32, #tpu.memory_space<hbm>>
      %dma_wait3A_166 = arith.constant 0 : i32
      %dma_wait3A_167 = arith.constant 0 : i32
      %dma_wait3A_168 = tpu.memref_slice %arg3[%arg1, %dma_wait3A_166, %dma_wait3A_167] : memref<16x160x128xi32, #tpu.memory_space<hbm>> -> memref<1x160x128xi32, #tpu.memory_space<hbm>>
      %dma_wait3A_169 = tpu.memref_squeeze %dma_wait3A_168 : memref<1x160x128xi32, #tpu.memory_space<hbm>> -> memref<160x128xi32, #tpu.memory_space<hbm>>
      tpu.wait_dma2 semaphore(%run_scoped3A : memref<!tpu.dma_semaphore, #tpu.memory_space<semaphore_mem>>) src(%dma_wait3A_169 : memref<160x128xi32, #tpu.memory_space<hbm>>) dst(%arg7 : memref<160x128xi32, #tpu.memory_space<vmem>>)
      tpu.yield
    }) : () -> ()
    %dma_start3A = arith.constant 0 : i32
    %dma_start3A_0 = arith.constant 0 : i32
    %dma_start3A_1 = tpu.memref_slice %arg7[%dma_start3A, %dma_start3A_0] : memref<160x128xi32, #tpu.memory_space<vmem>> -> memref<1x128xi32, #tpu.memory_space<vmem>>
    %dma_start3A_2 = tpu.memref_squeeze %dma_start3A_1 : memref<1x128xi32, #tpu.memory_space<vmem>> -> memref<128xi32, #tpu.memory_space<vmem>>
    %dma_start3A_3 = arith.constant 0 : i32
    %dma_start3A_4 = arith.constant 0 : i32
    %dma_start3A_5 = tpu.memref_slice %arg2[%arg0, %dma_start3A_3, %dma_start3A_4] : memref<2x10112x64xf32, #tpu.memory_space<hbm>> -> memref<1x10112x64xf32, #tpu.memory_space<hbm>>
    %dma_start3A_6 = tpu.memref_squeeze %dma_start3A_5 : memref<1x10112x64xf32, #tpu.memory_space<hbm>> -> memref<10112x64xf32, #tpu.memory_space<hbm>>
    %dma_start3A_7 = arith.constant 0 : i32
    %dma_start3A_8 = arith.constant 0 : i32
    %dma_start3A_9 = tpu.memref_slice %dma_start3A_6[%dma_start3A_7, %dma_start3A_8] : memref<10112x64xf32, #tpu.memory_space<hbm>> -> memref<10112x64xf32, #tpu.memory_space<hbm>>
    tpu.enqueue_indirect_dma source(%dma_start3A_9 : memref<10112x64xf32, #tpu.memory_space<hbm>>) target(%arg9 : memref<128x64xf32, #tpu.memory_space<vmem>>) offsets(%dma_start3A_2 : memref<128xi32, #tpu.memory_space<vmem>>) semaphore(%arg15 : memref<!tpu.dma_semaphore, #tpu.memory_space<semaphore_mem>>)
    %dma_start3A_10 = arith.constant 1 : i32
    %dma_start3A_11 = arith.constant 0 : i32
    %dma_start3A_12 = tpu.memref_slice %arg7[%dma_start3A_10, %dma_start3A_11] : memref<160x128xi32, #tpu.memory_space<vmem>> -> memref<1x128xi32, #tpu.memory_space<vmem>>
    %dma_start3A_13 = tpu.memref_squeeze %dma_start3A_12 : memref<1x128xi32, #tpu.memory_space<vmem>> -> memref<128xi32, #tpu.memory_space<vmem>>
    %dma_start3A_14 = arith.constant 0 : i32
    %dma_start3A_15 = arith.constant 0 : i32
    %dma_start3A_16 = tpu.memref_slice %arg2[%arg0, %dma_start3A_14, %dma_start3A_15] : memref<2x10112x64xf32, #tpu.memory_space<hbm>> -> memref<1x10112x64xf32, #tpu.memory_space<hbm>>
    %dma_start3A_17 = tpu.memref_squeeze %dma_start3A_16 : memref<1x10112x64xf32, #tpu.memory_space<hbm>> -> memref<10112x64xf32, #tpu.memory_space<hbm>>
    %dma_start3A_18 = arith.constant 0 : i32
    %dma_start3A_19 = arith.constant 0 : i32
    %dma_start3A_20 = tpu.memref_slice %dma_start3A_17[%dma_start3A_18, %dma_start3A_19] : memref<10112x64xf32, #tpu.memory_space<hbm>> -> memref<10112x64xf32, #tpu.memory_space<hbm>>
    tpu.enqueue_indirect_dma source(%dma_start3A_20 : memref<10112x64xf32, #tpu.memory_space<hbm>>) target(%arg10 : memref<128x64xf32, #tpu.memory_space<vmem>>) offsets(%dma_start3A_13 : memref<128xi32, #tpu.memory_space<vmem>>) semaphore(%arg16 : memref<!tpu.dma_semaphore, #tpu.memory_space<semaphore_mem>>)
    %dma_start3A_21 = arith.constant 2 : i32
    %dma_start3A_22 = arith.constant 0 : i32
    %dma_start3A_23 = tpu.memref_slice %arg7[%dma_start3A_21, %dma_start3A_22] : memref<160x128xi32, #tpu.memory_space<vmem>> -> memref<1x128xi32, #tpu.memory_space<vmem>>
    %dma_start3A_24 = tpu.memref_squeeze %dma_start3A_23 : memref<1x128xi32, #tpu.memory_space<vmem>> -> memref<128xi32, #tpu.memory_space<vmem>>
    %dma_start3A_25 = arith.constant 0 : i32
    %dma_start3A_26 = arith.constant 0 : i32
    %dma_start3A_27 = tpu.memref_slice %arg2[%arg0, %dma_start3A_25, %dma_start3A_26] : memref<2x10112x64xf32, #tpu.memory_space<hbm>> -> memref<1x10112x64xf32, #tpu.memory_space<hbm>>
    %dma_start3A_28 = tpu.memref_squeeze %dma_start3A_27 : memref<1x10112x64xf32, #tpu.memory_space<hbm>> -> memref<10112x64xf32, #tpu.memory_space<hbm>>
    %dma_start3A_29 = arith.constant 0 : i32
    %dma_start3A_30 = arith.constant 0 : i32
    %dma_start3A_31 = tpu.memref_slice %dma_start3A_28[%dma_start3A_29, %dma_start3A_30] : memref<10112x64xf32, #tpu.memory_space<hbm>> -> memref<10112x64xf32, #tpu.memory_space<hbm>>
    tpu.enqueue_indirect_dma source(%dma_start3A_31 : memref<10112x64xf32, #tpu.memory_space<hbm>>) target(%arg11 : memref<128x64xf32, #tpu.memory_space<vmem>>) offsets(%dma_start3A_24 : memref<128xi32, #tpu.memory_space<vmem>>) semaphore(%arg17 : memref<!tpu.dma_semaphore, #tpu.memory_space<semaphore_mem>>)
    %dma_start3A_32 = arith.constant 3 : i32
    %dma_start3A_33 = arith.constant 0 : i32
    %dma_start3A_34 = tpu.memref_slice %arg7[%dma_start3A_32, %dma_start3A_33] : memref<160x128xi32, #tpu.memory_space<vmem>> -> memref<1x128xi32, #tpu.memory_space<vmem>>
    %dma_start3A_35 = tpu.memref_squeeze %dma_start3A_34 : memref<1x128xi32, #tpu.memory_space<vmem>> -> memref<128xi32, #tpu.memory_space<vmem>>
    %dma_start3A_36 = arith.constant 0 : i32
    %dma_start3A_37 = arith.constant 0 : i32
    %dma_start3A_38 = tpu.memref_slice %arg2[%arg0, %dma_start3A_36, %dma_start3A_37] : memref<2x10112x64xf32, #tpu.memory_space<hbm>> -> memref<1x10112x64xf32, #tpu.memory_space<hbm>>
    %dma_start3A_39 = tpu.memref_squeeze %dma_start3A_38 : memref<1x10112x64xf32, #tpu.memory_space<hbm>> -> memref<10112x64xf32, #tpu.memory_space<hbm>>
    %dma_start3A_40 = arith.constant 0 : i32
    %dma_start3A_41 = arith.constant 0 : i32
    %dma_start3A_42 = tpu.memref_slice %dma_start3A_39[%dma_start3A_40, %dma_start3A_41] : memref<10112x64xf32, #tpu.memory_space<hbm>> -> memref<10112x64xf32, #tpu.memory_space<hbm>>
    tpu.enqueue_indirect_dma source(%dma_start3A_42 : memref<10112x64xf32, #tpu.memory_space<hbm>>) target(%arg12 : memref<128x64xf32, #tpu.memory_space<vmem>>) offsets(%dma_start3A_35 : memref<128xi32, #tpu.memory_space<vmem>>) semaphore(%arg18 : memref<!tpu.dma_semaphore, #tpu.memory_space<semaphore_mem>>)
    %dma_start3A_43 = arith.constant 4 : i32
    %dma_start3A_44 = arith.constant 0 : i32
    %dma_start3A_45 = tpu.memref_slice %arg7[%dma_start3A_43, %dma_start3A_44] : memref<160x128xi32, #tpu.memory_space<vmem>> -> memref<1x128xi32, #tpu.memory_space<vmem>>
    %dma_start3A_46 = tpu.memref_squeeze %dma_start3A_45 : memref<1x128xi32, #tpu.memory_space<vmem>> -> memref<128xi32, #tpu.memory_space<vmem>>
    %dma_start3A_47 = arith.constant 0 : i32
    %dma_start3A_48 = arith.constant 0 : i32
    %dma_start3A_49 = tpu.memref_slice %arg2[%arg0, %dma_start3A_47, %dma_start3A_48] : memref<2x10112x64xf32, #tpu.memory_space<hbm>> -> memref<1x10112x64xf32, #tpu.memory_space<hbm>>
    %dma_start3A_50 = tpu.memref_squeeze %dma_start3A_49 : memref<1x10112x64xf32, #tpu.memory_space<hbm>> -> memref<10112x64xf32, #tpu.memory_space<hbm>>
    %dma_start3A_51 = arith.constant 0 : i32
    %dma_start3A_52 = arith.constant 0 : i32
    %dma_start3A_53 = tpu.memref_slice %dma_start3A_50[%dma_start3A_51, %dma_start3A_52] : memref<10112x64xf32, #tpu.memory_space<hbm>> -> memref<10112x64xf32, #tpu.memory_space<hbm>>
    tpu.enqueue_indirect_dma source(%dma_start3A_53 : memref<10112x64xf32, #tpu.memory_space<hbm>>) target(%arg13 : memref<128x64xf32, #tpu.memory_space<vmem>>) offsets(%dma_start3A_46 : memref<128xi32, #tpu.memory_space<vmem>>) semaphore(%arg19 : memref<!tpu.dma_semaphore, #tpu.memory_space<semaphore_mem>>)
    "tpu.region"() ({
      %run_scoped3A = tpu.sem_alloc : memref<!tpu.dma_semaphore, #tpu.memory_space<semaphore_mem>>
      %dma_start3A_154 = arith.constant 0 : i32
      %dma_start3A_155 = arith.constant 0 : i32
      %dma_start3A_156 = tpu.memref_slice %arg4[%arg1, %dma_start3A_154, %dma_start3A_155] : memref<16x160x128xi32, #tpu.memory_space<hbm>> -> memref<1x160x128xi32, #tpu.memory_space<hbm>>
      %dma_start3A_157 = tpu.memref_squeeze %dma_start3A_156 : memref<1x160x128xi32, #tpu.memory_space<hbm>> -> memref<160x128xi32, #tpu.memory_space<hbm>>
      %dma_start3A_158 = arith.constant 0 : i32
      %dma_start3A_159 = arith.constant 0 : i32
      %dma_start3A_160 = tpu.memref_slice %arg4[%arg1, %dma_start3A_158, %dma_start3A_159] : memref<16x160x128xi32, #tpu.memory_space<hbm>> -> memref<1x160x128xi32, #tpu.memory_space<hbm>>
      %dma_start3A_161 = tpu.memref_squeeze %dma_start3A_160 : memref<1x160x128xi32, #tpu.memory_space<hbm>> -> memref<160x128xi32, #tpu.memory_space<hbm>>
      tpu.enqueue_dma source(%dma_start3A_161 : memref<160x128xi32, #tpu.memory_space<hbm>>) target(%arg8 : memref<160x128xi32, #tpu.memory_space<vmem>>) target_semaphore(%run_scoped3A : memref<!tpu.dma_semaphore, #tpu.memory_space<semaphore_mem>>)
      %dma_wait3A_162 = arith.constant 0 : i32
      %dma_wait3A_163 = arith.constant 0 : i32
      %dma_wait3A_164 = tpu.memref_slice %arg4[%arg1, %dma_wait3A_162, %dma_wait3A_163] : memref<16x160x128xi32, #tpu.memory_space<hbm>> -> memref<1x160x128xi32, #tpu.memory_space<hbm>>
      %dma_wait3A_165 = tpu.memref_squeeze %dma_wait3A_164 : memref<1x160x128xi32, #tpu.memory_space<hbm>> -> memref<160x128xi32, #tpu.memory_space<hbm>>
      %dma_wait3A_166 = arith.constant 0 : i32
      %dma_wait3A_167 = arith.constant 0 : i32
      %dma_wait3A_168 = tpu.memref_slice %arg4[%arg1, %dma_wait3A_166, %dma_wait3A_167] : memref<16x160x128xi32, #tpu.memory_space<hbm>> -> memref<1x160x128xi32, #tpu.memory_space<hbm>>
      %dma_wait3A_169 = tpu.memref_squeeze %dma_wait3A_168 : memref<1x160x128xi32, #tpu.memory_space<hbm>> -> memref<160x128xi32, #tpu.memory_space<hbm>>
      tpu.wait_dma2 semaphore(%run_scoped3A : memref<!tpu.dma_semaphore, #tpu.memory_space<semaphore_mem>>) src(%dma_wait3A_169 : memref<160x128xi32, #tpu.memory_space<hbm>>) dst(%arg8 : memref<160x128xi32, #tpu.memory_space<vmem>>)
      tpu.yield
    }) : () -> ()
    %mul3A = arith.constant 632 : i32
    %mul3A_54 = arith.muli %arg1, %mul3A : i32
    "tpu.region"() ({
      %run_scoped3A = tpu.sem_alloc : memref<!tpu.dma_semaphore, #tpu.memory_space<semaphore_mem>>
      %dma_start3A_154 = arith.constant 0 : i32
      %dma_start3A_155 = tpu.memref_slice %arg14[%mul3A_54, %dma_start3A_154] : memref<10112x64xf32, #tpu.memory_space<vmem_shared>> -> memref<632x64xf32, #tpu.memory_space<vmem_shared>>
      tpu.enqueue_dma source(%arg5 : memref<632x64xf32, #tpu.memory_space<hbm>>) target(%dma_start3A_155 : memref<632x64xf32, #tpu.memory_space<vmem_shared>>) target_semaphore(%run_scoped3A : memref<!tpu.dma_semaphore, #tpu.memory_space<semaphore_mem>>)
      %dma_wait3A_156 = arith.constant 0 : i32
      %dma_wait3A_157 = tpu.memref_slice %arg14[%mul3A_54, %dma_wait3A_156] : memref<10112x64xf32, #tpu.memory_space<vmem_shared>> -> memref<632x64xf32, #tpu.memory_space<vmem_shared>>
      tpu.wait_dma2 semaphore(%run_scoped3A : memref<!tpu.dma_semaphore, #tpu.memory_space<semaphore_mem>>) src(%arg5 : memref<632x64xf32, #tpu.memory_space<hbm>>) dst(%dma_wait3A_157 : memref<632x64xf32, #tpu.memory_space<vmem_shared>>)
      tpu.yield
    }) : () -> ()
    %barrier3A = arith.constant 0 : index
    tpu.barrier barrier_id(%barrier3A)
    %scan3A = arith.constant 0 : i32
    %scan3A_55 = arith.constant 31 : i32
    %scan3A_56 = arith.addi %scan3A, %scan3A_55 : i32
    %scan3A_57 = arith.constant 1 : i32
    scf.for %scan3A_154 = %scan3A to %scan3A_56 step %scan3A_57  : i32 {
      %mul3A_155 = arith.constant 5 : i32
      %mul3A_156 = arith.muli %scan3A_154, %mul3A_155 : i32
      %add3A = arith.constant 0 : i32
      %add3A_157 = arith.addi %add3A, %mul3A_156 : i32
      %add3A_158 = arith.constant 0 : i32
      %add3A_159 = arith.addi %add3A_157, %add3A_158 : i32
      %dma_wait3A_160 = arith.constant 0 : i32
      %dma_wait3A_161 = arith.constant 0 : i32
      %dma_wait3A_162 = tpu.memref_slice %arg5[%dma_wait3A_160, %dma_wait3A_161] : memref<632x64xf32, #tpu.memory_space<hbm>> -> memref<128x64xf32, #tpu.memory_space<hbm>>
      %dma_wait3A_163 = arith.constant 0 : i32
      %dma_wait3A_164 = arith.constant 0 : i32
      %dma_wait3A_165 = tpu.memref_slice %arg5[%dma_wait3A_163, %dma_wait3A_164] : memref<632x64xf32, #tpu.memory_space<hbm>> -> memref<128x64xf32, #tpu.memory_space<hbm>>
      tpu.wait_dma2 semaphore(%arg15 : memref<!tpu.dma_semaphore, #tpu.memory_space<semaphore_mem>>) src(%dma_wait3A_165 : memref<128x64xf32, #tpu.memory_space<hbm>>) dst(%arg9 : memref<128x64xf32, #tpu.memory_space<vmem>>)
      %dma_start3A_166 = arith.constant 0 : i32
      %dma_start3A_167 = tpu.memref_slice %arg8[%add3A_159, %dma_start3A_166] : memref<160x128xi32, #tpu.memory_space<vmem>> -> memref<1x128xi32, #tpu.memory_space<vmem>>
      %dma_start3A_168 = tpu.memref_squeeze %dma_start3A_167 : memref<1x128xi32, #tpu.memory_space<vmem>> -> memref<128xi32, #tpu.memory_space<vmem>>
      %dma_start3A_169 = arith.constant 0 : i32
      %dma_start3A_170 = arith.constant 0 : i32
      %dma_start3A_171 = tpu.memref_slice %arg14[%dma_start3A_169, %dma_start3A_170] : memref<10112x64xf32, #tpu.memory_space<vmem_shared>> -> memref<10112x64xf32, #tpu.memory_space<vmem_shared>>
      tpu.enqueue_indirect_dma source(%arg9 : memref<128x64xf32, #tpu.memory_space<vmem>>) target(%dma_start3A_171 : memref<10112x64xf32, #tpu.memory_space<vmem_shared>>) offsets(%dma_start3A_168 : memref<128xi32, #tpu.memory_space<vmem>>) semaphore(%arg20 : memref<!tpu.dma_semaphore, #tpu.memory_space<semaphore_mem>>) {add = true}
      %dma_wait3A_172 = arith.constant 0 : i32
      %dma_wait3A_173 = arith.constant 0 : i32
      %dma_wait3A_174 = tpu.memref_slice %arg5[%dma_wait3A_172, %dma_wait3A_173] : memref<632x64xf32, #tpu.memory_space<hbm>> -> memref<128x64xf32, #tpu.memory_space<hbm>>
      %dma_wait3A_175 = arith.constant 0 : i32
      %dma_wait3A_176 = arith.constant 0 : i32
      %dma_wait3A_177 = tpu.memref_slice %arg5[%dma_wait3A_175, %dma_wait3A_176] : memref<632x64xf32, #tpu.memory_space<hbm>> -> memref<128x64xf32, #tpu.memory_space<hbm>>
      tpu.wait_dma2 semaphore(%arg20 : memref<!tpu.dma_semaphore, #tpu.memory_space<semaphore_mem>>) src(%dma_wait3A_177 : memref<128x64xf32, #tpu.memory_space<hbm>>) dst(%arg9 : memref<128x64xf32, #tpu.memory_space<vmem>>)
      %add3A_178 = arith.constant 5 : i32
      %add3A_179 = arith.addi %add3A_159, %add3A_178 : i32
      %dma_start3A_180 = arith.constant 0 : i32
      %dma_start3A_181 = tpu.memref_slice %arg7[%add3A_179, %dma_start3A_180] : memref<160x128xi32, #tpu.memory_space<vmem>> -> memref<1x128xi32, #tpu.memory_space<vmem>>
      %dma_start3A_182 = tpu.memref_squeeze %dma_start3A_181 : memref<1x128xi32, #tpu.memory_space<vmem>> -> memref<128xi32, #tpu.memory_space<vmem>>
      %dma_start3A_183 = arith.constant 0 : i32
      %dma_start3A_184 = arith.constant 0 : i32
      %dma_start3A_185 = tpu.memref_slice %arg2[%arg0, %dma_start3A_183, %dma_start3A_184] : memref<2x10112x64xf32, #tpu.memory_space<hbm>> -> memref<1x10112x64xf32, #tpu.memory_space<hbm>>
      %dma_start3A_186 = tpu.memref_squeeze %dma_start3A_185 : memref<1x10112x64xf32, #tpu.memory_space<hbm>> -> memref<10112x64xf32, #tpu.memory_space<hbm>>
      %dma_start3A_187 = arith.constant 0 : i32
      %dma_start3A_188 = arith.constant 0 : i32
      %dma_start3A_189 = tpu.memref_slice %dma_start3A_186[%dma_start3A_187, %dma_start3A_188] : memref<10112x64xf32, #tpu.memory_space<hbm>> -> memref<10112x64xf32, #tpu.memory_space<hbm>>
      tpu.enqueue_indirect_dma source(%dma_start3A_189 : memref<10112x64xf32, #tpu.memory_space<hbm>>) target(%arg9 : memref<128x64xf32, #tpu.memory_space<vmem>>) offsets(%dma_start3A_182 : memref<128xi32, #tpu.memory_space<vmem>>) semaphore(%arg15 : memref<!tpu.dma_semaphore, #tpu.memory_space<semaphore_mem>>)
      %add3A_190 = arith.constant 1 : i32
      %add3A_191 = arith.addi %add3A_157, %add3A_190 : i32
      %dma_wait3A_192 = arith.constant 0 : i32
      %dma_wait3A_193 = arith.constant 0 : i32
      %dma_wait3A_194 = tpu.memref_slice %arg5[%dma_wait3A_192, %dma_wait3A_193] : memref<632x64xf32, #tpu.memory_space<hbm>> -> memref<128x64xf32, #tpu.memory_space<hbm>>
      %dma_wait3A_195 = arith.constant 0 : i32
      %dma_wait3A_196 = arith.constant 0 : i32
      %dma_wait3A_197 = tpu.memref_slice %arg5[%dma_wait3A_195, %dma_wait3A_196] : memref<632x64xf32, #tpu.memory_space<hbm>> -> memref<128x64xf32, #tpu.memory_space<hbm>>
      tpu.wait_dma2 semaphore(%arg16 : memref<!tpu.dma_semaphore, #tpu.memory_space<semaphore_mem>>) src(%dma_wait3A_197 : memref<128x64xf32, #tpu.memory_space<hbm>>) dst(%arg10 : memref<128x64xf32, #tpu.memory_space<vmem>>)
      %dma_start3A_198 = arith.constant 0 : i32
      %dma_start3A_199 = tpu.memref_slice %arg8[%add3A_191, %dma_start3A_198] : memref<160x128xi32, #tpu.memory_space<vmem>> -> memref<1x128xi32, #tpu.memory_space<vmem>>
      %dma_start3A_200 = tpu.memref_squeeze %dma_start3A_199 : memref<1x128xi32, #tpu.memory_space<vmem>> -> memref<128xi32, #tpu.memory_space<vmem>>
      %dma_start3A_201 = arith.constant 0 : i32
      %dma_start3A_202 = arith.constant 0 : i32
      %dma_start3A_203 = tpu.memref_slice %arg14[%dma_start3A_201, %dma_start3A_202] : memref<10112x64xf32, #tpu.memory_space<vmem_shared>> -> memref<10112x64xf32, #tpu.memory_space<vmem_shared>>
      tpu.enqueue_indirect_dma source(%arg10 : memref<128x64xf32, #tpu.memory_space<vmem>>) target(%dma_start3A_203 : memref<10112x64xf32, #tpu.memory_space<vmem_shared>>) offsets(%dma_start3A_200 : memref<128xi32, #tpu.memory_space<vmem>>) semaphore(%arg21 : memref<!tpu.dma_semaphore, #tpu.memory_space<semaphore_mem>>) {add = true}
      %dma_wait3A_204 = arith.constant 0 : i32
      %dma_wait3A_205 = arith.constant 0 : i32
      %dma_wait3A_206 = tpu.memref_slice %arg5[%dma_wait3A_204, %dma_wait3A_205] : memref<632x64xf32, #tpu.memory_space<hbm>> -> memref<128x64xf32, #tpu.memory_space<hbm>>
      %dma_wait3A_207 = arith.constant 0 : i32
      %dma_wait3A_208 = arith.constant 0 : i32
      %dma_wait3A_209 = tpu.memref_slice %arg5[%dma_wait3A_207, %dma_wait3A_208] : memref<632x64xf32, #tpu.memory_space<hbm>> -> memref<128x64xf32, #tpu.memory_space<hbm>>
      tpu.wait_dma2 semaphore(%arg21 : memref<!tpu.dma_semaphore, #tpu.memory_space<semaphore_mem>>) src(%dma_wait3A_209 : memref<128x64xf32, #tpu.memory_space<hbm>>) dst(%arg10 : memref<128x64xf32, #tpu.memory_space<vmem>>)
      %add3A_210 = arith.constant 5 : i32
      %add3A_211 = arith.addi %add3A_191, %add3A_210 : i32
      %dma_start3A_212 = arith.constant 0 : i32
      %dma_start3A_213 = tpu.memref_slice %arg7[%add3A_211, %dma_start3A_212] : memref<160x128xi32, #tpu.memory_space<vmem>> -> memref<1x128xi32, #tpu.memory_space<vmem>>
      %dma_start3A_214 = tpu.memref_squeeze %dma_start3A_213 : memref<1x128xi32, #tpu.memory_space<vmem>> -> memref<128xi32, #tpu.memory_space<vmem>>
      %dma_start3A_215 = arith.constant 0 : i32
      %dma_start3A_216 = arith.constant 0 : i32
      %dma_start3A_217 = tpu.memref_slice %arg2[%arg0, %dma_start3A_215, %dma_start3A_216] : memref<2x10112x64xf32, #tpu.memory_space<hbm>> -> memref<1x10112x64xf32, #tpu.memory_space<hbm>>
      %dma_start3A_218 = tpu.memref_squeeze %dma_start3A_217 : memref<1x10112x64xf32, #tpu.memory_space<hbm>> -> memref<10112x64xf32, #tpu.memory_space<hbm>>
      %dma_start3A_219 = arith.constant 0 : i32
      %dma_start3A_220 = arith.constant 0 : i32
      %dma_start3A_221 = tpu.memref_slice %dma_start3A_218[%dma_start3A_219, %dma_start3A_220] : memref<10112x64xf32, #tpu.memory_space<hbm>> -> memref<10112x64xf32, #tpu.memory_space<hbm>>
      tpu.enqueue_indirect_dma source(%dma_start3A_221 : memref<10112x64xf32, #tpu.memory_space<hbm>>) target(%arg10 : memref<128x64xf32, #tpu.memory_space<vmem>>) offsets(%dma_start3A_214 : memref<128xi32, #tpu.memory_space<vmem>>) semaphore(%arg16 : memref<!tpu.dma_semaphore, #tpu.memory_space<semaphore_mem>>)
      %add3A_222 = arith.constant 2 : i32
      %add3A_223 = arith.addi %add3A_157, %add3A_222 : i32
      %dma_wait3A_224 = arith.constant 0 : i32
      %dma_wait3A_225 = arith.constant 0 : i32
      %dma_wait3A_226 = tpu.memref_slice %arg5[%dma_wait3A_224, %dma_wait3A_225] : memref<632x64xf32, #tpu.memory_space<hbm>> -> memref<128x64xf32, #tpu.memory_space<hbm>>
      %dma_wait3A_227 = arith.constant 0 : i32
      %dma_wait3A_228 = arith.constant 0 : i32
      %dma_wait3A_229 = tpu.memref_slice %arg5[%dma_wait3A_227, %dma_wait3A_228] : memref<632x64xf32, #tpu.memory_space<hbm>> -> memref<128x64xf32, #tpu.memory_space<hbm>>
      tpu.wait_dma2 semaphore(%arg17 : memref<!tpu.dma_semaphore, #tpu.memory_space<semaphore_mem>>) src(%dma_wait3A_229 : memref<128x64xf32, #tpu.memory_space<hbm>>) dst(%arg11 : memref<128x64xf32, #tpu.memory_space<vmem>>)
      %dma_start3A_230 = arith.constant 0 : i32
      %dma_start3A_231 = tpu.memref_slice %arg8[%add3A_223, %dma_start3A_230] : memref<160x128xi32, #tpu.memory_space<vmem>> -> memref<1x128xi32, #tpu.memory_space<vmem>>
      %dma_start3A_232 = tpu.memref_squeeze %dma_start3A_231 : memref<1x128xi32, #tpu.memory_space<vmem>> -> memref<128xi32, #tpu.memory_space<vmem>>
      %dma_start3A_233 = arith.constant 0 : i32
      %dma_start3A_234 = arith.constant 0 : i32
      %dma_start3A_235 = tpu.memref_slice %arg14[%dma_start3A_233, %dma_start3A_234] : memref<10112x64xf32, #tpu.memory_space<vmem_shared>> -> memref<10112x64xf32, #tpu.memory_space<vmem_shared>>
      tpu.enqueue_indirect_dma source(%arg11 : memref<128x64xf32, #tpu.memory_space<vmem>>) target(%dma_start3A_235 : memref<10112x64xf32, #tpu.memory_space<vmem_shared>>) offsets(%dma_start3A_232 : memref<128xi32, #tpu.memory_space<vmem>>) semaphore(%arg22 : memref<!tpu.dma_semaphore, #tpu.memory_space<semaphore_mem>>) {add = true}
      %dma_wait3A_236 = arith.constant 0 : i32
      %dma_wait3A_237 = arith.constant 0 : i32
      %dma_wait3A_238 = tpu.memref_slice %arg5[%dma_wait3A_236, %dma_wait3A_237] : memref<632x64xf32, #tpu.memory_space<hbm>> -> memref<128x64xf32, #tpu.memory_space<hbm>>
      %dma_wait3A_239 = arith.constant 0 : i32
      %dma_wait3A_240 = arith.constant 0 : i32
      %dma_wait3A_241 = tpu.memref_slice %arg5[%dma_wait3A_239, %dma_wait3A_240] : memref<632x64xf32, #tpu.memory_space<hbm>> -> memref<128x64xf32, #tpu.memory_space<hbm>>
      tpu.wait_dma2 semaphore(%arg22 : memref<!tpu.dma_semaphore, #tpu.memory_space<semaphore_mem>>) src(%dma_wait3A_241 : memref<128x64xf32, #tpu.memory_space<hbm>>) dst(%arg11 : memref<128x64xf32, #tpu.memory_space<vmem>>)
      %add3A_242 = arith.constant 5 : i32
      %add3A_243 = arith.addi %add3A_223, %add3A_242 : i32
      %dma_start3A_244 = arith.constant 0 : i32
      %dma_start3A_245 = tpu.memref_slice %arg7[%add3A_243, %dma_start3A_244] : memref<160x128xi32, #tpu.memory_space<vmem>> -> memref<1x128xi32, #tpu.memory_space<vmem>>
      %dma_start3A_246 = tpu.memref_squeeze %dma_start3A_245 : memref<1x128xi32, #tpu.memory_space<vmem>> -> memref<128xi32, #tpu.memory_space<vmem>>
      %dma_start3A_247 = arith.constant 0 : i32
      %dma_start3A_248 = arith.constant 0 : i32
      %dma_start3A_249 = tpu.memref_slice %arg2[%arg0, %dma_start3A_247, %dma_start3A_248] : memref<2x10112x64xf32, #tpu.memory_space<hbm>> -> memref<1x10112x64xf32, #tpu.memory_space<hbm>>
      %dma_start3A_250 = tpu.memref_squeeze %dma_start3A_249 : memref<1x10112x64xf32, #tpu.memory_space<hbm>> -> memref<10112x64xf32, #tpu.memory_space<hbm>>
      %dma_start3A_251 = arith.constant 0 : i32
      %dma_start3A_252 = arith.constant 0 : i32
      %dma_start3A_253 = tpu.memref_slice %dma_start3A_250[%dma_start3A_251, %dma_start3A_252] : memref<10112x64xf32, #tpu.memory_space<hbm>> -> memref<10112x64xf32, #tpu.memory_space<hbm>>
      tpu.enqueue_indirect_dma source(%dma_start3A_253 : memref<10112x64xf32, #tpu.memory_space<hbm>>) target(%arg11 : memref<128x64xf32, #tpu.memory_space<vmem>>) offsets(%dma_start3A_246 : memref<128xi32, #tpu.memory_space<vmem>>) semaphore(%arg17 : memref<!tpu.dma_semaphore, #tpu.memory_space<semaphore_mem>>)
      %add3A_254 = arith.constant 3 : i32
      %add3A_255 = arith.addi %add3A_157, %add3A_254 : i32
      %dma_wait3A_256 = arith.constant 0 : i32
      %dma_wait3A_257 = arith.constant 0 : i32
      %dma_wait3A_258 = tpu.memref_slice %arg5[%dma_wait3A_256, %dma_wait3A_257] : memref<632x64xf32, #tpu.memory_space<hbm>> -> memref<128x64xf32, #tpu.memory_space<hbm>>
      %dma_wait3A_259 = arith.constant 0 : i32
      %dma_wait3A_260 = arith.constant 0 : i32
      %dma_wait3A_261 = tpu.memref_slice %arg5[%dma_wait3A_259, %dma_wait3A_260] : memref<632x64xf32, #tpu.memory_space<hbm>> -> memref<128x64xf32, #tpu.memory_space<hbm>>
      tpu.wait_dma2 semaphore(%arg18 : memref<!tpu.dma_semaphore, #tpu.memory_space<semaphore_mem>>) src(%dma_wait3A_261 : memref<128x64xf32, #tpu.memory_space<hbm>>) dst(%arg12 : memref<128x64xf32, #tpu.memory_space<vmem>>)
      %dma_start3A_262 = arith.constant 0 : i32
      %dma_start3A_263 = tpu.memref_slice %arg8[%add3A_255, %dma_start3A_262] : memref<160x128xi32, #tpu.memory_space<vmem>> -> memref<1x128xi32, #tpu.memory_space<vmem>>
      %dma_start3A_264 = tpu.memref_squeeze %dma_start3A_263 : memref<1x128xi32, #tpu.memory_space<vmem>> -> memref<128xi32, #tpu.memory_space<vmem>>
      %dma_start3A_265 = arith.constant 0 : i32
      %dma_start3A_266 = arith.constant 0 : i32
      %dma_start3A_267 = tpu.memref_slice %arg14[%dma_start3A_265, %dma_start3A_266] : memref<10112x64xf32, #tpu.memory_space<vmem_shared>> -> memref<10112x64xf32, #tpu.memory_space<vmem_shared>>
      tpu.enqueue_indirect_dma source(%arg12 : memref<128x64xf32, #tpu.memory_space<vmem>>) target(%dma_start3A_267 : memref<10112x64xf32, #tpu.memory_space<vmem_shared>>) offsets(%dma_start3A_264 : memref<128xi32, #tpu.memory_space<vmem>>) semaphore(%arg23 : memref<!tpu.dma_semaphore, #tpu.memory_space<semaphore_mem>>) {add = true}
      %dma_wait3A_268 = arith.constant 0 : i32
      %dma_wait3A_269 = arith.constant 0 : i32
      %dma_wait3A_270 = tpu.memref_slice %arg5[%dma_wait3A_268, %dma_wait3A_269] : memref<632x64xf32, #tpu.memory_space<hbm>> -> memref<128x64xf32, #tpu.memory_space<hbm>>
      %dma_wait3A_271 = arith.constant 0 : i32
      %dma_wait3A_272 = arith.constant 0 : i32
      %dma_wait3A_273 = tpu.memref_slice %arg5[%dma_wait3A_271, %dma_wait3A_272] : memref<632x64xf32, #tpu.memory_space<hbm>> -> memref<128x64xf32, #tpu.memory_space<hbm>>
      tpu.wait_dma2 semaphore(%arg23 : memref<!tpu.dma_semaphore, #tpu.memory_space<semaphore_mem>>) src(%dma_wait3A_273 : memref<128x64xf32, #tpu.memory_space<hbm>>) dst(%arg12 : memref<128x64xf32, #tpu.memory_space<vmem>>)
      %add3A_274 = arith.constant 5 : i32
      %add3A_275 = arith.addi %add3A_255, %add3A_274 : i32
      %dma_start3A_276 = arith.constant 0 : i32
      %dma_start3A_277 = tpu.memref_slice %arg7[%add3A_275, %dma_start3A_276] : memref<160x128xi32, #tpu.memory_space<vmem>> -> memref<1x128xi32, #tpu.memory_space<vmem>>
      %dma_start3A_278 = tpu.memref_squeeze %dma_start3A_277 : memref<1x128xi32, #tpu.memory_space<vmem>> -> memref<128xi32, #tpu.memory_space<vmem>>
      %dma_start3A_279 = arith.constant 0 : i32
      %dma_start3A_280 = arith.constant 0 : i32
      %dma_start3A_281 = tpu.memref_slice %arg2[%arg0, %dma_start3A_279, %dma_start3A_280] : memref<2x10112x64xf32, #tpu.memory_space<hbm>> -> memref<1x10112x64xf32, #tpu.memory_space<hbm>>
      %dma_start3A_282 = tpu.memref_squeeze %dma_start3A_281 : memref<1x10112x64xf32, #tpu.memory_space<hbm>> -> memref<10112x64xf32, #tpu.memory_space<hbm>>
      %dma_start3A_283 = arith.constant 0 : i32
      %dma_start3A_284 = arith.constant 0 : i32
      %dma_start3A_285 = tpu.memref_slice %dma_start3A_282[%dma_start3A_283, %dma_start3A_284] : memref<10112x64xf32, #tpu.memory_space<hbm>> -> memref<10112x64xf32, #tpu.memory_space<hbm>>
      tpu.enqueue_indirect_dma source(%dma_start3A_285 : memref<10112x64xf32, #tpu.memory_space<hbm>>) target(%arg12 : memref<128x64xf32, #tpu.memory_space<vmem>>) offsets(%dma_start3A_278 : memref<128xi32, #tpu.memory_space<vmem>>) semaphore(%arg18 : memref<!tpu.dma_semaphore, #tpu.memory_space<semaphore_mem>>)
      %add3A_286 = arith.constant 4 : i32
      %add3A_287 = arith.addi %add3A_157, %add3A_286 : i32
      %dma_wait3A_288 = arith.constant 0 : i32
      %dma_wait3A_289 = arith.constant 0 : i32
      %dma_wait3A_290 = tpu.memref_slice %arg5[%dma_wait3A_288, %dma_wait3A_289] : memref<632x64xf32, #tpu.memory_space<hbm>> -> memref<128x64xf32, #tpu.memory_space<hbm>>
      %dma_wait3A_291 = arith.constant 0 : i32
      %dma_wait3A_292 = arith.constant 0 : i32
      %dma_wait3A_293 = tpu.memref_slice %arg5[%dma_wait3A_291, %dma_wait3A_292] : memref<632x64xf32, #tpu.memory_space<hbm>> -> memref<128x64xf32, #tpu.memory_space<hbm>>
      tpu.wait_dma2 semaphore(%arg19 : memref<!tpu.dma_semaphore, #tpu.memory_space<semaphore_mem>>) src(%dma_wait3A_293 : memref<128x64xf32, #tpu.memory_space<hbm>>) dst(%arg13 : memref<128x64xf32, #tpu.memory_space<vmem>>)
      %dma_start3A_294 = arith.constant 0 : i32
      %dma_start3A_295 = tpu.memref_slice %arg8[%add3A_287, %dma_start3A_294] : memref<160x128xi32, #tpu.memory_space<vmem>> -> memref<1x128xi32, #tpu.memory_space<vmem>>
      %dma_start3A_296 = tpu.memref_squeeze %dma_start3A_295 : memref<1x128xi32, #tpu.memory_space<vmem>> -> memref<128xi32, #tpu.memory_space<vmem>>
      %dma_start3A_297 = arith.constant 0 : i32
      %dma_start3A_298 = arith.constant 0 : i32
      %dma_start3A_299 = tpu.memref_slice %arg14[%dma_start3A_297, %dma_start3A_298] : memref<10112x64xf32, #tpu.memory_space<vmem_shared>> -> memref<10112x64xf32, #tpu.memory_space<vmem_shared>>
      tpu.enqueue_indirect_dma source(%arg13 : memref<128x64xf32, #tpu.memory_space<vmem>>) target(%dma_start3A_299 : memref<10112x64xf32, #tpu.memory_space<vmem_shared>>) offsets(%dma_start3A_296 : memref<128xi32, #tpu.memory_space<vmem>>) semaphore(%arg24 : memref<!tpu.dma_semaphore, #tpu.memory_space<semaphore_mem>>) {add = true}
      %dma_wait3A_300 = arith.constant 0 : i32
      %dma_wait3A_301 = arith.constant 0 : i32
      %dma_wait3A_302 = tpu.memref_slice %arg5[%dma_wait3A_300, %dma_wait3A_301] : memref<632x64xf32, #tpu.memory_space<hbm>> -> memref<128x64xf32, #tpu.memory_space<hbm>>
      %dma_wait3A_303 = arith.constant 0 : i32
      %dma_wait3A_304 = arith.constant 0 : i32
      %dma_wait3A_305 = tpu.memref_slice %arg5[%dma_wait3A_303, %dma_wait3A_304] : memref<632x64xf32, #tpu.memory_space<hbm>> -> memref<128x64xf32, #tpu.memory_space<hbm>>
      tpu.wait_dma2 semaphore(%arg24 : memref<!tpu.dma_semaphore, #tpu.memory_space<semaphore_mem>>) src(%dma_wait3A_305 : memref<128x64xf32, #tpu.memory_space<hbm>>) dst(%arg13 : memref<128x64xf32, #tpu.memory_space<vmem>>)
      %add3A_306 = arith.constant 5 : i32
      %add3A_307 = arith.addi %add3A_287, %add3A_306 : i32
      %dma_start3A_308 = arith.constant 0 : i32
      %dma_start3A_309 = tpu.memref_slice %arg7[%add3A_307, %dma_start3A_308] : memref<160x128xi32, #tpu.memory_space<vmem>> -> memref<1x128xi32, #tpu.memory_space<vmem>>
      %dma_start3A_310 = tpu.memref_squeeze %dma_start3A_309 : memref<1x128xi32, #tpu.memory_space<vmem>> -> memref<128xi32, #tpu.memory_space<vmem>>
      %dma_start3A_311 = arith.constant 0 : i32
      %dma_start3A_312 = arith.constant 0 : i32
      %dma_start3A_313 = tpu.memref_slice %arg2[%arg0, %dma_start3A_311, %dma_start3A_312] : memref<2x10112x64xf32, #tpu.memory_space<hbm>> -> memref<1x10112x64xf32, #tpu.memory_space<hbm>>
      %dma_start3A_314 = tpu.memref_squeeze %dma_start3A_313 : memref<1x10112x64xf32, #tpu.memory_space<hbm>> -> memref<10112x64xf32, #tpu.memory_space<hbm>>
      %dma_start3A_315 = arith.constant 0 : i32
      %dma_start3A_316 = arith.constant 0 : i32
      %dma_start3A_317 = tpu.memref_slice %dma_start3A_314[%dma_start3A_315, %dma_start3A_316] : memref<10112x64xf32, #tpu.memory_space<hbm>> -> memref<10112x64xf32, #tpu.memory_space<hbm>>
      tpu.enqueue_indirect_dma source(%dma_start3A_317 : memref<10112x64xf32, #tpu.memory_space<hbm>>) target(%arg13 : memref<128x64xf32, #tpu.memory_space<vmem>>) offsets(%dma_start3A_310 : memref<128xi32, #tpu.memory_space<vmem>>) semaphore(%arg19 : memref<!tpu.dma_semaphore, #tpu.memory_space<semaphore_mem>>)
    }
    %scan3A_58 = arith.constant 31 : i32
    %dma_wait3A = arith.constant 0 : i32
    %dma_wait3A_59 = arith.constant 0 : i32
    %dma_wait3A_60 = tpu.memref_slice %arg5[%dma_wait3A, %dma_wait3A_59] : memref<632x64xf32, #tpu.memory_space<hbm>> -> memref<128x64xf32, #tpu.memory_space<hbm>>
    %dma_wait3A_61 = arith.constant 0 : i32
    %dma_wait3A_62 = arith.constant 0 : i32
    %dma_wait3A_63 = tpu.memref_slice %arg5[%dma_wait3A_61, %dma_wait3A_62] : memref<632x64xf32, #tpu.memory_space<hbm>> -> memref<128x64xf32, #tpu.memory_space<hbm>>
    tpu.wait_dma2 semaphore(%arg15 : memref<!tpu.dma_semaphore, #tpu.memory_space<semaphore_mem>>) src(%dma_wait3A_63 : memref<128x64xf32, #tpu.memory_space<hbm>>) dst(%arg9 : memref<128x64xf32, #tpu.memory_space<vmem>>)
    %dma_start3A_64 = arith.constant 155 : i32
    %dma_start3A_65 = arith.constant 0 : i32
    %dma_start3A_66 = tpu.memref_slice %arg8[%dma_start3A_64, %dma_start3A_65] : memref<160x128xi32, #tpu.memory_space<vmem>> -> memref<1x128xi32, #tpu.memory_space<vmem>>
    %dma_start3A_67 = tpu.memref_squeeze %dma_start3A_66 : memref<1x128xi32, #tpu.memory_space<vmem>> -> memref<128xi32, #tpu.memory_space<vmem>>
    %dma_start3A_68 = arith.constant 0 : i32
    %dma_start3A_69 = arith.constant 0 : i32
    %dma_start3A_70 = tpu.memref_slice %arg14[%dma_start3A_68, %dma_start3A_69] : memref<10112x64xf32, #tpu.memory_space<vmem_shared>> -> memref<10112x64xf32, #tpu.memory_space<vmem_shared>>
    tpu.enqueue_indirect_dma source(%arg9 : memref<128x64xf32, #tpu.memory_space<vmem>>) target(%dma_start3A_70 : memref<10112x64xf32, #tpu.memory_space<vmem_shared>>) offsets(%dma_start3A_67 : memref<128xi32, #tpu.memory_space<vmem>>) semaphore(%arg20 : memref<!tpu.dma_semaphore, #tpu.memory_space<semaphore_mem>>) {add = true}
    %dma_wait3A_71 = arith.constant 0 : i32
    %dma_wait3A_72 = arith.constant 0 : i32
    %dma_wait3A_73 = tpu.memref_slice %arg5[%dma_wait3A_71, %dma_wait3A_72] : memref<632x64xf32, #tpu.memory_space<hbm>> -> memref<128x64xf32, #tpu.memory_space<hbm>>
    %dma_wait3A_74 = arith.constant 0 : i32
    %dma_wait3A_75 = arith.constant 0 : i32
    %dma_wait3A_76 = tpu.memref_slice %arg5[%dma_wait3A_74, %dma_wait3A_75] : memref<632x64xf32, #tpu.memory_space<hbm>> -> memref<128x64xf32, #tpu.memory_space<hbm>>
    tpu.wait_dma2 semaphore(%arg20 : memref<!tpu.dma_semaphore, #tpu.memory_space<semaphore_mem>>) src(%dma_wait3A_76 : memref<128x64xf32, #tpu.memory_space<hbm>>) dst(%arg9 : memref<128x64xf32, #tpu.memory_space<vmem>>)
    %dma_wait3A_77 = arith.constant 0 : i32
    %dma_wait3A_78 = arith.constant 0 : i32
    %dma_wait3A_79 = tpu.memref_slice %arg5[%dma_wait3A_77, %dma_wait3A_78] : memref<632x64xf32, #tpu.memory_space<hbm>> -> memref<128x64xf32, #tpu.memory_space<hbm>>
    %dma_wait3A_80 = arith.constant 0 : i32
    %dma_wait3A_81 = arith.constant 0 : i32
    %dma_wait3A_82 = tpu.memref_slice %arg5[%dma_wait3A_80, %dma_wait3A_81] : memref<632x64xf32, #tpu.memory_space<hbm>> -> memref<128x64xf32, #tpu.memory_space<hbm>>
    tpu.wait_dma2 semaphore(%arg16 : memref<!tpu.dma_semaphore, #tpu.memory_space<semaphore_mem>>) src(%dma_wait3A_82 : memref<128x64xf32, #tpu.memory_space<hbm>>) dst(%arg10 : memref<128x64xf32, #tpu.memory_space<vmem>>)
    %dma_start3A_83 = arith.constant 156 : i32
    %dma_start3A_84 = arith.constant 0 : i32
    %dma_start3A_85 = tpu.memref_slice %arg8[%dma_start3A_83, %dma_start3A_84] : memref<160x128xi32, #tpu.memory_space<vmem>> -> memref<1x128xi32, #tpu.memory_space<vmem>>
    %dma_start3A_86 = tpu.memref_squeeze %dma_start3A_85 : memref<1x128xi32, #tpu.memory_space<vmem>> -> memref<128xi32, #tpu.memory_space<vmem>>
    %dma_start3A_87 = arith.constant 0 : i32
    %dma_start3A_88 = arith.constant 0 : i32
    %dma_start3A_89 = tpu.memref_slice %arg14[%dma_start3A_87, %dma_start3A_88] : memref<10112x64xf32, #tpu.memory_space<vmem_shared>> -> memref<10112x64xf32, #tpu.memory_space<vmem_shared>>
    tpu.enqueue_indirect_dma source(%arg10 : memref<128x64xf32, #tpu.memory_space<vmem>>) target(%dma_start3A_89 : memref<10112x64xf32, #tpu.memory_space<vmem_shared>>) offsets(%dma_start3A_86 : memref<128xi32, #tpu.memory_space<vmem>>) semaphore(%arg21 : memref<!tpu.dma_semaphore, #tpu.memory_space<semaphore_mem>>) {add = true}
    %dma_wait3A_90 = arith.constant 0 : i32
    %dma_wait3A_91 = arith.constant 0 : i32
    %dma_wait3A_92 = tpu.memref_slice %arg5[%dma_wait3A_90, %dma_wait3A_91] : memref<632x64xf32, #tpu.memory_space<hbm>> -> memref<128x64xf32, #tpu.memory_space<hbm>>
    %dma_wait3A_93 = arith.constant 0 : i32
    %dma_wait3A_94 = arith.constant 0 : i32
    %dma_wait3A_95 = tpu.memref_slice %arg5[%dma_wait3A_93, %dma_wait3A_94] : memref<632x64xf32, #tpu.memory_space<hbm>> -> memref<128x64xf32, #tpu.memory_space<hbm>>
    tpu.wait_dma2 semaphore(%arg21 : memref<!tpu.dma_semaphore, #tpu.memory_space<semaphore_mem>>) src(%dma_wait3A_95 : memref<128x64xf32, #tpu.memory_space<hbm>>) dst(%arg10 : memref<128x64xf32, #tpu.memory_space<vmem>>)
    %dma_wait3A_96 = arith.constant 0 : i32
    %dma_wait3A_97 = arith.constant 0 : i32
    %dma_wait3A_98 = tpu.memref_slice %arg5[%dma_wait3A_96, %dma_wait3A_97] : memref<632x64xf32, #tpu.memory_space<hbm>> -> memref<128x64xf32, #tpu.memory_space<hbm>>
    %dma_wait3A_99 = arith.constant 0 : i32
    %dma_wait3A_100 = arith.constant 0 : i32
    %dma_wait3A_101 = tpu.memref_slice %arg5[%dma_wait3A_99, %dma_wait3A_100] : memref<632x64xf32, #tpu.memory_space<hbm>> -> memref<128x64xf32, #tpu.memory_space<hbm>>
    tpu.wait_dma2 semaphore(%arg17 : memref<!tpu.dma_semaphore, #tpu.memory_space<semaphore_mem>>) src(%dma_wait3A_101 : memref<128x64xf32, #tpu.memory_space<hbm>>) dst(%arg11 : memref<128x64xf32, #tpu.memory_space<vmem>>)
    %dma_start3A_102 = arith.constant 157 : i32
    %dma_start3A_103 = arith.constant 0 : i32
    %dma_start3A_104 = tpu.memref_slice %arg8[%dma_start3A_102, %dma_start3A_103] : memref<160x128xi32, #tpu.memory_space<vmem>> -> memref<1x128xi32, #tpu.memory_space<vmem>>
    %dma_start3A_105 = tpu.memref_squeeze %dma_start3A_104 : memref<1x128xi32, #tpu.memory_space<vmem>> -> memref<128xi32, #tpu.memory_space<vmem>>
    %dma_start3A_106 = arith.constant 0 : i32
    %dma_start3A_107 = arith.constant 0 : i32
    %dma_start3A_108 = tpu.memref_slice %arg14[%dma_start3A_106, %dma_start3A_107] : memref<10112x64xf32, #tpu.memory_space<vmem_shared>> -> memref<10112x64xf32, #tpu.memory_space<vmem_shared>>
    tpu.enqueue_indirect_dma source(%arg11 : memref<128x64xf32, #tpu.memory_space<vmem>>) target(%dma_start3A_108 : memref<10112x64xf32, #tpu.memory_space<vmem_shared>>) offsets(%dma_start3A_105 : memref<128xi32, #tpu.memory_space<vmem>>) semaphore(%arg22 : memref<!tpu.dma_semaphore, #tpu.memory_space<semaphore_mem>>) {add = true}
    %dma_wait3A_109 = arith.constant 0 : i32
    %dma_wait3A_110 = arith.constant 0 : i32
    %dma_wait3A_111 = tpu.memref_slice %arg5[%dma_wait3A_109, %dma_wait3A_110] : memref<632x64xf32, #tpu.memory_space<hbm>> -> memref<128x64xf32, #tpu.memory_space<hbm>>
    %dma_wait3A_112 = arith.constant 0 : i32
    %dma_wait3A_113 = arith.constant 0 : i32
    %dma_wait3A_114 = tpu.memref_slice %arg5[%dma_wait3A_112, %dma_wait3A_113] : memref<632x64xf32, #tpu.memory_space<hbm>> -> memref<128x64xf32, #tpu.memory_space<hbm>>
    tpu.wait_dma2 semaphore(%arg22 : memref<!tpu.dma_semaphore, #tpu.memory_space<semaphore_mem>>) src(%dma_wait3A_114 : memref<128x64xf32, #tpu.memory_space<hbm>>) dst(%arg11 : memref<128x64xf32, #tpu.memory_space<vmem>>)
    %dma_wait3A_115 = arith.constant 0 : i32
    %dma_wait3A_116 = arith.constant 0 : i32
    %dma_wait3A_117 = tpu.memref_slice %arg5[%dma_wait3A_115, %dma_wait3A_116] : memref<632x64xf32, #tpu.memory_space<hbm>> -> memref<128x64xf32, #tpu.memory_space<hbm>>
    %dma_wait3A_118 = arith.constant 0 : i32
    %dma_wait3A_119 = arith.constant 0 : i32
    %dma_wait3A_120 = tpu.memref_slice %arg5[%dma_wait3A_118, %dma_wait3A_119] : memref<632x64xf32, #tpu.memory_space<hbm>> -> memref<128x64xf32, #tpu.memory_space<hbm>>
    tpu.wait_dma2 semaphore(%arg18 : memref<!tpu.dma_semaphore, #tpu.memory_space<semaphore_mem>>) src(%dma_wait3A_120 : memref<128x64xf32, #tpu.memory_space<hbm>>) dst(%arg12 : memref<128x64xf32, #tpu.memory_space<vmem>>)
    %dma_start3A_121 = arith.constant 158 : i32
    %dma_start3A_122 = arith.constant 0 : i32
    %dma_start3A_123 = tpu.memref_slice %arg8[%dma_start3A_121, %dma_start3A_122] : memref<160x128xi32, #tpu.memory_space<vmem>> -> memref<1x128xi32, #tpu.memory_space<vmem>>
    %dma_start3A_124 = tpu.memref_squeeze %dma_start3A_123 : memref<1x128xi32, #tpu.memory_space<vmem>> -> memref<128xi32, #tpu.memory_space<vmem>>
    %dma_start3A_125 = arith.constant 0 : i32
    %dma_start3A_126 = arith.constant 0 : i32
    %dma_start3A_127 = tpu.memref_slice %arg14[%dma_start3A_125, %dma_start3A_126] : memref<10112x64xf32, #tpu.memory_space<vmem_shared>> -> memref<10112x64xf32, #tpu.memory_space<vmem_shared>>
    tpu.enqueue_indirect_dma source(%arg12 : memref<128x64xf32, #tpu.memory_space<vmem>>) target(%dma_start3A_127 : memref<10112x64xf32, #tpu.memory_space<vmem_shared>>) offsets(%dma_start3A_124 : memref<128xi32, #tpu.memory_space<vmem>>) semaphore(%arg23 : memref<!tpu.dma_semaphore, #tpu.memory_space<semaphore_mem>>) {add = true}
    %dma_wait3A_128 = arith.constant 0 : i32
    %dma_wait3A_129 = arith.constant 0 : i32
    %dma_wait3A_130 = tpu.memref_slice %arg5[%dma_wait3A_128, %dma_wait3A_129] : memref<632x64xf32, #tpu.memory_space<hbm>> -> memref<128x64xf32, #tpu.memory_space<hbm>>
    %dma_wait3A_131 = arith.constant 0 : i32
    %dma_wait3A_132 = arith.constant 0 : i32
    %dma_wait3A_133 = tpu.memref_slice %arg5[%dma_wait3A_131, %dma_wait3A_132] : memref<632x64xf32, #tpu.memory_space<hbm>> -> memref<128x64xf32, #tpu.memory_space<hbm>>
    tpu.wait_dma2 semaphore(%arg23 : memref<!tpu.dma_semaphore, #tpu.memory_space<semaphore_mem>>) src(%dma_wait3A_133 : memref<128x64xf32, #tpu.memory_space<hbm>>) dst(%arg12 : memref<128x64xf32, #tpu.memory_space<vmem>>)
    %dma_wait3A_134 = arith.constant 0 : i32
    %dma_wait3A_135 = arith.constant 0 : i32
    %dma_wait3A_136 = tpu.memref_slice %arg5[%dma_wait3A_134, %dma_wait3A_135] : memref<632x64xf32, #tpu.memory_space<hbm>> -> memref<128x64xf32, #tpu.memory_space<hbm>>
    %dma_wait3A_137 = arith.constant 0 : i32
    %dma_wait3A_138 = arith.constant 0 : i32
    %dma_wait3A_139 = tpu.memref_slice %arg5[%dma_wait3A_137, %dma_wait3A_138] : memref<632x64xf32, #tpu.memory_space<hbm>> -> memref<128x64xf32, #tpu.memory_space<hbm>>
    tpu.wait_dma2 semaphore(%arg19 : memref<!tpu.dma_semaphore, #tpu.memory_space<semaphore_mem>>) src(%dma_wait3A_139 : memref<128x64xf32, #tpu.memory_space<hbm>>) dst(%arg13 : memref<128x64xf32, #tpu.memory_space<vmem>>)
    %dma_start3A_140 = arith.constant 159 : i32
    %dma_start3A_141 = arith.constant 0 : i32
    %dma_start3A_142 = tpu.memref_slice %arg8[%dma_start3A_140, %dma_start3A_141] : memref<160x128xi32, #tpu.memory_space<vmem>> -> memref<1x128xi32, #tpu.memory_space<vmem>>
    %dma_start3A_143 = tpu.memref_squeeze %dma_start3A_142 : memref<1x128xi32, #tpu.memory_space<vmem>> -> memref<128xi32, #tpu.memory_space<vmem>>
    %dma_start3A_144 = arith.constant 0 : i32
    %dma_start3A_145 = arith.constant 0 : i32
    %dma_start3A_146 = tpu.memref_slice %arg14[%dma_start3A_144, %dma_start3A_145] : memref<10112x64xf32, #tpu.memory_space<vmem_shared>> -> memref<10112x64xf32, #tpu.memory_space<vmem_shared>>
    tpu.enqueue_indirect_dma source(%arg13 : memref<128x64xf32, #tpu.memory_space<vmem>>) target(%dma_start3A_146 : memref<10112x64xf32, #tpu.memory_space<vmem_shared>>) offsets(%dma_start3A_143 : memref<128xi32, #tpu.memory_space<vmem>>) semaphore(%arg24 : memref<!tpu.dma_semaphore, #tpu.memory_space<semaphore_mem>>) {add = true}
    %dma_wait3A_147 = arith.constant 0 : i32
    %dma_wait3A_148 = arith.constant 0 : i32
    %dma_wait3A_149 = tpu.memref_slice %arg5[%dma_wait3A_147, %dma_wait3A_148] : memref<632x64xf32, #tpu.memory_space<hbm>> -> memref<128x64xf32, #tpu.memory_space<hbm>>
    %dma_wait3A_150 = arith.constant 0 : i32
    %dma_wait3A_151 = arith.constant 0 : i32
    %dma_wait3A_152 = tpu.memref_slice %arg5[%dma_wait3A_150, %dma_wait3A_151] : memref<632x64xf32, #tpu.memory_space<hbm>> -> memref<128x64xf32, #tpu.memory_space<hbm>>
    tpu.wait_dma2 semaphore(%arg24 : memref<!tpu.dma_semaphore, #tpu.memory_space<semaphore_mem>>) src(%dma_wait3A_152 : memref<128x64xf32, #tpu.memory_space<hbm>>) dst(%arg13 : memref<128x64xf32, #tpu.memory_space<vmem>>)
    %barrier3A_153 = arith.constant 0 : index
    tpu.barrier barrier_id(%barrier3A_153)
    "tpu.region"() ({
      %run_scoped3A = tpu.sem_alloc : memref<!tpu.dma_semaphore, #tpu.memory_space<semaphore_mem>>
      %dma_start3A_154 = arith.constant 0 : i32
      %dma_start3A_155 = arith.constant 0 : i32
      %dma_start3A_156 = tpu.memref_slice %arg6[%arg0, %dma_start3A_154, %dma_start3A_155] : memref<2x10112x64xf32, #tpu.memory_space<hbm>> -> memref<1x10112x64xf32, #tpu.memory_space<hbm>>
      %dma_start3A_157 = tpu.memref_squeeze %dma_start3A_156 : memref<1x10112x64xf32, #tpu.memory_space<hbm>> -> memref<10112x64xf32, #tpu.memory_space<hbm>>
      %dma_start3A_158 = arith.constant 0 : i32
      %dma_start3A_159 = tpu.memref_slice %dma_start3A_157[%mul3A_54, %dma_start3A_158] : memref<10112x64xf32, #tpu.memory_space<hbm>> -> memref<632x64xf32, #tpu.memory_space<hbm>>
      %dma_start3A_160 = arith.constant 0 : i32
      %dma_start3A_161 = tpu.memref_slice %arg14[%mul3A_54, %dma_start3A_160] : memref<10112x64xf32, #tpu.memory_space<vmem_shared>> -> memref<632x64xf32, #tpu.memory_space<vmem_shared>>
      tpu.enqueue_dma source(%dma_start3A_161 : memref<632x64xf32, #tpu.memory_space<vmem_shared>>) target(%dma_start3A_159 : memref<632x64xf32, #tpu.memory_space<hbm>>) target_semaphore(%run_scoped3A : memref<!tpu.dma_semaphore, #tpu.memory_space<semaphore_mem>>)
      %dma_wait3A_162 = arith.constant 0 : i32
      %dma_wait3A_163 = arith.constant 0 : i32
      %dma_wait3A_164 = tpu.memref_slice %arg6[%arg0, %dma_wait3A_162, %dma_wait3A_163] : memref<2x10112x64xf32, #tpu.memory_space<hbm>> -> memref<1x10112x64xf32, #tpu.memory_space<hbm>>
      %dma_wait3A_165 = tpu.memref_squeeze %dma_wait3A_164 : memref<1x10112x64xf32, #tpu.memory_space<hbm>> -> memref<10112x64xf32, #tpu.memory_space<hbm>>
      %dma_wait3A_166 = arith.constant 0 : i32
      %dma_wait3A_167 = tpu.memref_slice %dma_wait3A_165[%mul3A_54, %dma_wait3A_166] : memref<10112x64xf32, #tpu.memory_space<hbm>> -> memref<632x64xf32, #tpu.memory_space<hbm>>
      %dma_wait3A_168 = arith.constant 0 : i32
      %dma_wait3A_169 = tpu.memref_slice %arg14[%mul3A_54, %dma_wait3A_168] : memref<10112x64xf32, #tpu.memory_space<vmem_shared>> -> memref<632x64xf32, #tpu.memory_space<vmem_shared>>
      tpu.wait_dma2 semaphore(%run_scoped3A : memref<!tpu.dma_semaphore, #tpu.memory_space<semaphore_mem>>) src(%dma_wait3A_169 : memref<632x64xf32, #tpu.memory_space<vmem_shared>>) dst(%dma_wait3A_167 : memref<632x64xf32, #tpu.memory_space<hbm>>)
      tpu.yield
    }) : () -> ()
    return
  }
}

module attributes {stable_mosaic.version = 14 : i64} {
  func.func @_tc_prep_body(%arg0: memref<10112x128xf32, #tpu.memory_space<vmem>>, %arg1: memref<2x10112x64xf32, #tpu.memory_space<vmem>>, %arg2: memref<2x10112x64xf32, #tpu.memory_space<vmem>>) attributes {dimension_semantics = [], scalar_prefetch = 0 : i64, scratch_operands = 0 : i64, tpu.core_type = #tpu.core_type<tc>} {
    %get3A = arith.constant 0 : index
    %get3A_0 = arith.constant 0 : index
    %get3A_1 = vector.load %arg0[%get3A, %get3A_0] : memref<10112x128xf32, #tpu.memory_space<vmem>>, vector<10112x128xf32>
    %get3A_2 = arith.constant 0 : index
    %get3A_3 = arith.constant 0 : index
    %get3A_4 = arith.constant 0 : index
    %get3A_5 = vector.load %arg1[%get3A_2, %get3A_3, %get3A_4] : memref<2x10112x64xf32, #tpu.memory_space<vmem>>, vector<1x10112x1xf32>
    %get3A_6 = vector.shape_cast %get3A_5 : vector<1x10112x1xf32> to vector<10112x1xf32>
    %add3A = arith.constant 1.000000e+00 : f32
    %add3A_7 = vector.broadcast %add3A : f32 to vector<10112x1xf32>
    %add3A_8 = arith.addf %add3A_7, %get3A_6 : vector<10112x1xf32>
    %get3A_9 = arith.constant 1 : index
    %get3A_10 = arith.constant 0 : index
    %get3A_11 = arith.constant 0 : index
    %get3A_12 = vector.load %arg1[%get3A_9, %get3A_10, %get3A_11] : memref<2x10112x64xf32, #tpu.memory_space<vmem>>, vector<1x10112x1xf32>
    %get3A_13 = vector.shape_cast %get3A_12 : vector<1x10112x1xf32> to vector<10112x1xf32>
    %add3A_14 = arith.addf %add3A_8, %get3A_13 : vector<10112x1xf32>
    %rsqrt3A = math.rsqrt %add3A_14 : vector<10112x1xf32>
    %mul3A = vector.broadcast %rsqrt3A : vector<10112x1xf32> to vector<10112x128xf32>
    %mul3A_15 = arith.mulf %get3A_1, %mul3A : vector<10112x128xf32>
    %slice3A = vector.extract_strided_slice %mul3A_15 {offsets = [0, 0], sizes = [10112, 64], strides = [1, 1]} : vector<10112x128xf32> to vector<10112x64xf32>
    %swap3A = arith.constant 0 : index
    %swap3A_16 = arith.constant 0 : index
    %swap3A_17 = arith.constant 0 : index
    %swap3A_18 = vector.load %arg2[%swap3A, %swap3A_16, %swap3A_17] : memref<2x10112x64xf32, #tpu.memory_space<vmem>>, vector<1x10112x64xf32>
    %swap3A_19 = vector.shape_cast %swap3A_18 : vector<1x10112x64xf32> to vector<10112x64xf32>
    %swap3A_20 = vector.shape_cast %slice3A : vector<10112x64xf32> to vector<1x10112x64xf32>
    tpu.vector_store %arg2[%swap3A, %swap3A_16, %swap3A_17], %swap3A_20 {strides = array<i32>} : memref<2x10112x64xf32, #tpu.memory_space<vmem>>, vector<1x10112x64xf32>,
    %slice3A_21 = vector.extract_strided_slice %mul3A_15 {offsets = [0, 64], sizes = [10112, 64], strides = [1, 1]} : vector<10112x128xf32> to vector<10112x64xf32>
    %swap3A_22 = arith.constant 1 : index
    %swap3A_23 = arith.constant 0 : index
    %swap3A_24 = arith.constant 0 : index
    %swap3A_25 = vector.load %arg2[%swap3A_22, %swap3A_23, %swap3A_24] : memref<2x10112x64xf32, #tpu.memory_space<vmem>>, vector<1x10112x64xf32>
    %swap3A_26 = vector.shape_cast %swap3A_25 : vector<1x10112x64xf32> to vector<10112x64xf32>
    %swap3A_27 = vector.shape_cast %slice3A_21 : vector<10112x64xf32> to vector<1x10112x64xf32>
    tpu.vector_store %arg2[%swap3A_22, %swap3A_23, %swap3A_24], %swap3A_27 {strides = array<i32>} : memref<2x10112x64xf32, #tpu.memory_space<vmem>>, vector<1x10112x64xf32>,
    return
  }
}

module attributes {stable_mosaic.version = 14 : i64} {
  func.func @_tc_mid_body(%arg0: memref<2x10112x64xf32, #tpu.memory_space<vmem>>, %arg1: memref<2x10112x64xf32, #tpu.memory_space<vmem>>, %arg2: memref<2x10112x64xf32, #tpu.memory_space<vmem>>, %arg3: memref<128x128xf32, #tpu.memory_space<vmem>>, %arg4: memref<1x128xf32, #tpu.memory_space<vmem>>, %arg5: memref<2x10112x64xf32, #tpu.memory_space<vmem>>) attributes {dimension_semantics = [], scalar_prefetch = 0 : i64, scratch_operands = 0 : i64, tpu.core_type = #tpu.core_type<tc>} {
    %get3A = arith.constant 0 : index
    %get3A_0 = arith.constant 0 : index
    %get3A_1 = arith.constant 0 : index
    %get3A_2 = vector.load %arg2[%get3A, %get3A_0, %get3A_1] : memref<2x10112x64xf32, #tpu.memory_space<vmem>>, vector<1x10112x1xf32>
    %get3A_3 = vector.shape_cast %get3A_2 : vector<1x10112x1xf32> to vector<10112x1xf32>
    %add3A = arith.constant 1.000000e+00 : f32
    %add3A_4 = vector.broadcast %add3A : f32 to vector<10112x1xf32>
    %add3A_5 = arith.addf %add3A_4, %get3A_3 : vector<10112x1xf32>
    %get3A_6 = arith.constant 1 : index
    %get3A_7 = arith.constant 0 : index
    %get3A_8 = arith.constant 0 : index
    %get3A_9 = vector.load %arg2[%get3A_6, %get3A_7, %get3A_8] : memref<2x10112x64xf32, #tpu.memory_space<vmem>>, vector<1x10112x1xf32>
    %get3A_10 = vector.shape_cast %get3A_9 : vector<1x10112x1xf32> to vector<10112x1xf32>
    %add3A_11 = arith.addf %add3A_5, %get3A_10 : vector<10112x1xf32>
    %rsqrt3A = math.rsqrt %add3A_11 : vector<10112x1xf32>
    %get3A_12 = arith.constant 0 : index
    %get3A_13 = arith.constant 0 : index
    %get3A_14 = arith.constant 0 : index
    %get3A_15 = vector.load %arg0[%get3A_12, %get3A_13, %get3A_14] : memref<2x10112x64xf32, #tpu.memory_space<vmem>>, vector<1x10112x64xf32>
    %get3A_16 = vector.shape_cast %get3A_15 : vector<1x10112x64xf32> to vector<10112x64xf32>
    %get3A_17 = arith.constant 1 : index
    %get3A_18 = arith.constant 0 : index
    %get3A_19 = arith.constant 0 : index
    %get3A_20 = vector.load %arg0[%get3A_17, %get3A_18, %get3A_19] : memref<2x10112x64xf32, #tpu.memory_space<vmem>>, vector<1x10112x64xf32>
    %get3A_21 = vector.shape_cast %get3A_20 : vector<1x10112x64xf32> to vector<10112x64xf32>
    %concatenate3A = tpu.concatenate %get3A_16, %get3A_21 in 1 : vector<10112x64xf32>, vector<10112x64xf32> -> vector<10112x128xf32>
    %get3A_22 = arith.constant 0 : index
    %get3A_23 = arith.constant 0 : index
    %get3A_24 = arith.constant 0 : index
    %get3A_25 = vector.load %arg1[%get3A_22, %get3A_23, %get3A_24] : memref<2x10112x64xf32, #tpu.memory_space<vmem>>, vector<1x10112x64xf32>
    %get3A_26 = vector.shape_cast %get3A_25 : vector<1x10112x64xf32> to vector<10112x64xf32>
    %get3A_27 = arith.constant 1 : index
    %get3A_28 = arith.constant 0 : index
    %get3A_29 = arith.constant 0 : index
    %get3A_30 = vector.load %arg1[%get3A_27, %get3A_28, %get3A_29] : memref<2x10112x64xf32, #tpu.memory_space<vmem>>, vector<1x10112x64xf32>
    %get3A_31 = vector.shape_cast %get3A_30 : vector<1x10112x64xf32> to vector<10112x64xf32>
    %concatenate3A_32 = tpu.concatenate %get3A_26, %get3A_31 in 1 : vector<10112x64xf32>, vector<10112x64xf32> -> vector<10112x128xf32>
    %add3A_33 = arith.addf %concatenate3A, %concatenate3A_32 : vector<10112x128xf32>
    %mul3A = vector.broadcast %rsqrt3A : vector<10112x1xf32> to vector<10112x128xf32>
    %mul3A_34 = arith.mulf %mul3A, %add3A_33 : vector<10112x128xf32>
    %get3A_35 = arith.constant 0 : index
    %get3A_36 = arith.constant 0 : index
    %get3A_37 = vector.load %arg3[%get3A_35, %get3A_36] : memref<128x128xf32, #tpu.memory_space<vmem>>, vector<128x128xf32>
    %dot_general3A = arith.constant dense<0.000000e+00> : vector<10112x128xf32>
    %dot_general3A_38 = tpu.matmul %mul3A_34, %get3A_37, %dot_general3A {dimension_numbers = #tpu.dot_dimension_numbers<[1], [0], [0], [1], [0, 0, 1, 1], [], []>, transpose_lhs_hint = false} : vector<10112x128xf32>, vector<128x128xf32>, vector<10112x128xf32> -> vector<10112x128xf32>
    %get3A_39 = arith.constant 0 : index
    %get3A_40 = arith.constant 0 : index
    %get3A_41 = vector.load %arg4[%get3A_39, %get3A_40] : memref<1x128xf32, #tpu.memory_space<vmem>>, vector<1x128xf32>
    %add3A_42 = vector.broadcast %get3A_41 : vector<1x128xf32> to vector<10112x128xf32>
    %add3A_43 = arith.addf %dot_general3A_38, %add3A_42 : vector<10112x128xf32>
    %max3A = arith.constant 0.000000e+00 : f32
    %max3A_44 = vector.broadcast %max3A : f32 to vector<10112x128xf32>
    %max3A_45 = arith.maximumf %add3A_43, %max3A_44 : vector<10112x128xf32>
    %mul3A_46 = vector.broadcast %rsqrt3A : vector<10112x1xf32> to vector<10112x128xf32>
    %mul3A_47 = arith.mulf %mul3A_46, %max3A_45 : vector<10112x128xf32>
    %slice3A = vector.extract_strided_slice %mul3A_47 {offsets = [0, 0], sizes = [10112, 64], strides = [1, 1]} : vector<10112x128xf32> to vector<10112x64xf32>
    %swap3A = arith.constant 0 : index
    %swap3A_48 = arith.constant 0 : index
    %swap3A_49 = arith.constant 0 : index
    %swap3A_50 = vector.load %arg5[%swap3A, %swap3A_48, %swap3A_49] : memref<2x10112x64xf32, #tpu.memory_space<vmem>>, vector<1x10112x64xf32>
    %swap3A_51 = vector.shape_cast %swap3A_50 : vector<1x10112x64xf32> to vector<10112x64xf32>
    %swap3A_52 = vector.shape_cast %slice3A : vector<10112x64xf32> to vector<1x10112x64xf32>
    tpu.vector_store %arg5[%swap3A, %swap3A_48, %swap3A_49], %swap3A_52 {strides = array<i32>} : memref<2x10112x64xf32, #tpu.memory_space<vmem>>, vector<1x10112x64xf32>,
    %slice3A_53 = vector.extract_strided_slice %mul3A_47 {offsets = [0, 64], sizes = [10112, 64], strides = [1, 1]} : vector<10112x128xf32> to vector<10112x64xf32>
    %swap3A_54 = arith.constant 1 : index
    %swap3A_55 = arith.constant 0 : index
    %swap3A_56 = arith.constant 0 : index
    %swap3A_57 = vector.load %arg5[%swap3A_54, %swap3A_55, %swap3A_56] : memref<2x10112x64xf32, #tpu.memory_space<vmem>>, vector<1x10112x64xf32>
    %swap3A_58 = vector.shape_cast %swap3A_57 : vector<1x10112x64xf32> to vector<10112x64xf32>
    %swap3A_59 = vector.shape_cast %slice3A_53 : vector<10112x64xf32> to vector<1x10112x64xf32>
    tpu.vector_store %arg5[%swap3A_54, %swap3A_55, %swap3A_56], %swap3A_59 {strides = array<i32>} : memref<2x10112x64xf32, #tpu.memory_space<vmem>>, vector<1x10112x64xf32>,
    return
  }
}

module attributes {stable_mosaic.version = 14 : i64} {
  func.func @_tc_post_body(%arg0: memref<2x10112x64xf32, #tpu.memory_space<vmem>>, %arg1: memref<2x10112x64xf32, #tpu.memory_space<vmem>>, %arg2: memref<2x10112x64xf32, #tpu.memory_space<vmem>>, %arg3: memref<128x128xf32, #tpu.memory_space<vmem>>, %arg4: memref<1x128xf32, #tpu.memory_space<vmem>>, %arg5: memref<10112x128xf32, #tpu.memory_space<vmem>>) attributes {dimension_semantics = [], scalar_prefetch = 0 : i64, scratch_operands = 0 : i64, tpu.core_type = #tpu.core_type<tc>} {
    %get3A = arith.constant 0 : index
    %get3A_0 = arith.constant 0 : index
    %get3A_1 = arith.constant 0 : index
    %get3A_2 = vector.load %arg2[%get3A, %get3A_0, %get3A_1] : memref<2x10112x64xf32, #tpu.memory_space<vmem>>, vector<1x10112x1xf32>
    %get3A_3 = vector.shape_cast %get3A_2 : vector<1x10112x1xf32> to vector<10112x1xf32>
    %add3A = arith.constant 1.000000e+00 : f32
    %add3A_4 = vector.broadcast %add3A : f32 to vector<10112x1xf32>
    %add3A_5 = arith.addf %add3A_4, %get3A_3 : vector<10112x1xf32>
    %get3A_6 = arith.constant 1 : index
    %get3A_7 = arith.constant 0 : index
    %get3A_8 = arith.constant 0 : index
    %get3A_9 = vector.load %arg2[%get3A_6, %get3A_7, %get3A_8] : memref<2x10112x64xf32, #tpu.memory_space<vmem>>, vector<1x10112x1xf32>
    %get3A_10 = vector.shape_cast %get3A_9 : vector<1x10112x1xf32> to vector<10112x1xf32>
    %add3A_11 = arith.addf %add3A_5, %get3A_10 : vector<10112x1xf32>
    %rsqrt3A = math.rsqrt %add3A_11 : vector<10112x1xf32>
    %get3A_12 = arith.constant 0 : index
    %get3A_13 = arith.constant 0 : index
    %get3A_14 = arith.constant 0 : index
    %get3A_15 = vector.load %arg0[%get3A_12, %get3A_13, %get3A_14] : memref<2x10112x64xf32, #tpu.memory_space<vmem>>, vector<1x10112x64xf32>
    %get3A_16 = vector.shape_cast %get3A_15 : vector<1x10112x64xf32> to vector<10112x64xf32>
    %get3A_17 = arith.constant 1 : index
    %get3A_18 = arith.constant 0 : index
    %get3A_19 = arith.constant 0 : index
    %get3A_20 = vector.load %arg0[%get3A_17, %get3A_18, %get3A_19] : memref<2x10112x64xf32, #tpu.memory_space<vmem>>, vector<1x10112x64xf32>
    %get3A_21 = vector.shape_cast %get3A_20 : vector<1x10112x64xf32> to vector<10112x64xf32>
    %concatenate3A = tpu.concatenate %get3A_16, %get3A_21 in 1 : vector<10112x64xf32>, vector<10112x64xf32> -> vector<10112x128xf32>
    %get3A_22 = arith.constant 0 : index
    %get3A_23 = arith.constant 0 : index
    %get3A_24 = arith.constant 0 : index
    %get3A_25 = vector.load %arg1[%get3A_22, %get3A_23, %get3A_24] : memref<2x10112x64xf32, #tpu.memory_space<vmem>>, vector<1x10112x64xf32>
    %get3A_26 = vector.shape_cast %get3A_25 : vector<1x10112x64xf32> to vector<10112x64xf32>
    %get3A_27 = arith.constant 1 : index
    %get3A_28 = arith.constant 0 : index
    %get3A_29 = arith.constant 0 : index
    %get3A_30 = vector.load %arg1[%get3A_27, %get3A_28, %get3A_29] : memref<2x10112x64xf32, #tpu.memory_space<vmem>>, vector<1x10112x64xf32>
    %get3A_31 = vector.shape_cast %get3A_30 : vector<1x10112x64xf32> to vector<10112x64xf32>
    %concatenate3A_32 = tpu.concatenate %get3A_26, %get3A_31 in 1 : vector<10112x64xf32>, vector<10112x64xf32> -> vector<10112x128xf32>
    %add3A_33 = arith.addf %concatenate3A, %concatenate3A_32 : vector<10112x128xf32>
    %mul3A = vector.broadcast %rsqrt3A : vector<10112x1xf32> to vector<10112x128xf32>
    %mul3A_34 = arith.mulf %mul3A, %add3A_33 : vector<10112x128xf32>
    %get3A_35 = arith.constant 0 : index
    %get3A_36 = arith.constant 0 : index
    %get3A_37 = vector.load %arg3[%get3A_35, %get3A_36] : memref<128x128xf32, #tpu.memory_space<vmem>>, vector<128x128xf32>
    %dot_general3A = arith.constant dense<0.000000e+00> : vector<10112x128xf32>
    %dot_general3A_38 = tpu.matmul %mul3A_34, %get3A_37, %dot_general3A {dimension_numbers = #tpu.dot_dimension_numbers<[1], [0], [0], [1], [0, 0, 1, 1], [], []>, transpose_lhs_hint = false} : vector<10112x128xf32>, vector<128x128xf32>, vector<10112x128xf32> -> vector<10112x128xf32>
    %get3A_39 = arith.constant 0 : index
    %get3A_40 = arith.constant 0 : index
    %get3A_41 = vector.load %arg4[%get3A_39, %get3A_40] : memref<1x128xf32, #tpu.memory_space<vmem>>, vector<1x128xf32>
    %add3A_42 = vector.broadcast %get3A_41 : vector<1x128xf32> to vector<10112x128xf32>
    %add3A_43 = arith.addf %dot_general3A_38, %add3A_42 : vector<10112x128xf32>
    %reduce_max3A = arith.constant dense<0xFF800000> : vector<10112xf32>
    %reduce_max3A_44 = vector.multi_reduction <maximumf>, %add3A_43, %reduce_max3A [1] : vector<10112x128xf32> to vector<10112xf32>
    %broadcast_in_dim3A = vector.shape_cast %reduce_max3A_44 : vector<10112xf32> to vector<10112x1xf32>
    %sub3A = vector.broadcast %broadcast_in_dim3A : vector<10112x1xf32> to vector<10112x128xf32>
    %sub3A_45 = arith.subf %add3A_43, %sub3A : vector<10112x128xf32>
    %exp3A = math.exp %sub3A_45 : vector<10112x128xf32>
    %reduce_sum3A = arith.constant dense<0.000000e+00> : vector<10112xf32>
    %reduce_sum3A_46 = vector.multi_reduction <add>, %exp3A, %reduce_sum3A [1] : vector<10112x128xf32> to vector<10112xf32>
    %broadcast_in_dim3A_47 = vector.shape_cast %reduce_sum3A_46 : vector<10112xf32> to vector<10112x1xf32>
    %log3A = math.log %broadcast_in_dim3A_47 : vector<10112x1xf32>
    %sub3A_48 = vector.broadcast %log3A : vector<10112x1xf32> to vector<10112x128xf32>
    %sub3A_49 = arith.subf %sub3A_45, %sub3A_48 : vector<10112x128xf32>
    %swap3A = arith.constant 0 : index
    %swap3A_50 = arith.constant 0 : index
    %swap3A_51 = vector.load %arg5[%swap3A, %swap3A_50] : memref<10112x128xf32, #tpu.memory_space<vmem>>, vector<10112x128xf32>
    tpu.vector_store %arg5[%swap3A, %swap3A_50], %sub3A_49 {strides = array<i32>} : memref<10112x128xf32, #tpu.memory_space<vmem>>, vector<10112x128xf32>,
    return
  }
}

</mosaic_0001>

<sc_bundles>
// kernel: kernel.11.cloned.1.call-start
scs
__scs_entry_jumppad:
0x0: {  	(pc) =	sbr.rel $0x88, $3  }
0x1: {  	(tag) =	ssettag $0x0;
	lr =	simm.s32 $0x1  }
0x2: {  	[smem:$0x3F9B] =	sst lr;
	_ =	strace $0xD0000000  }
0x3: {  	_ = 	snop  }
0x4: {  	_ = 	snop  }
0x5: {  	_ = 	snop  }
0x6: {  	_ = 	snop  }
0x7: {  	_ = 	snop  }
__scs_overlays_trampoline_lowered:
0x8: {  	[smem:$0x3FAA] =	sst s0  }
0x9: {  	[smem:$0x3FAB] =	sst s1  }
0xa: {  	[smem:$0x3FAC] =	sst s2  }
0xb: {  	[smem:$0x3FAD] =	sst s3  }
0xc: {  	[smem:$0x3FAE] =	sst s4  }
0xd: {  	[smem:$0x3FAF] =	sst s5  }
0xe: {  	[smem:$0x3FB0] =	sst s6  }
0xf: {  	[smem:$0x3FB1] =	sst s7  }
0x10: {  	[smem:$0x3FB2] =	sst s8  }
0x11: {  	[smem:$0x3FB3] =	sst s9;
	s0 =	simm.s32 @!p0 $0x0  }
0x12: {  	s1 =	sld [smem:$0x3F99];
	s0 =	simm.s32 @p0 $0x1  }
0x13: {  	[smem:$0x3FB4] =	sst s0;
	s0 =	simm.s32 @!p1 $0x0  }
0x14: {  	s2 =	sld [smem:$0x3F98];
	s0 =	simm.s32 @p1 $0x1  }
0x15: {  	[smem:$0x3FB5] =	sst s0;
	s0 =	simm.s32 @!p2 $0x0  }
0x16: {  	s3 =	sld [smem:$0x3FDB];
	s0 =	simm.s32 @p2 $0x1  }
0x17: {  	s4 =	simm.s32 $0x1BF5;
	[smem:$0x3FB7] =	sst s0  }
0x18: {  	s0 =	sld [smem:$0x3F9A];
	_ =	swait.ge [sflag:s4], $0x0  }
0x19: {  	s7 =	sld [smem:$0x3F9B]  }
0x1a: {  	s8 =	sadd.s32 $0xFFFFE003, lr  }
0x1b: {  	s9 =	sadd.s32 $0xFFFFFEF7, lr;
	s5 =	simm.s32 $0xFFFFFFFF;
	p2 =	slt.u32 s8, $0xFFFFF086  }
0x1c: {  	p1 =	slt.u32 s9, $0xF7A;
	s5 =	simm.s32 @!p2 $0x0  }
0x1d: {  	s5 =	simm.s32 @p1 $0x1;
	p0 =	seq.s32 s7, s2  }
0x1e: {  	s7 =	smul.u32 @!p0 $0xF7A, s2;
	p2 =	seq.s32 @!p0 s5, $0x0  }
0x1f: {  	s9 =	smul.u32 $0xF7A, s1;
	s8 =	simm.s32 @!p0 $0x1BF5;
	p2 =	por !p2, p0  }
0x20: {  	[sflag:s8] =	ssyncset.s32 @!p0 $0xFFFFF086;
	s6 =	sadd.s32 @!p0 s3, s7;
	s7 =	simm.s32 @!p0 $0x108  }
0x21: {  	s3 =	sadd.s32 s3, s9;
	s6 =	sadd.s32 @!p0 $0x88, s6;
	s7 =	simm.s32 @p2 $0x1082  }
0x22: {  	[simem:s7], [sflag:s8] =	dma.local @!p0 [hbm:s6], $0xF7A  }
0x23: {  	s9 =	sor.u32 $0xD0000000, s2;
	s6 =	simm.s32 $0x108;
	_ =	swait.ge @!p0 [sflag:s8], $0x0  }
0x24: {  	s3 =	sadd.s32 $0x88, s3;
	s6 =	simm.s32 @!p1 $0x1082;
	[sflag:s4] =	ssyncset.s32 $0xFFFFF086  }
0x25: {  	[simem:s6], [sflag:s4] =	dma.local [hbm:s3], $0xF7A  }
0x26: {  	[smem:$0x3F9B] =	sst s1;
	(tag) =	ssettag s2;
	_ =	strace s9  }
0x27: {  	s1 =	sld [smem:$0x3FAB]  }
0x28: {  	s2 =	sld [smem:$0x3FAC]  }
0x29: {  	s4 =	sld [smem:$0x3FAE]  }
0x2a: {  	p0 =	seq.s32 s5, $0x0;
	s5 =	sld [smem:$0x3FAF]  }
0x2b: {  	s6 =	sld [smem:$0x3FB0]  }
0x2c: {  	s7 =	sld [smem:$0x3FB1]  }
0x2d: {  	s3 =	simm.s32 $0x108;
	s8 =	sld [smem:$0x3FB2]  }
0x2e: {  	s3 =	simm.s32 @!p0 $0x1082;
	s9 =	sld [smem:$0x3FB3]  }
0x2f: {  	lr =	sadd.s32 s0, s3;
	s0 =	sld [smem:$0x3FAA]  }
0x30: {  	s3 =	sld [smem:$0x3FAD]  }
0x31: {  	[smem:$0x3FB6] =	sst s10  }
0x32: {  	s10 =	sld [smem:$0x3FB4];
	_ =	sdelay $0x3  }
0x33: {  	p0 =	seq.s32 s10, $0x1;
	s10 =	sld [smem:$0x3FB6];
	_ =	sdelay $0x3  }
0x34: {  	[smem:$0x3FB6] =	sst s10  }
0x35: {  	s10 =	sld [smem:$0x3FB5];
	_ =	sdelay $0x3  }
0x36: {  	p1 =	seq.s32 s10, $0x1;
	s10 =	sld [smem:$0x3FB6];
	_ =	sdelay $0x3  }
0x37: {  	[smem:$0x3FB6] =	sst s10  }
0x38: {  	s10 =	sld [smem:$0x3FB7]  }
0x39: {  	_ = 	snop;
	(pc) =	sbr.ind lr, $3  }
0x3a: {  	_ = 	snop  }
0x3b: {  	_ = 	snop  }
0x3c: {  	p2 =	seq.s32 s10, $0x1;
	s10 =	sld [smem:$0x3FB6]  }
0x3d: {  	_ =	shalt  }
0x3e: {  	_ =	shalt  }
0x3f: {  	_ =	shalt  }
0x40: {  	_ =	shalt  }
0x41: {  	_ =	shalt  }
0x42: {  	_ =	shalt  }
0x43: {  	_ =	shalt  }
0x44: {  	_ =	shalt  }
0x45: {  	_ =	shalt  }
0x46: {  	_ =	shalt  }
0x47: {  	_ =	shalt  }
0x48: {  	_ =	shalt  }
0x49: {  	_ =	shalt  }
0x4a: {  	_ =	shalt  }
0x4b: {  	_ =	shalt  }
0x4c: {  	_ =	shalt  }
0x4d: {  	_ =	shalt  }
0x4e: {  	_ =	shalt  }
0x4f: {  	_ =	shalt  }
0x50: {  	_ =	shalt  }
0x51: {  	_ =	shalt  }
0x52: {  	_ =	shalt  }
0x53: {  	_ =	shalt  }
0x54: {  	_ =	shalt  }
0x55: {  	_ =	shalt  }
0x56: {  	_ =	shalt  }
0x57: {  	_ =	shalt  }
0x58: {  	_ =	shalt  }
0x59: {  	_ =	shalt  }
0x5a: {  	_ =	shalt  }
0x5b: {  	_ =	shalt  }
0x5c: {  	_ =	shalt  }
0x5d: {  	_ =	shalt  }
0x5e: {  	_ =	shalt  }
0x5f: {  	_ =	shalt  }
0x60: {  	_ =	shalt  }
0x61: {  	_ =	shalt  }
0x62: {  	_ =	shalt  }
0x63: {  	_ =	shalt  }
0x64: {  	_ =	shalt  }
0x65: {  	_ =	shalt  }
0x66: {  	_ =	shalt  }
0x67: {  	_ =	shalt  }
0x68: {  	_ =	shalt  }
0x69: {  	_ =	shalt  }
0x6a: {  	_ =	shalt  }
0x6b: {  	_ =	shalt  }
0x6c: {  	_ =	shalt  }
0x6d: {  	_ =	shalt  }
0x6e: {  	_ =	shalt  }
0x6f: {  	_ =	shalt  }
0x70: {  	_ =	shalt  }
0x71: {  	_ =	shalt  }
0x72: {  	_ =	shalt  }
0x73: {  	_ =	shalt  }
0x74: {  	_ =	shalt  }
0x75: {  	_ =	shalt  }
0x76: {  	_ =	shalt  }
0x77: {  	_ =	shalt  }
0x78: {  	_ =	shalt  }
0x79: {  	_ =	shalt  }
0x7a: {  	_ =	shalt  }
0x7b: {  	_ =	shalt  }
0x7c: {  	_ =	shalt  }
0x7d: {  	_ =	shalt  }
0x7e: {  	_ =	shalt  }
0x7f: {  	_ =	shalt  }
0x80: {  	_ =	shalt  }
0x81: {  	_ =	shalt  }
0x82: {  	_ =	shalt  }
0x83: {  	_ =	shalt  }
0x84: {  	_ =	shalt  }
0x85: {  	_ =	shalt  }
0x86: {  	_ =	shalt  }
0x87: {  	_ =	shalt  }
.Lfunc_end0:
.L_simem_size_0:
called_computation.1_lowered:
.L_overlay_start_0:
0x88: {  	s2 =	sld [smem:$0x3FD9]  }
0x89: {  	s3 =	sld [smem:$0x3FFE];
	_ =	sdelay $0x1  }
0x8a: {  	s1 =	srdreg.scid  }
0x8b: {  	s0 =	sand.u32 $0x1, s1  }
0x8c: {  	s17 =	sshll.u32 s0, $0xA;
	s2 =	sadd.s32 s3, s2  }
0x8d: {  	s2 =	sadd.s32 s2, s17  }
0x8e: {  	[smem:$0x3FC2] =	sst s2  }
0x8f: {  	_ = 	snop  }
0x90: {  	s2 =	sld [smem:$0x3FD0];
	(tm) =	ssettm $0x1  }
0x91: {  	s18 =	sld [smem:$0x3FFB];
	_ =	sdelay $0x3  }
0x92: {  	_ =	strace s18  }
0x93: {  	s3 =	sld [smem:$0x3FFC];
	_ =	sdelay $0x3  }
0x94: {  	_ =	strace s3  }
0x95: {  	s3 =	sld [smem:$0x3FFD];
	_ =	sdelay $0x3  }
0x96: {  	_ =	strace s3  }
0x97: {  	_ =	strace $0x8FFFFFFF  }
0x98: {  	s19 =	sld [smem:$0x3FDB];
	_ =	sdelay $0x1  }
0x99: {  	s4 =	simm.s32 $_scs_section_size  }
0x9a: {  	s5 =	simm.s32 $_size__tile_overlayer_lowered;
	s6 =	simm.s32 $_tile_overlayer_lowered  }
0x9b: {  	s22 =	simm.s32 $0x1BFF;
	s21 =	sshll.u32 s6, $0x1;
	s3 =	sadd.s32 s4, s19  }
0x9c: {  	s7 =	simm.s32 $0x0;
	s20 =	sshll.u32 s5, $0x1;
	s5 =	sadd.s32 s21, s3  }
0x9d: {  	[timem:s7], [sflag:s22] =	dma.local [hbm:s5], s20  }
0x9e: {  	_ =	swait.ge [sflag:s22], s20  }
0x9f: {  	s4 =	ssub.s32 $0x0, s20;
	[sflag:s22] =	ssyncset.done $0x0  }
0xa0: {  	[sflag:s22] =	ssyncadd.s32 s4;
	_ =	sdelay $0x1  }
0xa1: {  	s23 =	simm.s32 $0x1B8B  }
0xa2: {  	_ =	swait.ge [sflag:s23], $0x1  }
0xa3: {  	[sflag:s23] =	ssyncset.done $0x0  }
0xa4: {  	s25 =	simm.s32 $0x1B8E;
	s24 =	sld [smem:$0x3FFE];
	[sflag:s23] =	ssyncadd.s32 $0xFFFFFFFF  }
0xa5: {  	s26 =	simm.s32 $execute0_lowered;
	[smem:$0x3FD2] =	sst s25  }
0xa6: {  	s5 =	sshll.u32 s26, $0x1;
	_ =	strace $0x80000049;
	[dreg:$0x1] =	wrdreg $0xFFFFFFFF  }
0xa7: {  	s28 =	simm.s32 $_size_execute0_lowered;
	s3 =	sadd.s32 s3, s5;
	[dreg:$0x0] =	wrdreg $0x0  }
0xa8: {  	s5 =	sshll.u32 s28, $0x1;
	[dreg:$0x2] =	wrdreg s3  }
0xa9: {  	[dreg:$0x3] =	wrdreg s5  }
0xaa: {  	[dreg:$0x4] =	wrdreg $0xC0  }
0xab: {  	_ =	task [dreg:s7], $0x5FFFF  }
0xac: {  	[dreg:$0x1] =	wrdreg $0xFFFFFFFF  }
0xad: {  	[dreg:$0x0] =	wrdreg $0x60  }
0xae: {  	[dreg:$0x2] =	wrdreg s24  }
0xaf: {  	[dreg:$0x3] =	wrdreg s2  }
0xb0: {  	[dreg:$0x4] =	wrdreg $0x140000  }
0xb1: {  	[dreg:$0x5] =	wrdreg $0x9  }
0xb2: {  	_ =	task.clear_ibuf [dreg:s7], $0x6FFFF;
	_ =	strace $0x90000049  }
0xb3: {  	s29 =	simm.s32 $0x9;
	_ =	strace $0x8000004B  }
0xb4: {  	_ =	swait.ge [sflag:s29], $0x1  }
0xb5: {  	[sflag:s29] =	ssyncadd.s32 $0xFFFFFFFF  }
0xb6: {  	_ =	strace $0x9000004B  }
0xb7: {  	_ =	sfence  }
0xb8: {  	s30 =	sld [smem:$0x0];
	_ =	sdelay $0x2  }
0xb9: {  	s31 =	sshll.u32 s1, $0xD;
	s1 =	sshrl.u32 s1, $0x2  }
0xba: {  	s3 =	sand.u32 $0x4000, s31;
	s1 =	sadd.s32 s1, s30  }
0xbb: {  	s0 =	sor.u32 s3, s0;
	s1 =	sshll.u32 s1, $0x11  }
0xbc: {  	s0 =	sor.u32 s1, s0  }
0xbd: {  	s0 =	sadd.s32 $0x8F2B, s0  }
0xbe: {  	[sflag:s0] =	ssyncadd.remote.s32 $0x1  }
0xbf: {  	_ =	sfence.sel $0xFFFF  }
0xc0: {  	[dreg:$0x0] =	wrdreg $0xFFFFFFFF;
	(pc) =	sbr.abs _section_cstart, $3  }
0xc1: {  	[dreg:$0x1] =	wrdreg $0xFFFFFFFF  }
0xc2: {  	_ =	task.clear_ibuf [dreg:s7], $0x2FFFF;
	_ =	strace $0x9FFFFFFF  }
0xc3: {  	(tm) =	ssettm $0x7FFFFFFF  }
tec
execute0_lowered:
.L_overlay_start_1:
0x0: {  	(tag) =	ssettag $0x1  }
0x1: {  	s0 =	rddreg [dreg:$0x0]  }
0x2: {  	s1 =	rddreg [dreg:$0x1]  }
0x3: {  	s2 =	rddreg [dreg:$0x2];
	s3 =	simm.s32 $0x0;
	s15 =	stileid.u32  }
0x4: {  	s4 =	srdreg.scid;
	s11 =	simm.s32 $0xA000;
	s12 =	simm.s32 $0xC000  }
0x5: {  	s14 =	simm.s32 $0xE000;
	s16 =	simm.s32 $0x10000;
	s18 =	simm.s32 $0x12000  }
0x6: {  	s22 =	simm.s32 $0x1;
	s23 =	simm.s32 $0x6;
	s28 =	simm.s32 $0x3  }
0x7: {  	s29 =	simm.s32 $0x8;
	s30 =	simm.s32 $0x4;
	s31 =	simm.s32 $0x9  }
0x8: {  	[smem:$0x7FF] =	sst s3;
	s7 =	smul.u32 $0xA00, s15;
	s5 =	sand.u32 $0x1, s4  }
0x9: {  	s4 =	sadd.s32 $0x1C00, s0;
	s9 =	smul.u32 $0x9E00, s15;
	s15 =	sshll.u32 s15, $0x6  }
0xa: {  	_ =	strace $0x8000004A;
	s6 =	smul.u32 $0x13C00, s5;
	s5 =	ssub.s32 $0x2, s5  }
0xb: {  	s20 =	sor.u32 $0x1C0B, s15;
	s15 =	simm.s32 $0x0;
	s8 =	sadd.s32 s7, s0  }
0xc: {  	s25 =	sshrl.u32 s5, $0x1;
	s7 =	sadd.s32 s1, s7;
	s26 =	sadd.s32 s9, s2  }
0xd: {  	s13 =	sshrl.u32 s9, $0x3;
	s9 =	simm.s32 $0xB;
	s1 =	simm.s32 $0xA  }
0xe: {  	s0 =	sadd.s32 s6, s0;
	s10 =	ssub.s32 s5, s25;
	s5 =	sadd.s32 $0x2A800, s8  }
0xf: {  	s21 =	sshrl.u32 s26, $0x3;
	s25 =	simm.s32 $0x2;
	s26 =	simm.s32 $0x7  }
0x10: {  	s6 =	sadd.s32 $0x3000, s0;
	s0 =	sadd.s32 $0xD2800, s0;
	s8 =	smax.u32 s10, $0x1  }
0x11: {  	s10 =	simm.s32 $0x80;
	s24 =	sadd.s32 s13, s0;
	s0 =	simm.s32 $0x5  }
.LBB2_1:
0x12: {  	[tilespmem:s3], [sflag:$0xB] =	stream.linear.gather [hbm4b:s5+s3], $0x5000, $0x38;
	[tilespmem:$0x1DE00] =	vst v63  }
0x13: {  	_ =	swait.ge [sflag:s9], $0x5000  }
0x14: {  	[sflag:s9] =	ssyncset.done $0x0  }
0x15: {  	[sflag:s9] =	ssyncadd.s32 $0xFFFFB000  }
0x16: {  	[tilespmem:s11], [sflag:$0x1] =	stream.indirect.gather [hbm4b:s6+s10], $0x40, s3, s10, $0xb8;
	[tilespmem:$0x1DE00] =	vst v63  }
0x17: {  	_ = 	snop  }
0x18: {  	[tilespmem:s12], [sflag:$0x2] =	stream.indirect.gather [hbm4b:s6+s10], $0x40, s10, s10, $0xb8;
	[tilespmem:$0x1DE00] =	vst v63  }
0x19: {  	s13 =	simm.s32 $0x100  }
0x1a: {  	[tilespmem:s14], [sflag:$0x3] =	stream.indirect.gather [hbm4b:s6+s10], $0x40, s13, s10, $0xb8;
	[tilespmem:$0x1DE00] =	vst v63  }
0x1b: {  	s19 =	simm.s32 $0x180  }
0x1c: {  	[tilespmem:s16], [sflag:$0x4] =	stream.indirect.gather [hbm4b:s6+s10], $0x40, s19, s10, $0xb8;
	[tilespmem:$0x1DE00] =	vst v63  }
0x1d: {  	s17 =	simm.s32 $0x200  }
0x1e: {  	[tilespmem:s18], [sflag:$0x5] =	stream.indirect.gather [hbm4b:s6+s10], $0x40, s17, s10, $0xb8;
	[tilespmem:$0x1DE00] =	vst v63  }
0x1f: {  	s19 =	simm.s32 $0x5000  }
0x20: {  	[tilespmem:s19], [sflag:$0xB] =	stream.linear.gather [hbm4b:s7+s3], $0x5000, $0x38;
	[tilespmem:$0x1DE00] =	vst v63  }
0x21: {  	_ =	swait.ge [sflag:s9], $0x5000  }
0x22: {  	[sflag:s9] =	ssyncset.done $0x0  }
0x23: {  	[sflag:s9] =	ssyncadd.s32 $0xFFFFB000  }
0x24: {  	[spmem:s21], [sflag:s20] =	dma.local [hbm:s4], $0x13C0  }
0x25: {  	_ =	swait.ge [sflag:s9], $0x13C0  }
0x26: {  	[sflag:s9] =	ssyncset.done $0x0  }
0x27: {  	[sflag:s9] =	ssyncadd.s32 $0xFFFFEC40  }
0x28: {  	[bflag:$0x0] =	sbarrier.arrive $0xFFFF  }
0x29: {  	_ =	swait.ge [sflag:s22], $0x2000  }
0x2a: {  	[sflag:s22] =	ssyncset.done $0x0  }
0x2b: {  	s17 =	simm.s32 $0x5000;
	[sflag:s22] =	ssyncadd.s32 $0xFFFFE000  }
0x2c: {  	[spmem:s2] =	stream.indirect.scatter.add.f32 [tilespmem:s11], [sflag:$0x6], $0x40, s17, s10, $0xb8;
	[tilespmem:$0x1DE00] =	vst v63  }
0x2d: {  	_ =	swait.ge [sflag:s23], $0x2000  }
0x2e: {  	[sflag:s23] =	ssyncset.done $0x0  }
0x2f: {  	s13 =	simm.s32 $0x280;
	[sflag:s23] =	ssyncadd.s32 $0xFFFFE000  }
0x30: {  	[tilespmem:s11], [sflag:$0x1] =	stream.indirect.gather [hbm4b:s6+s10], $0x40, s13, s10, $0xb8;
	[tilespmem:$0x1DE00] =	vst v63  }
0x31: {  	_ =	swait.ge [sflag:s25], $0x2000  }
0x32: {  	[sflag:s25] =	ssyncset.done $0x0  }
0x33: {  	s19 =	simm.s32 $0x5080;
	[sflag:s25] =	ssyncadd.s32 $0xFFFFE000  }
0x34: {  	[spmem:s2] =	stream.indirect.scatter.add.f32 [tilespmem:s12], [sflag:$0x7], $0x40, s19, s10, $0xb8;
	[tilespmem:$0x1DE00] =	vst v63  }
0x35: {  	_ =	swait.ge [sflag:s26], $0x2000  }
0x36: {  	[sflag:s26] =	ssyncset.done $0x0  }
0x37: {  	s13 =	simm.s32 $0x300;
	[sflag:s26] =	ssyncadd.s32 $0xFFFFE000  }
0x38: {  	[tilespmem:s12], [sflag:$0x2] =	stream.indirect.gather [hbm4b:s6+s10], $0x40, s13, s10, $0xb8;
	[tilespmem:$0x1DE00] =	vst v63  }
0x39: {  	_ =	swait.ge [sflag:s28], $0x2000  }
0x3a: {  	[sflag:s28] =	ssyncset.done $0x0  }
0x3b: {  	s19 =	simm.s32 $0x5100;
	[sflag:s28] =	ssyncadd.s32 $0xFFFFE000  }
0x3c: {  	[spmem:s2] =	stream.indirect.scatter.add.f32 [tilespmem:s14], [sflag:$0x8], $0x40, s19, s10, $0xb8;
	[tilespmem:$0x1DE00] =	vst v63  }
0x3d: {  	_ =	swait.ge [sflag:s29], $0x2000  }
0x3e: {  	[sflag:s29] =	ssyncset.done $0x0  }
0x3f: {  	s13 =	simm.s32 $0x380;
	[sflag:s29] =	ssyncadd.s32 $0xFFFFE000  }
0x40: {  	[tilespmem:s14], [sflag:$0x3] =	stream.indirect.gather [hbm4b:s6+s10], $0x40, s13, s10, $0xb8;
	[tilespmem:$0x1DE00] =	vst v63  }
0x41: {  	_ =	swait.ge [sflag:s30], $0x2000  }
0x42: {  	[sflag:s30] =	ssyncset.done $0x0  }
0x43: {  	s19 =	simm.s32 $0x5180;
	[sflag:s30] =	ssyncadd.s32 $0xFFFFE000  }
0x44: {  	[spmem:s2] =	stream.indirect.scatter.add.f32 [tilespmem:s16], [sflag:$0x9], $0x40, s19, s10, $0xb8;
	[tilespmem:$0x1DE00] =	vst v63  }
0x45: {  	_ =	swait.ge [sflag:s31], $0x2000  }
0x46: {  	[sflag:s31] =	ssyncset.done $0x0  }
0x47: {  	s13 =	simm.s32 $0x400;
	[sflag:s31] =	ssyncadd.s32 $0xFFFFE000  }
0x48: {  	[tilespmem:s16], [sflag:$0x4] =	stream.indirect.gather [hbm4b:s6+s10], $0x40, s13, s10, $0xb8;
	[tilespmem:$0x1DE00] =	vst v63  }
0x49: {  	_ =	swait.ge [sflag:s0], $0x2000  }
0x4a: {  	[sflag:s0] =	ssyncset.done $0x0  }
0x4b: {  	s19 =	simm.s32 $0x5200;
	[sflag:s0] =	ssyncadd.s32 $0xFFFFE000  }
0x4c: {  	[spmem:s2] =	stream.indirect.scatter.add.f32 [tilespmem:s18], [sflag:$0xA], $0x40, s19, s10, $0xb8;
	[tilespmem:$0x1DE00] =	vst v63  }
0x4d: {  	_ =	swait.ge [sflag:s1], $0x2000  }
0x4e: {  	[sflag:s1] =	ssyncset.done $0x0  }
0x4f: {  	s17 =	simm.s32 $0xA00;
	s19 =	simm.s32 $0x480;
	[sflag:s1] =	ssyncadd.s32 $0xFFFFE000  }
.LBB2_2:
0x50: {  	[tilespmem:s18], [sflag:$0x5] =	stream.indirect.gather [hbm4b:s6+s10], $0x40, s19, s10, $0xb8;
	[tilespmem:$0x1DE00] =	vst v63  }
0x51: {  	s19 =	smov.u32 s17  }
0x52: {  	p0 =	sne.s32 s17, $0x12C00;
	s17 =	sadd.s32 $0xA00, s17;
	_ =	swait.ge [sflag:s22], $0x2000  }
0x53: {  	s19 =	sshra.s32 s19, $0x2;
	[sflag:s22] =	ssyncset.done $0x0  }
0x54: {  	s13 =	sadd.s32 $0x5000, s19;
	[sflag:s22] =	ssyncadd.s32 $0xFFFFE000  }
0x55: {  	[spmem:s2] =	stream.indirect.scatter.add.f32 [tilespmem:s11], [sflag:$0x6], $0x40, s13, s10, $0xb8;
	[tilespmem:$0x1DE00] =	vst v63  }
0x56: {  	_ =	swait.ge [sflag:s23], $0x2000  }
0x57: {  	[sflag:s23] =	ssyncset.done $0x0  }
0x58: {  	s13 =	sadd.s32 $0x280, s19;
	[sflag:s23] =	ssyncadd.s32 $0xFFFFE000  }
0x59: {  	[tilespmem:s11], [sflag:$0x1] =	stream.indirect.gather [hbm4b:s6+s10], $0x40, s13, s10, $0xb8;
	[tilespmem:$0x1DE00] =	vst v63  }
0x5a: {  	_ =	swait.ge [sflag:s25], $0x2000  }
0x5b: {  	[sflag:s25] =	ssyncset.done $0x0  }
0x5c: {  	s13 =	sadd.s32 $0x5080, s19;
	[sflag:s25] =	ssyncadd.s32 $0xFFFFE000  }
0x5d: {  	[spmem:s2] =	stream.indirect.scatter.add.f32 [tilespmem:s12], [sflag:$0x7], $0x40, s13, s10, $0xb8;
	[tilespmem:$0x1DE00] =	vst v63  }
0x5e: {  	_ =	swait.ge [sflag:s26], $0x2000  }
0x5f: {  	[sflag:s26] =	ssyncset.done $0x0  }
0x60: {  	s13 =	sadd.s32 $0x300, s19;
	[sflag:s26] =	ssyncadd.s32 $0xFFFFE000  }
0x61: {  	[tilespmem:s12], [sflag:$0x2] =	stream.indirect.gather [hbm4b:s6+s10], $0x40, s13, s10, $0xb8;
	[tilespmem:$0x1DE00] =	vst v63  }
0x62: {  	_ =	swait.ge [sflag:s28], $0x2000  }
0x63: {  	[sflag:s28] =	ssyncset.done $0x0  }
0x64: {  	s13 =	sadd.s32 $0x5100, s19;
	[sflag:s28] =	ssyncadd.s32 $0xFFFFE000  }
0x65: {  	[spmem:s2] =	stream.indirect.scatter.add.f32 [tilespmem:s14], [sflag:$0x8], $0x40, s13, s10, $0xb8;
	[tilespmem:$0x1DE00] =	vst v63  }
0x66: {  	_ =	swait.ge [sflag:s29], $0x2000  }
0x67: {  	[sflag:s29] =	ssyncset.done $0x0  }
0x68: {  	s13 =	sadd.s32 $0x380, s19;
	[sflag:s29] =	ssyncadd.s32 $0xFFFFE000  }
0x69: {  	[tilespmem:s14], [sflag:$0x3] =	stream.indirect.gather [hbm4b:s6+s10], $0x40, s13, s10, $0xb8;
	[tilespmem:$0x1DE00] =	vst v63  }
0x6a: {  	_ =	swait.ge [sflag:s30], $0x2000  }
0x6b: {  	[sflag:s30] =	ssyncset.done $0x0  }
0x6c: {  	s13 =	sadd.s32 $0x5180, s19;
	[sflag:s30] =	ssyncadd.s32 $0xFFFFE000  }
0x6d: {  	[spmem:s2] =	stream.indirect.scatter.add.f32 [tilespmem:s16], [sflag:$0x9], $0x40, s13, s10, $0xb8;
	[tilespmem:$0x1DE00] =	vst v63  }
0x6e: {  	_ =	swait.ge [sflag:s31], $0x2000  }
0x6f: {  	[sflag:s31] =	ssyncset.done $0x0  }
0x70: {  	s13 =	sadd.s32 $0x400, s19;
	[sflag:s31] =	ssyncadd.s32 $0xFFFFE000  }
0x71: {  	[tilespmem:s16], [sflag:$0x4] =	stream.indirect.gather [hbm4b:s6+s10], $0x40, s13, s10, $0xb8;
	[tilespmem:$0x1DE00] =	vst v63  }
0x72: {  	_ =	swait.ge [sflag:s0], $0x2000  }
0x73: {  	[sflag:s0] =	ssyncset.done $0x0  }
.Ltmp0:
0x74: {  	s13 =	sadd.s32 $0x5200, s19;
	[sflag:s0] =	ssyncadd.s32 $0xFFFFE000;
	(pc) =	sbr.rel @p0 .LBB2_2-.Ltmp0, $4  }
0x75: {  	[spmem:s2] =	stream.indirect.scatter.add.f32 [tilespmem:s18], [sflag:$0xA], $0x40, s13, s10, $0xb8;
	[tilespmem:$0x1DE00] =	vst v63  }
0x76: {  	_ =	swait.ge [sflag:s1], $0x2000  }
0x77: {  	[sflag:s1] =	ssyncset.done $0x0  }
0x78: {  	s19 =	sadd.s32 $0x480, s19;
	[sflag:s1] =	ssyncadd.s32 $0xFFFFE000  }
0x79: {  	[tilespmem:s18], [sflag:$0x5] =	stream.indirect.gather [hbm4b:s6+s10], $0x40, s19, s10, $0xb8;
	[tilespmem:$0x1DE00] =	vst v63  }
0x7a: {  	_ =	swait.ge [sflag:s22], $0x2000  }
0x7b: {  	[sflag:s22] =	ssyncset.done $0x0  }
0x7c: {  	s13 =	simm.s32 $0x9D80;
	[sflag:s22] =	ssyncadd.s32 $0xFFFFE000  }
0x7d: {  	[spmem:s2] =	stream.indirect.scatter.add.f32 [tilespmem:s11], [sflag:$0x6], $0x40, s13, s10, $0xb8;
	[tilespmem:$0x1DE00] =	vst v63  }
0x7e: {  	_ =	swait.ge [sflag:s23], $0x2000  }
0x7f: {  	[sflag:s23] =	ssyncset.done $0x0  }
0x80: {  	[sflag:s23] =	ssyncadd.s32 $0xFFFFE000  }
0x81: {  	_ =	swait.ge [sflag:s25], $0x2000  }
0x82: {  	[sflag:s25] =	ssyncset.done $0x0  }
0x83: {  	s17 =	simm.s32 $0x9E00;
	[sflag:s25] =	ssyncadd.s32 $0xFFFFE000  }
0x84: {  	[spmem:s2] =	stream.indirect.scatter.add.f32 [tilespmem:s12], [sflag:$0x7], $0x40, s17, s10, $0xb8;
	[tilespmem:$0x1DE00] =	vst v63  }
0x85: {  	_ =	swait.ge [sflag:s26], $0x2000  }
0x86: {  	[sflag:s26] =	ssyncset.done $0x0  }
0x87: {  	[sflag:s26] =	ssyncadd.s32 $0xFFFFE000  }
0x88: {  	_ =	swait.ge [sflag:s28], $0x2000  }
0x89: {  	[sflag:s28] =	ssyncset.done $0x0  }
0x8a: {  	s19 =	simm.s32 $0x9E80;
	[sflag:s28] =	ssyncadd.s32 $0xFFFFE000  }
0x8b: {  	[spmem:s2] =	stream.indirect.scatter.add.f32 [tilespmem:s14], [sflag:$0x8], $0x40, s19, s10, $0xb8;
	[tilespmem:$0x1DE00] =	vst v63  }
0x8c: {  	_ =	swait.ge [sflag:s29], $0x2000  }
0x8d: {  	[sflag:s29] =	ssyncset.done $0x0  }
0x8e: {  	[sflag:s29] =	ssyncadd.s32 $0xFFFFE000  }
0x8f: {  	_ =	swait.ge [sflag:s30], $0x2000  }
0x90: {  	[sflag:s30] =	ssyncset.done $0x0  }
0x91: {  	s17 =	simm.s32 $0x9F00;
	[sflag:s30] =	ssyncadd.s32 $0xFFFFE000  }
0x92: {  	[spmem:s2] =	stream.indirect.scatter.add.f32 [tilespmem:s16], [sflag:$0x9], $0x40, s17, s10, $0xb8;
	[tilespmem:$0x1DE00] =	vst v63  }
0x93: {  	_ =	swait.ge [sflag:s31], $0x2000  }
0x94: {  	[sflag:s31] =	ssyncset.done $0x0  }
0x95: {  	[sflag:s31] =	ssyncadd.s32 $0xFFFFE000  }
0x96: {  	_ =	swait.ge [sflag:s0], $0x2000  }
0x97: {  	[sflag:s0] =	ssyncset.done $0x0  }
0x98: {  	s19 =	simm.s32 $0x9F80;
	[sflag:s0] =	ssyncadd.s32 $0xFFFFE000  }
0x99: {  	[spmem:s2] =	stream.indirect.scatter.add.f32 [tilespmem:s18], [sflag:$0xA], $0x40, s19, s10, $0xb8;
	[tilespmem:$0x1DE00] =	vst v63  }
0x9a: {  	_ =	swait.ge [sflag:s1], $0x2000  }
0x9b: {  	s15 =	sadd.s32 $0x1, s15;
	[sflag:s1] =	ssyncset.done $0x0  }
0x9c: {  	p0 =	sne.s32 s15, s8;
	[sflag:s1] =	ssyncadd.s32 $0xFFFFE000  }
.Ltmp1:
0x9d: {  	[bflag:$0x0] =	sbarrier.arrive $0xFFFF;
	(pc) =	sbr.rel @p0 .LBB2_1-.Ltmp1, $4  }
0x9e: {  	[hbm:s24], [sflag:s20] =	dma.local [spmem:s21], $0x13C0  }
0x9f: {  	_ =	swait.ge [sflag:s9], $0x13C0  }
0xa0: {  	[sflag:s9] =	ssyncset.done $0x0  }
0xa1: {  	[sflag:s9] =	ssyncadd.s32 $0xFFFFEC40  }
0xa2: {  	_ =	sfence.sel $0x180000  }
0xa3: {  	[bflag:$0x0] =	sbarrier.arrive $0xFFFF  }
0xa4: {  	_ =	strace $0x9000004A  }
0xa5: {  	s0 =	stileid.u32;
	[bflag:$0x2] =	sbarrier.arrive $0xFFFF  }
0xa6: {  	p0 =	sne.s32 s0, $0x0;
	s0 =	rddreg [dreg:$0x3]  }
0xa7: {  	s0 =	sadd.s32 @!p0 $0x100000, s0  }
0xa8: {  	[sflag:s0] =	ssyncadd.tile.s32 @!p0 $0x1;
	_ =	shalt  }
.Lfunc_end2:
_tile_overlayer_lowered:
.L_overlay_start_2:
0xa9: {  	(tag) =	ssettag $0x2  }
0xaa: {  	s0 =	rddreg [dreg:$0x0];
	s2 =	stileid.u32  }
0xab: {  	s1 =	rddreg [dreg:$0x1];
	p0 =	sne.s32 s2, $0x0  }
0xac: {  	s3 =	rddreg [dreg:$0x2];
	[bflag:$0x3] =	sbarrier.arrive $0xFFFF;
	s2 =	simm.s32 @!p0 $0x1C0B  }
0xad: {  	[timem:s3], [sflag:s2] =	dma.local @!p0 [hbm:s0], s1  }
0xae: {  	s0 =	simm.s32 @!p0 $0xB  }
0xaf: {  	_ =	swait.ge @!p0 [sflag:s0], s1  }
0xb0: {  	s1 =	ssub.s32 @!p0 $0x0, s1;
	[sflag:s0] =	ssyncset.done @!p0 $0x0  }
0xb1: {  	[sflag:s0] =	ssyncadd.s32 @!p0 s1  }
0xb2: {  	[bflag:$0x3] =	sbarrier.arrive $0xFFFF  }
0xb3: {  	_ =	shalt  }

// kernel: kernel.14.cloned.1.call-start
scs
__scs_entry_jumppad:
0x0: {  	(pc) =	sbr.rel $0x88, $3  }
0x1: {  	(tag) =	ssettag $0x0;
	lr =	simm.s32 $0x1  }
0x2: {  	[smem:$0x3F9B] =	sst lr;
	_ =	strace $0xD0000000  }
0x3: {  	_ = 	snop  }
0x4: {  	_ = 	snop  }
0x5: {  	_ = 	snop  }
0x6: {  	_ = 	snop  }
0x7: {  	_ = 	snop  }
__scs_overlays_trampoline_lowered:
0x8: {  	[smem:$0x3FAA] =	sst s0  }
0x9: {  	[smem:$0x3FAB] =	sst s1  }
0xa: {  	[smem:$0x3FAC] =	sst s2  }
0xb: {  	[smem:$0x3FAD] =	sst s3  }
0xc: {  	[smem:$0x3FAE] =	sst s4  }
0xd: {  	[smem:$0x3FAF] =	sst s5  }
0xe: {  	[smem:$0x3FB0] =	sst s6  }
0xf: {  	[smem:$0x3FB1] =	sst s7  }
0x10: {  	[smem:$0x3FB2] =	sst s8  }
0x11: {  	[smem:$0x3FB3] =	sst s9;
	s0 =	simm.s32 @!p0 $0x0  }
0x12: {  	s1 =	sld [smem:$0x3F99];
	s0 =	simm.s32 @p0 $0x1  }
0x13: {  	[smem:$0x3FB4] =	sst s0;
	s0 =	simm.s32 @!p1 $0x0  }
0x14: {  	s2 =	sld [smem:$0x3F98];
	s0 =	simm.s32 @p1 $0x1  }
0x15: {  	[smem:$0x3FB5] =	sst s0;
	s0 =	simm.s32 @!p2 $0x0  }
0x16: {  	s3 =	sld [smem:$0x3FDB];
	s0 =	simm.s32 @p2 $0x1  }
0x17: {  	s4 =	simm.s32 $0x1BF5;
	[smem:$0x3FB7] =	sst s0  }
0x18: {  	s0 =	sld [smem:$0x3F9A];
	_ =	swait.ge [sflag:s4], $0x0  }
0x19: {  	s7 =	sld [smem:$0x3F9B]  }
0x1a: {  	s8 =	sadd.s32 $0xFFFFE003, lr  }
0x1b: {  	s9 =	sadd.s32 $0xFFFFFEF7, lr;
	s5 =	simm.s32 $0xFFFFFFFF;
	p2 =	slt.u32 s8, $0xFFFFF086  }
0x1c: {  	p1 =	slt.u32 s9, $0xF7A;
	s5 =	simm.s32 @!p2 $0x0  }
0x1d: {  	s5 =	simm.s32 @p1 $0x1;
	p0 =	seq.s32 s7, s2  }
0x1e: {  	s7 =	smul.u32 @!p0 $0xF7A, s2;
	p2 =	seq.s32 @!p0 s5, $0x0  }
0x1f: {  	s9 =	smul.u32 $0xF7A, s1;
	s8 =	simm.s32 @!p0 $0x1BF5;
	p2 =	por !p2, p0  }
0x20: {  	[sflag:s8] =	ssyncset.s32 @!p0 $0xFFFFF086;
	s6 =	sadd.s32 @!p0 s3, s7;
	s7 =	simm.s32 @!p0 $0x108  }
0x21: {  	s3 =	sadd.s32 s3, s9;
	s6 =	sadd.s32 @!p0 $0x88, s6;
	s7 =	simm.s32 @p2 $0x1082  }
0x22: {  	[simem:s7], [sflag:s8] =	dma.local @!p0 [hbm:s6], $0xF7A  }
0x23: {  	s9 =	sor.u32 $0xD0000000, s2;
	s6 =	simm.s32 $0x108;
	_ =	swait.ge @!p0 [sflag:s8], $0x0  }
0x24: {  	s3 =	sadd.s32 $0x88, s3;
	s6 =	simm.s32 @!p1 $0x1082;
	[sflag:s4] =	ssyncset.s32 $0xFFFFF086  }
0x25: {  	[simem:s6], [sflag:s4] =	dma.local [hbm:s3], $0xF7A  }
0x26: {  	[smem:$0x3F9B] =	sst s1;
	(tag) =	ssettag s2;
	_ =	strace s9  }
0x27: {  	s1 =	sld [smem:$0x3FAB]  }
0x28: {  	s2 =	sld [smem:$0x3FAC]  }
0x29: {  	s4 =	sld [smem:$0x3FAE]  }
0x2a: {  	p0 =	seq.s32 s5, $0x0;
	s5 =	sld [smem:$0x3FAF]  }
0x2b: {  	s6 =	sld [smem:$0x3FB0]  }
0x2c: {  	s7 =	sld [smem:$0x3FB1]  }
0x2d: {  	s3 =	simm.s32 $0x108;
	s8 =	sld [smem:$0x3FB2]  }
0x2e: {  	s3 =	simm.s32 @!p0 $0x1082;
	s9 =	sld [smem:$0x3FB3]  }
0x2f: {  	lr =	sadd.s32 s0, s3;
	s0 =	sld [smem:$0x3FAA]  }
0x30: {  	s3 =	sld [smem:$0x3FAD]  }
0x31: {  	[smem:$0x3FB6] =	sst s10  }
0x32: {  	s10 =	sld [smem:$0x3FB4];
	_ =	sdelay $0x3  }
0x33: {  	p0 =	seq.s32 s10, $0x1;
	s10 =	sld [smem:$0x3FB6];
	_ =	sdelay $0x3  }
0x34: {  	[smem:$0x3FB6] =	sst s10  }
0x35: {  	s10 =	sld [smem:$0x3FB5];
	_ =	sdelay $0x3  }
0x36: {  	p1 =	seq.s32 s10, $0x1;
	s10 =	sld [smem:$0x3FB6];
	_ =	sdelay $0x3  }
0x37: {  	[smem:$0x3FB6] =	sst s10  }
0x38: {  	s10 =	sld [smem:$0x3FB7]  }
0x39: {  	_ = 	snop;
	(pc) =	sbr.ind lr, $3  }
0x3a: {  	_ = 	snop  }
0x3b: {  	_ = 	snop  }
0x3c: {  	p2 =	seq.s32 s10, $0x1;
	s10 =	sld [smem:$0x3FB6]  }
0x3d: {  	_ =	shalt  }
0x3e: {  	_ =	shalt  }
0x3f: {  	_ =	shalt  }
0x40: {  	_ =	shalt  }
0x41: {  	_ =	shalt  }
0x42: {  	_ =	shalt  }
0x43: {  	_ =	shalt  }
0x44: {  	_ =	shalt  }
0x45: {  	_ =	shalt  }
0x46: {  	_ =	shalt  }
0x47: {  	_ =	shalt  }
0x48: {  	_ =	shalt  }
0x49: {  	_ =	shalt  }
0x4a: {  	_ =	shalt  }
0x4b: {  	_ =	shalt  }
0x4c: {  	_ =	shalt  }
0x4d: {  	_ =	shalt  }
0x4e: {  	_ =	shalt  }
0x4f: {  	_ =	shalt  }
0x50: {  	_ =	shalt  }
0x51: {  	_ =	shalt  }
0x52: {  	_ =	shalt  }
0x53: {  	_ =	shalt  }
0x54: {  	_ =	shalt  }
0x55: {  	_ =	shalt  }
0x56: {  	_ =	shalt  }
0x57: {  	_ =	shalt  }
0x58: {  	_ =	shalt  }
0x59: {  	_ =	shalt  }
0x5a: {  	_ =	shalt  }
0x5b: {  	_ =	shalt  }
0x5c: {  	_ =	shalt  }
0x5d: {  	_ =	shalt  }
0x5e: {  	_ =	shalt  }
0x5f: {  	_ =	shalt  }
0x60: {  	_ =	shalt  }
0x61: {  	_ =	shalt  }
0x62: {  	_ =	shalt  }
0x63: {  	_ =	shalt  }
0x64: {  	_ =	shalt  }
0x65: {  	_ =	shalt  }
0x66: {  	_ =	shalt  }
0x67: {  	_ =	shalt  }
0x68: {  	_ =	shalt  }
0x69: {  	_ =	shalt  }
0x6a: {  	_ =	shalt  }
0x6b: {  	_ =	shalt  }
0x6c: {  	_ =	shalt  }
0x6d: {  	_ =	shalt  }
0x6e: {  	_ =	shalt  }
0x6f: {  	_ =	shalt  }
0x70: {  	_ =	shalt  }
0x71: {  	_ =	shalt  }
0x72: {  	_ =	shalt  }
0x73: {  	_ =	shalt  }
0x74: {  	_ =	shalt  }
0x75: {  	_ =	shalt  }
0x76: {  	_ =	shalt  }
0x77: {  	_ =	shalt  }
0x78: {  	_ =	shalt  }
0x79: {  	_ =	shalt  }
0x7a: {  	_ =	shalt  }
0x7b: {  	_ =	shalt  }
0x7c: {  	_ =	shalt  }
0x7d: {  	_ =	shalt  }
0x7e: {  	_ =	shalt  }
0x7f: {  	_ =	shalt  }
0x80: {  	_ =	shalt  }
0x81: {  	_ =	shalt  }
0x82: {  	_ =	shalt  }
0x83: {  	_ =	shalt  }
0x84: {  	_ =	shalt  }
0x85: {  	_ =	shalt  }
0x86: {  	_ =	shalt  }
0x87: {  	_ =	shalt  }
.Lfunc_end0:
.L_simem_size_0:
called_computation.2_lowered:
.L_overlay_start_0:
0x88: {  	s2 =	sld [smem:$0x3FD9]  }
0x89: {  	s3 =	sld [smem:$0x3FFE];
	_ =	sdelay $0x1  }
0x8a: {  	s1 =	srdreg.scid  }
0x8b: {  	s0 =	sand.u32 $0x1, s1  }
0x8c: {  	s17 =	sshll.u32 s0, $0xA;
	s2 =	sadd.s32 s3, s2  }
0x8d: {  	s2 =	sadd.s32 s2, s17  }
0x8e: {  	[smem:$0x3FC2] =	sst s2  }
0x8f: {  	_ = 	snop  }
0x90: {  	s2 =	sld [smem:$0x3FD0];
	(tm) =	ssettm $0x1  }
0x91: {  	s18 =	sld [smem:$0x3FFB];
	_ =	sdelay $0x3  }
0x92: {  	_ =	strace s18  }
0x93: {  	s3 =	sld [smem:$0x3FFC];
	_ =	sdelay $0x3  }
0x94: {  	_ =	strace s3  }
0x95: {  	s3 =	sld [smem:$0x3FFD];
	_ =	sdelay $0x3  }
0x96: {  	_ =	strace s3  }
0x97: {  	_ =	strace $0x8FFFFFFF  }
0x98: {  	s19 =	sld [smem:$0x3FDB];
	_ =	sdelay $0x1  }
0x99: {  	s4 =	simm.s32 $_scs_section_size  }
0x9a: {  	s5 =	simm.s32 $_size__tile_overlayer_lowered;
	s6 =	simm.s32 $_tile_overlayer_lowered  }
0x9b: {  	s22 =	simm.s32 $0x1BFF;
	s21 =	sshll.u32 s6, $0x1;
	s3 =	sadd.s32 s4, s19  }
0x9c: {  	s7 =	simm.s32 $0x0;
	s20 =	sshll.u32 s5, $0x1;
	s5 =	sadd.s32 s21, s3  }
0x9d: {  	[timem:s7], [sflag:s22] =	dma.local [hbm:s5], s20  }
0x9e: {  	_ =	swait.ge [sflag:s22], s20  }
0x9f: {  	s4 =	ssub.s32 $0x0, s20;
	[sflag:s22] =	ssyncset.done $0x0  }
0xa0: {  	[sflag:s22] =	ssyncadd.s32 s4;
	_ =	sdelay $0x1  }
0xa1: {  	s23 =	simm.s32 $0x1B8B  }
0xa2: {  	_ =	swait.ge [sflag:s23], $0x1  }
0xa3: {  	[sflag:s23] =	ssyncset.done $0x0  }
0xa4: {  	s25 =	simm.s32 $0x1B8E;
	s24 =	sld [smem:$0x3FFE];
	[sflag:s23] =	ssyncadd.s32 $0xFFFFFFFF  }
0xa5: {  	s26 =	simm.s32 $execute0_lowered;
	[smem:$0x3FD2] =	sst s25  }
0xa6: {  	s5 =	sshll.u32 s26, $0x1;
	_ =	strace $0x8000004C;
	[dreg:$0x1] =	wrdreg $0xFFFFFFFF  }
0xa7: {  	s28 =	simm.s32 $_size_execute0_lowered;
	s3 =	sadd.s32 s3, s5;
	[dreg:$0x0] =	wrdreg $0x0  }
0xa8: {  	s5 =	sshll.u32 s28, $0x1;
	[dreg:$0x2] =	wrdreg s3  }
0xa9: {  	[dreg:$0x3] =	wrdreg s5  }
0xaa: {  	[dreg:$0x4] =	wrdreg $0xC0  }
0xab: {  	_ =	task [dreg:s7], $0x5FFFF  }
0xac: {  	[dreg:$0x1] =	wrdreg $0xFFFFFFFF  }
0xad: {  	[dreg:$0x0] =	wrdreg $0x60  }
0xae: {  	[dreg:$0x2] =	wrdreg s24  }
0xaf: {  	[dreg:$0x3] =	wrdreg s2  }
0xb0: {  	[dreg:$0x4] =	wrdreg $0x140000  }
0xb1: {  	[dreg:$0x5] =	wrdreg $0x9  }
0xb2: {  	_ =	task.clear_ibuf [dreg:s7], $0x6FFFF;
	_ =	strace $0x9000004C  }
0xb3: {  	s29 =	simm.s32 $0x9;
	_ =	strace $0x8000004E  }
0xb4: {  	_ =	swait.ge [sflag:s29], $0x1  }
0xb5: {  	[sflag:s29] =	ssyncadd.s32 $0xFFFFFFFF  }
0xb6: {  	_ =	strace $0x9000004E  }
0xb7: {  	_ =	sfence  }
0xb8: {  	s30 =	sld [smem:$0x0];
	_ =	sdelay $0x2  }
0xb9: {  	s31 =	sshll.u32 s1, $0xD;
	s1 =	sshrl.u32 s1, $0x2  }
0xba: {  	s3 =	sand.u32 $0x4000, s31;
	s1 =	sadd.s32 s1, s30  }
0xbb: {  	s0 =	sor.u32 s3, s0;
	s1 =	sshll.u32 s1, $0x11  }
0xbc: {  	s0 =	sor.u32 s1, s0  }
0xbd: {  	s0 =	sadd.s32 $0x8F2B, s0  }
0xbe: {  	[sflag:s0] =	ssyncadd.remote.s32 $0x1  }
0xbf: {  	_ =	sfence.sel $0xFFFF  }
0xc0: {  	[dreg:$0x0] =	wrdreg $0xFFFFFFFF;
	(pc) =	sbr.abs _section_cstart, $3  }
0xc1: {  	[dreg:$0x1] =	wrdreg $0xFFFFFFFF  }
0xc2: {  	_ =	task.clear_ibuf [dreg:s7], $0x2FFFF;
	_ =	strace $0x9FFFFFFF  }
0xc3: {  	(tm) =	ssettm $0x7FFFFFFF  }
tec
execute0_lowered:
.L_overlay_start_1:
0x0: {  	(tag) =	ssettag $0x1  }
0x1: {  	s0 =	rddreg [dreg:$0x0]  }
0x2: {  	s1 =	rddreg [dreg:$0x1]  }
0x3: {  	s2 =	rddreg [dreg:$0x2];
	s3 =	simm.s32 $0x0;
	s15 =	stileid.u32  }
0x4: {  	s4 =	srdreg.scid;
	s11 =	simm.s32 $0xA000;
	s12 =	simm.s32 $0xC000  }
0x5: {  	s14 =	simm.s32 $0xE000;
	s16 =	simm.s32 $0x10000;
	s18 =	simm.s32 $0x12000  }
0x6: {  	s22 =	simm.s32 $0x1;
	s23 =	simm.s32 $0x6;
	s28 =	simm.s32 $0x3  }
0x7: {  	s29 =	simm.s32 $0x8;
	s30 =	simm.s32 $0x4;
	s31 =	simm.s32 $0x9  }
0x8: {  	[smem:$0x7FF] =	sst s3;
	s7 =	smul.u32 $0xA00, s15;
	s5 =	sand.u32 $0x1, s4  }
0x9: {  	s4 =	sadd.s32 $0x1C00, s0;
	s9 =	smul.u32 $0x9E00, s15;
	s15 =	sshll.u32 s15, $0x6  }
0xa: {  	_ =	strace $0x8000004D;
	s6 =	smul.u32 $0x13C00, s5;
	s5 =	ssub.s32 $0x2, s5  }
0xb: {  	s20 =	sor.u32 $0x1C0B, s15;
	s15 =	simm.s32 $0x0;
	s8 =	sadd.s32 s7, s0  }
0xc: {  	s25 =	sshrl.u32 s5, $0x1;
	s7 =	sadd.s32 s1, s7;
	s26 =	sadd.s32 s9, s2  }
0xd: {  	s13 =	sshrl.u32 s9, $0x3;
	s9 =	simm.s32 $0xB;
	s1 =	simm.s32 $0xA  }
0xe: {  	s0 =	sadd.s32 s6, s0;
	s10 =	ssub.s32 s5, s25;
	s5 =	sadd.s32 $0x2A800, s8  }
0xf: {  	s21 =	sshrl.u32 s26, $0x3;
	s25 =	simm.s32 $0x2;
	s26 =	simm.s32 $0x7  }
0x10: {  	s6 =	sadd.s32 $0x3000, s0;
	s0 =	sadd.s32 $0xD2800, s0;
	s8 =	smax.u32 s10, $0x1  }
0x11: {  	s10 =	simm.s32 $0x80;
	s24 =	sadd.s32 s13, s0;
	s0 =	simm.s32 $0x5  }
.LBB2_1:
0x12: {  	[tilespmem:s3], [sflag:$0xB] =	stream.linear.gather [hbm4b:s5+s3], $0x5000, $0x38;
	[tilespmem:$0x1DE00] =	vst v63  }
0x13: {  	_ =	swait.ge [sflag:s9], $0x5000  }
0x14: {  	[sflag:s9] =	ssyncset.done $0x0  }
0x15: {  	[sflag:s9] =	ssyncadd.s32 $0xFFFFB000  }
0x16: {  	[tilespmem:s11], [sflag:$0x1] =	stream.indirect.gather [hbm4b:s6+s10], $0x40, s3, s10, $0xb8;
	[tilespmem:$0x1DE00] =	vst v63  }
0x17: {  	_ = 	snop  }
0x18: {  	[tilespmem:s12], [sflag:$0x2] =	stream.indirect.gather [hbm4b:s6+s10], $0x40, s10, s10, $0xb8;
	[tilespmem:$0x1DE00] =	vst v63  }
0x19: {  	s13 =	simm.s32 $0x100  }
0x1a: {  	[tilespmem:s14], [sflag:$0x3] =	stream.indirect.gather [hbm4b:s6+s10], $0x40, s13, s10, $0xb8;
	[tilespmem:$0x1DE00] =	vst v63  }
0x1b: {  	s19 =	simm.s32 $0x180  }
0x1c: {  	[tilespmem:s16], [sflag:$0x4] =	stream.indirect.gather [hbm4b:s6+s10], $0x40, s19, s10, $0xb8;
	[tilespmem:$0x1DE00] =	vst v63  }
0x1d: {  	s17 =	simm.s32 $0x200  }
0x1e: {  	[tilespmem:s18], [sflag:$0x5] =	stream.indirect.gather [hbm4b:s6+s10], $0x40, s17, s10, $0xb8;
	[tilespmem:$0x1DE00] =	vst v63  }
0x1f: {  	s19 =	simm.s32 $0x5000  }
0x20: {  	[tilespmem:s19], [sflag:$0xB] =	stream.linear.gather [hbm4b:s7+s3], $0x5000, $0x38;
	[tilespmem:$0x1DE00] =	vst v63  }
0x21: {  	_ =	swait.ge [sflag:s9], $0x5000  }
0x22: {  	[sflag:s9] =	ssyncset.done $0x0  }
0x23: {  	[sflag:s9] =	ssyncadd.s32 $0xFFFFB000  }
0x24: {  	[spmem:s21], [sflag:s20] =	dma.local [hbm:s4], $0x13C0  }
0x25: {  	_ =	swait.ge [sflag:s9], $0x13C0  }
0x26: {  	[sflag:s9] =	ssyncset.done $0x0  }
0x27: {  	[sflag:s9] =	ssyncadd.s32 $0xFFFFEC40  }
0x28: {  	[bflag:$0x0] =	sbarrier.arrive $0xFFFF  }
0x29: {  	_ =	swait.ge [sflag:s22], $0x2000  }
0x2a: {  	[sflag:s22] =	ssyncset.done $0x0  }
0x2b: {  	s17 =	simm.s32 $0x5000;
	[sflag:s22] =	ssyncadd.s32 $0xFFFFE000  }
0x2c: {  	[spmem:s2] =	stream.indirect.scatter.add.f32 [tilespmem:s11], [sflag:$0x6], $0x40, s17, s10, $0xb8;
	[tilespmem:$0x1DE00] =	vst v63  }
0x2d: {  	_ =	swait.ge [sflag:s23], $0x2000  }
0x2e: {  	[sflag:s23] =	ssyncset.done $0x0  }
0x2f: {  	s13 =	simm.s32 $0x280;
	[sflag:s23] =	ssyncadd.s32 $0xFFFFE000  }
0x30: {  	[tilespmem:s11], [sflag:$0x1] =	stream.indirect.gather [hbm4b:s6+s10], $0x40, s13, s10, $0xb8;
	[tilespmem:$0x1DE00] =	vst v63  }
0x31: {  	_ =	swait.ge [sflag:s25], $0x2000  }
0x32: {  	[sflag:s25] =	ssyncset.done $0x0  }
0x33: {  	s19 =	simm.s32 $0x5080;
	[sflag:s25] =	ssyncadd.s32 $0xFFFFE000  }
0x34: {  	[spmem:s2] =	stream.indirect.scatter.add.f32 [tilespmem:s12], [sflag:$0x7], $0x40, s19, s10, $0xb8;
	[tilespmem:$0x1DE00] =	vst v63  }
0x35: {  	_ =	swait.ge [sflag:s26], $0x2000  }
0x36: {  	[sflag:s26] =	ssyncset.done $0x0  }
0x37: {  	s13 =	simm.s32 $0x300;
	[sflag:s26] =	ssyncadd.s32 $0xFFFFE000  }
0x38: {  	[tilespmem:s12], [sflag:$0x2] =	stream.indirect.gather [hbm4b:s6+s10], $0x40, s13, s10, $0xb8;
	[tilespmem:$0x1DE00] =	vst v63  }
0x39: {  	_ =	swait.ge [sflag:s28], $0x2000  }
0x3a: {  	[sflag:s28] =	ssyncset.done $0x0  }
0x3b: {  	s19 =	simm.s32 $0x5100;
	[sflag:s28] =	ssyncadd.s32 $0xFFFFE000  }
0x3c: {  	[spmem:s2] =	stream.indirect.scatter.add.f32 [tilespmem:s14], [sflag:$0x8], $0x40, s19, s10, $0xb8;
	[tilespmem:$0x1DE00] =	vst v63  }
0x3d: {  	_ =	swait.ge [sflag:s29], $0x2000  }
0x3e: {  	[sflag:s29] =	ssyncset.done $0x0  }
0x3f: {  	s13 =	simm.s32 $0x380;
	[sflag:s29] =	ssyncadd.s32 $0xFFFFE000  }
0x40: {  	[tilespmem:s14], [sflag:$0x3] =	stream.indirect.gather [hbm4b:s6+s10], $0x40, s13, s10, $0xb8;
	[tilespmem:$0x1DE00] =	vst v63  }
0x41: {  	_ =	swait.ge [sflag:s30], $0x2000  }
0x42: {  	[sflag:s30] =	ssyncset.done $0x0  }
0x43: {  	s19 =	simm.s32 $0x5180;
	[sflag:s30] =	ssyncadd.s32 $0xFFFFE000  }
0x44: {  	[spmem:s2] =	stream.indirect.scatter.add.f32 [tilespmem:s16], [sflag:$0x9], $0x40, s19, s10, $0xb8;
	[tilespmem:$0x1DE00] =	vst v63  }
0x45: {  	_ =	swait.ge [sflag:s31], $0x2000  }
0x46: {  	[sflag:s31] =	ssyncset.done $0x0  }
0x47: {  	s13 =	simm.s32 $0x400;
	[sflag:s31] =	ssyncadd.s32 $0xFFFFE000  }
0x48: {  	[tilespmem:s16], [sflag:$0x4] =	stream.indirect.gather [hbm4b:s6+s10], $0x40, s13, s10, $0xb8;
	[tilespmem:$0x1DE00] =	vst v63  }
0x49: {  	_ =	swait.ge [sflag:s0], $0x2000  }
0x4a: {  	[sflag:s0] =	ssyncset.done $0x0  }
0x4b: {  	s19 =	simm.s32 $0x5200;
	[sflag:s0] =	ssyncadd.s32 $0xFFFFE000  }
0x4c: {  	[spmem:s2] =	stream.indirect.scatter.add.f32 [tilespmem:s18], [sflag:$0xA], $0x40, s19, s10, $0xb8;
	[tilespmem:$0x1DE00] =	vst v63  }
0x4d: {  	_ =	swait.ge [sflag:s1], $0x2000  }
0x4e: {  	[sflag:s1] =	ssyncset.done $0x0  }
0x4f: {  	s17 =	simm.s32 $0xA00;
	s19 =	simm.s32 $0x480;
	[sflag:s1] =	ssyncadd.s32 $0xFFFFE000  }
.LBB2_2:
0x50: {  	[tilespmem:s18], [sflag:$0x5] =	stream.indirect.gather [hbm4b:s6+s10], $0x40, s19, s10, $0xb8;
	[tilespmem:$0x1DE00] =	vst v63  }
0x51: {  	s19 =	smov.u32 s17  }
0x52: {  	p0 =	sne.s32 s17, $0x12C00;
	s17 =	sadd.s32 $0xA00, s17;
	_ =	swait.ge [sflag:s22], $0x2000  }
0x53: {  	s19 =	sshra.s32 s19, $0x2;
	[sflag:s22] =	ssyncset.done $0x0  }
0x54: {  	s13 =	sadd.s32 $0x5000, s19;
	[sflag:s22] =	ssyncadd.s32 $0xFFFFE000  }
0x55: {  	[spmem:s2] =	stream.indirect.scatter.add.f32 [tilespmem:s11], [sflag:$0x6], $0x40, s13, s10, $0xb8;
	[tilespmem:$0x1DE00] =	vst v63  }
0x56: {  	_ =	swait.ge [sflag:s23], $0x2000  }
0x57: {  	[sflag:s23] =	ssyncset.done $0x0  }
0x58: {  	s13 =	sadd.s32 $0x280, s19;
	[sflag:s23] =	ssyncadd.s32 $0xFFFFE000  }
0x59: {  	[tilespmem:s11], [sflag:$0x1] =	stream.indirect.gather [hbm4b:s6+s10], $0x40, s13, s10, $0xb8;
	[tilespmem:$0x1DE00] =	vst v63  }
0x5a: {  	_ =	swait.ge [sflag:s25], $0x2000  }
0x5b: {  	[sflag:s25] =	ssyncset.done $0x0  }
0x5c: {  	s13 =	sadd.s32 $0x5080, s19;
	[sflag:s25] =	ssyncadd.s32 $0xFFFFE000  }
0x5d: {  	[spmem:s2] =	stream.indirect.scatter.add.f32 [tilespmem:s12], [sflag:$0x7], $0x40, s13, s10, $0xb8;
	[tilespmem:$0x1DE00] =	vst v63  }
0x5e: {  	_ =	swait.ge [sflag:s26], $0x2000  }
0x5f: {  	[sflag:s26] =	ssyncset.done $0x0  }
0x60: {  	s13 =	sadd.s32 $0x300, s19;
	[sflag:s26] =	ssyncadd.s32 $0xFFFFE000  }
0x61: {  	[tilespmem:s12], [sflag:$0x2] =	stream.indirect.gather [hbm4b:s6+s10], $0x40, s13, s10, $0xb8;
	[tilespmem:$0x1DE00] =	vst v63  }
0x62: {  	_ =	swait.ge [sflag:s28], $0x2000  }
0x63: {  	[sflag:s28] =	ssyncset.done $0x0  }
0x64: {  	s13 =	sadd.s32 $0x5100, s19;
	[sflag:s28] =	ssyncadd.s32 $0xFFFFE000  }
0x65: {  	[spmem:s2] =	stream.indirect.scatter.add.f32 [tilespmem:s14], [sflag:$0x8], $0x40, s13, s10, $0xb8;
	[tilespmem:$0x1DE00] =	vst v63  }
0x66: {  	_ =	swait.ge [sflag:s29], $0x2000  }
0x67: {  	[sflag:s29] =	ssyncset.done $0x0  }
0x68: {  	s13 =	sadd.s32 $0x380, s19;
	[sflag:s29] =	ssyncadd.s32 $0xFFFFE000  }
0x69: {  	[tilespmem:s14], [sflag:$0x3] =	stream.indirect.gather [hbm4b:s6+s10], $0x40, s13, s10, $0xb8;
	[tilespmem:$0x1DE00] =	vst v63  }
0x6a: {  	_ =	swait.ge [sflag:s30], $0x2000  }
0x6b: {  	[sflag:s30] =	ssyncset.done $0x0  }
0x6c: {  	s13 =	sadd.s32 $0x5180, s19;
	[sflag:s30] =	ssyncadd.s32 $0xFFFFE000  }
0x6d: {  	[spmem:s2] =	stream.indirect.scatter.add.f32 [tilespmem:s16], [sflag:$0x9], $0x40, s13, s10, $0xb8;
	[tilespmem:$0x1DE00] =	vst v63  }
0x6e: {  	_ =	swait.ge [sflag:s31], $0x2000  }
0x6f: {  	[sflag:s31] =	ssyncset.done $0x0  }
0x70: {  	s13 =	sadd.s32 $0x400, s19;
	[sflag:s31] =	ssyncadd.s32 $0xFFFFE000  }
0x71: {  	[tilespmem:s16], [sflag:$0x4] =	stream.indirect.gather [hbm4b:s6+s10], $0x40, s13, s10, $0xb8;
	[tilespmem:$0x1DE00] =	vst v63  }
0x72: {  	_ =	swait.ge [sflag:s0], $0x2000  }
0x73: {  	[sflag:s0] =	ssyncset.done $0x0  }
.Ltmp0:
0x74: {  	s13 =	sadd.s32 $0x5200, s19;
	[sflag:s0] =	ssyncadd.s32 $0xFFFFE000;
	(pc) =	sbr.rel @p0 .LBB2_2-.Ltmp0, $4  }
0x75: {  	[spmem:s2] =	stream.indirect.scatter.add.f32 [tilespmem:s18], [sflag:$0xA], $0x40, s13, s10, $0xb8;
	[tilespmem:$0x1DE00] =	vst v63  }
0x76: {  	_ =	swait.ge [sflag:s1], $0x2000  }
0x77: {  	[sflag:s1] =	ssyncset.done $0x0  }
0x78: {  	s19 =	sadd.s32 $0x480, s19;
	[sflag:s1] =	ssyncadd.s32 $0xFFFFE000  }
0x79: {  	[tilespmem:s18], [sflag:$0x5] =	stream.indirect.gather [hbm4b:s6+s10], $0x40, s19, s10, $0xb8;
	[tilespmem:$0x1DE00] =	vst v63  }
0x7a: {  	_ =	swait.ge [sflag:s22], $0x2000  }
0x7b: {  	[sflag:s22] =	ssyncset.done $0x0  }
0x7c: {  	s13 =	simm.s32 $0x9D80;
	[sflag:s22] =	ssyncadd.s32 $0xFFFFE000  }
0x7d: {  	[spmem:s2] =	stream.indirect.scatter.add.f32 [tilespmem:s11], [sflag:$0x6], $0x40, s13, s10, $0xb8;
	[tilespmem:$0x1DE00] =	vst v63  }
0x7e: {  	_ =	swait.ge [sflag:s23], $0x2000  }
0x7f: {  	[sflag:s23] =	ssyncset.done $0x0  }
0x80: {  	[sflag:s23] =	ssyncadd.s32 $0xFFFFE000  }
0x81: {  	_ =	swait.ge [sflag:s25], $0x2000  }
0x82: {  	[sflag:s25] =	ssyncset.done $0x0  }
0x83: {  	s17 =	simm.s32 $0x9E00;
	[sflag:s25] =	ssyncadd.s32 $0xFFFFE000  }
0x84: {  	[spmem:s2] =	stream.indirect.scatter.add.f32 [tilespmem:s12], [sflag:$0x7], $0x40, s17, s10, $0xb8;
	[tilespmem:$0x1DE00] =	vst v63  }
0x85: {  	_ =	swait.ge [sflag:s26], $0x2000  }
0x86: {  	[sflag:s26] =	ssyncset.done $0x0  }
0x87: {  	[sflag:s26] =	ssyncadd.s32 $0xFFFFE000  }
0x88: {  	_ =	swait.ge [sflag:s28], $0x2000  }
0x89: {  	[sflag:s28] =	ssyncset.done $0x0  }
0x8a: {  	s19 =	simm.s32 $0x9E80;
	[sflag:s28] =	ssyncadd.s32 $0xFFFFE000  }
0x8b: {  	[spmem:s2] =	stream.indirect.scatter.add.f32 [tilespmem:s14], [sflag:$0x8], $0x40, s19, s10, $0xb8;
	[tilespmem:$0x1DE00] =	vst v63  }
0x8c: {  	_ =	swait.ge [sflag:s29], $0x2000  }
0x8d: {  	[sflag:s29] =	ssyncset.done $0x0  }
0x8e: {  	[sflag:s29] =	ssyncadd.s32 $0xFFFFE000  }
0x8f: {  	_ =	swait.ge [sflag:s30], $0x2000  }
0x90: {  	[sflag:s30] =	ssyncset.done $0x0  }
0x91: {  	s17 =	simm.s32 $0x9F00;
	[sflag:s30] =	ssyncadd.s32 $0xFFFFE000  }
0x92: {  	[spmem:s2] =	stream.indirect.scatter.add.f32 [tilespmem:s16], [sflag:$0x9], $0x40, s17, s10, $0xb8;
	[tilespmem:$0x1DE00] =	vst v63  }
0x93: {  	_ =	swait.ge [sflag:s31], $0x2000  }
0x94: {  	[sflag:s31] =	ssyncset.done $0x0  }
0x95: {  	[sflag:s31] =	ssyncadd.s32 $0xFFFFE000  }
0x96: {  	_ =	swait.ge [sflag:s0], $0x2000  }
0x97: {  	[sflag:s0] =	ssyncset.done $0x0  }
0x98: {  	s19 =	simm.s32 $0x9F80;
	[sflag:s0] =	ssyncadd.s32 $0xFFFFE000  }
0x99: {  	[spmem:s2] =	stream.indirect.scatter.add.f32 [tilespmem:s18], [sflag:$0xA], $0x40, s19, s10, $0xb8;
	[tilespmem:$0x1DE00] =	vst v63  }
0x9a: {  	_ =	swait.ge [sflag:s1], $0x2000  }
0x9b: {  	s15 =	sadd.s32 $0x1, s15;
	[sflag:s1] =	ssyncset.done $0x0  }
0x9c: {  	p0 =	sne.s32 s15, s8;
	[sflag:s1] =	ssyncadd.s32 $0xFFFFE000  }
.Ltmp1:
0x9d: {  	[bflag:$0x0] =	sbarrier.arrive $0xFFFF;
	(pc) =	sbr.rel @p0 .LBB2_1-.Ltmp1, $4  }
0x9e: {  	[hbm:s24], [sflag:s20] =	dma.local [spmem:s21], $0x13C0  }
0x9f: {  	_ =	swait.ge [sflag:s9], $0x13C0  }
0xa0: {  	[sflag:s9] =	ssyncset.done $0x0  }
0xa1: {  	[sflag:s9] =	ssyncadd.s32 $0xFFFFEC40  }
0xa2: {  	_ =	sfence.sel $0x180000  }
0xa3: {  	[bflag:$0x0] =	sbarrier.arrive $0xFFFF  }
0xa4: {  	_ =	strace $0x9000004D  }
0xa5: {  	s0 =	stileid.u32;
	[bflag:$0x2] =	sbarrier.arrive $0xFFFF  }
0xa6: {  	p0 =	sne.s32 s0, $0x0;
	s0 =	rddreg [dreg:$0x3]  }
0xa7: {  	s0 =	sadd.s32 @!p0 $0x100000, s0  }
0xa8: {  	[sflag:s0] =	ssyncadd.tile.s32 @!p0 $0x1;
	_ =	shalt  }
.Lfunc_end2:
_tile_overlayer_lowered:
.L_overlay_start_2:
0xa9: {  	(tag) =	ssettag $0x2  }
0xaa: {  	s0 =	rddreg [dreg:$0x0];
	s2 =	stileid.u32  }
0xab: {  	s1 =	rddreg [dreg:$0x1];
	p0 =	sne.s32 s2, $0x0  }
0xac: {  	s3 =	rddreg [dreg:$0x2];
	[bflag:$0x3] =	sbarrier.arrive $0xFFFF;
	s2 =	simm.s32 @!p0 $0x1C0B  }
0xad: {  	[timem:s3], [sflag:s2] =	dma.local @!p0 [hbm:s0], s1  }
0xae: {  	s0 =	simm.s32 @!p0 $0xB  }
0xaf: {  	_ =	swait.ge @!p0 [sflag:s0], s1  }
0xb0: {  	s1 =	ssub.s32 @!p0 $0x0, s1;
	[sflag:s0] =	ssyncset.done @!p0 $0x0  }
0xb1: {  	[sflag:s0] =	ssyncadd.s32 @!p0 s1  }
0xb2: {  	[bflag:$0x3] =	sbarrier.arrive $0xFFFF  }
0xb3: {  	_ =	shalt  }

// kernel: kernel.8.cloned.1.call-start
scs
__scs_entry_jumppad:
0x0: {  	(pc) =	sbr.rel $0x88, $3  }
0x1: {  	(tag) =	ssettag $0x0;
	lr =	simm.s32 $0x1  }
0x2: {  	[smem:$0x3F9B] =	sst lr;
	_ =	strace $0xD0000000  }
0x3: {  	_ = 	snop  }
0x4: {  	_ = 	snop  }
0x5: {  	_ = 	snop  }
0x6: {  	_ = 	snop  }
0x7: {  	_ = 	snop  }
__scs_overlays_trampoline_lowered:
0x8: {  	[smem:$0x3FAA] =	sst s0  }
0x9: {  	[smem:$0x3FAB] =	sst s1  }
0xa: {  	[smem:$0x3FAC] =	sst s2  }
0xb: {  	[smem:$0x3FAD] =	sst s3  }
0xc: {  	[smem:$0x3FAE] =	sst s4  }
0xd: {  	[smem:$0x3FAF] =	sst s5  }
0xe: {  	[smem:$0x3FB0] =	sst s6  }
0xf: {  	[smem:$0x3FB1] =	sst s7  }
0x10: {  	[smem:$0x3FB2] =	sst s8  }
0x11: {  	[smem:$0x3FB3] =	sst s9;
	s0 =	simm.s32 @!p0 $0x0  }
0x12: {  	s1 =	sld [smem:$0x3F99];
	s0 =	simm.s32 @p0 $0x1  }
0x13: {  	[smem:$0x3FB4] =	sst s0;
	s0 =	simm.s32 @!p1 $0x0  }
0x14: {  	s2 =	sld [smem:$0x3F98];
	s0 =	simm.s32 @p1 $0x1  }
0x15: {  	[smem:$0x3FB5] =	sst s0;
	s0 =	simm.s32 @!p2 $0x0  }
0x16: {  	s3 =	sld [smem:$0x3FDB];
	s0 =	simm.s32 @p2 $0x1  }
0x17: {  	s4 =	simm.s32 $0x1BF5;
	[smem:$0x3FB7] =	sst s0  }
0x18: {  	s0 =	sld [smem:$0x3F9A];
	_ =	swait.ge [sflag:s4], $0x0  }
0x19: {  	s7 =	sld [smem:$0x3F9B]  }
0x1a: {  	s8 =	sadd.s32 $0xFFFFE003, lr  }
0x1b: {  	s9 =	sadd.s32 $0xFFFFFEF7, lr;
	s5 =	simm.s32 $0xFFFFFFFF;
	p2 =	slt.u32 s8, $0xFFFFF086  }
0x1c: {  	p1 =	slt.u32 s9, $0xF7A;
	s5 =	simm.s32 @!p2 $0x0  }
0x1d: {  	s5 =	simm.s32 @p1 $0x1;
	p0 =	seq.s32 s7, s2  }
0x1e: {  	s7 =	smul.u32 @!p0 $0xF7A, s2;
	p2 =	seq.s32 @!p0 s5, $0x0  }
0x1f: {  	s9 =	smul.u32 $0xF7A, s1;
	s8 =	simm.s32 @!p0 $0x1BF5;
	p2 =	por !p2, p0  }
0x20: {  	[sflag:s8] =	ssyncset.s32 @!p0 $0xFFFFF086;
	s6 =	sadd.s32 @!p0 s3, s7;
	s7 =	simm.s32 @!p0 $0x108  }
0x21: {  	s3 =	sadd.s32 s3, s9;
	s6 =	sadd.s32 @!p0 $0x88, s6;
	s7 =	simm.s32 @p2 $0x1082  }
0x22: {  	[simem:s7], [sflag:s8] =	dma.local @!p0 [hbm:s6], $0xF7A  }
0x23: {  	s9 =	sor.u32 $0xD0000000, s2;
	s6 =	simm.s32 $0x108;
	_ =	swait.ge @!p0 [sflag:s8], $0x0  }
0x24: {  	s3 =	sadd.s32 $0x88, s3;
	s6 =	simm.s32 @!p1 $0x1082;
	[sflag:s4] =	ssyncset.s32 $0xFFFFF086  }
0x25: {  	[simem:s6], [sflag:s4] =	dma.local [hbm:s3], $0xF7A  }
0x26: {  	[smem:$0x3F9B] =	sst s1;
	(tag) =	ssettag s2;
	_ =	strace s9  }
0x27: {  	s1 =	sld [smem:$0x3FAB]  }
0x28: {  	s2 =	sld [smem:$0x3FAC]  }
0x29: {  	s4 =	sld [smem:$0x3FAE]  }
0x2a: {  	p0 =	seq.s32 s5, $0x0;
	s5 =	sld [smem:$0x3FAF]  }
0x2b: {  	s6 =	sld [smem:$0x3FB0]  }
0x2c: {  	s7 =	sld [smem:$0x3FB1]  }
0x2d: {  	s3 =	simm.s32 $0x108;
	s8 =	sld [smem:$0x3FB2]  }
0x2e: {  	s3 =	simm.s32 @!p0 $0x1082;
	s9 =	sld [smem:$0x3FB3]  }
0x2f: {  	lr =	sadd.s32 s0, s3;
	s0 =	sld [smem:$0x3FAA]  }
0x30: {  	s3 =	sld [smem:$0x3FAD]  }
0x31: {  	[smem:$0x3FB6] =	sst s10  }
0x32: {  	s10 =	sld [smem:$0x3FB4];
	_ =	sdelay $0x3  }
0x33: {  	p0 =	seq.s32 s10, $0x1;
	s10 =	sld [smem:$0x3FB6];
	_ =	sdelay $0x3  }
0x34: {  	[smem:$0x3FB6] =	sst s10  }
0x35: {  	s10 =	sld [smem:$0x3FB5];
	_ =	sdelay $0x3  }
0x36: {  	p1 =	seq.s32 s10, $0x1;
	s10 =	sld [smem:$0x3FB6];
	_ =	sdelay $0x3  }
0x37: {  	[smem:$0x3FB6] =	sst s10  }
0x38: {  	s10 =	sld [smem:$0x3FB7]  }
0x39: {  	_ = 	snop;
	(pc) =	sbr.ind lr, $3  }
0x3a: {  	_ = 	snop  }
0x3b: {  	_ = 	snop  }
0x3c: {  	p2 =	seq.s32 s10, $0x1;
	s10 =	sld [smem:$0x3FB6]  }
0x3d: {  	_ =	shalt  }
0x3e: {  	_ =	shalt  }
0x3f: {  	_ =	shalt  }
0x40: {  	_ =	shalt  }
0x41: {  	_ =	shalt  }
0x42: {  	_ =	shalt  }
0x43: {  	_ =	shalt  }
0x44: {  	_ =	shalt  }
0x45: {  	_ =	shalt  }
0x46: {  	_ =	shalt  }
0x47: {  	_ =	shalt  }
0x48: {  	_ =	shalt  }
0x49: {  	_ =	shalt  }
0x4a: {  	_ =	shalt  }
0x4b: {  	_ =	shalt  }
0x4c: {  	_ =	shalt  }
0x4d: {  	_ =	shalt  }
0x4e: {  	_ =	shalt  }
0x4f: {  	_ =	shalt  }
0x50: {  	_ =	shalt  }
0x51: {  	_ =	shalt  }
0x52: {  	_ =	shalt  }
0x53: {  	_ =	shalt  }
0x54: {  	_ =	shalt  }
0x55: {  	_ =	shalt  }
0x56: {  	_ =	shalt  }
0x57: {  	_ =	shalt  }
0x58: {  	_ =	shalt  }
0x59: {  	_ =	shalt  }
0x5a: {  	_ =	shalt  }
0x5b: {  	_ =	shalt  }
0x5c: {  	_ =	shalt  }
0x5d: {  	_ =	shalt  }
0x5e: {  	_ =	shalt  }
0x5f: {  	_ =	shalt  }
0x60: {  	_ =	shalt  }
0x61: {  	_ =	shalt  }
0x62: {  	_ =	shalt  }
0x63: {  	_ =	shalt  }
0x64: {  	_ =	shalt  }
0x65: {  	_ =	shalt  }
0x66: {  	_ =	shalt  }
0x67: {  	_ =	shalt  }
0x68: {  	_ =	shalt  }
0x69: {  	_ =	shalt  }
0x6a: {  	_ =	shalt  }
0x6b: {  	_ =	shalt  }
0x6c: {  	_ =	shalt  }
0x6d: {  	_ =	shalt  }
0x6e: {  	_ =	shalt  }
0x6f: {  	_ =	shalt  }
0x70: {  	_ =	shalt  }
0x71: {  	_ =	shalt  }
0x72: {  	_ =	shalt  }
0x73: {  	_ =	shalt  }
0x74: {  	_ =	shalt  }
0x75: {  	_ =	shalt  }
0x76: {  	_ =	shalt  }
0x77: {  	_ =	shalt  }
0x78: {  	_ =	shalt  }
0x79: {  	_ =	shalt  }
0x7a: {  	_ =	shalt  }
0x7b: {  	_ =	shalt  }
0x7c: {  	_ =	shalt  }
0x7d: {  	_ =	shalt  }
0x7e: {  	_ =	shalt  }
0x7f: {  	_ =	shalt  }
0x80: {  	_ =	shalt  }
0x81: {  	_ =	shalt  }
0x82: {  	_ =	shalt  }
0x83: {  	_ =	shalt  }
0x84: {  	_ =	shalt  }
0x85: {  	_ =	shalt  }
0x86: {  	_ =	shalt  }
0x87: {  	_ =	shalt  }
.Lfunc_end0:
.L_simem_size_0:
called_computation_lowered:
.L_overlay_start_0:
0x88: {  	s2 =	sld [smem:$0x3FD9]  }
0x89: {  	s3 =	sld [smem:$0x3FFE];
	_ =	sdelay $0x1  }
0x8a: {  	s1 =	srdreg.scid  }
0x8b: {  	s0 =	sand.u32 $0x1, s1  }
0x8c: {  	s17 =	sshll.u32 s0, $0xA;
	s2 =	sadd.s32 s3, s2  }
0x8d: {  	s2 =	sadd.s32 s2, s17  }
0x8e: {  	[smem:$0x3FC2] =	sst s2  }
0x8f: {  	_ = 	snop  }
0x90: {  	s2 =	sld [smem:$0x3FD0];
	(tm) =	ssettm $0x1  }
0x91: {  	s18 =	sld [smem:$0x3FFB];
	_ =	sdelay $0x3  }
0x92: {  	_ =	strace s18  }
0x93: {  	s3 =	sld [smem:$0x3FFC];
	_ =	sdelay $0x3  }
0x94: {  	_ =	strace s3  }
0x95: {  	s3 =	sld [smem:$0x3FFD];
	_ =	sdelay $0x3  }
0x96: {  	_ =	strace s3  }
0x97: {  	_ =	strace $0x8FFFFFFF  }
0x98: {  	s19 =	sld [smem:$0x3FDB];
	_ =	sdelay $0x1  }
0x99: {  	s4 =	simm.s32 $_scs_section_size  }
0x9a: {  	s5 =	simm.s32 $_size__tile_overlayer_lowered;
	s6 =	simm.s32 $_tile_overlayer_lowered  }
0x9b: {  	s22 =	simm.s32 $0x1BFF;
	s21 =	sshll.u32 s6, $0x1;
	s3 =	sadd.s32 s4, s19  }
0x9c: {  	s7 =	simm.s32 $0x0;
	s20 =	sshll.u32 s5, $0x1;
	s5 =	sadd.s32 s21, s3  }
0x9d: {  	[timem:s7], [sflag:s22] =	dma.local [hbm:s5], s20  }
0x9e: {  	_ =	swait.ge [sflag:s22], s20  }
0x9f: {  	s4 =	ssub.s32 $0x0, s20;
	[sflag:s22] =	ssyncset.done $0x0  }
0xa0: {  	[sflag:s22] =	ssyncadd.s32 s4;
	_ =	sdelay $0x1  }
0xa1: {  	s23 =	simm.s32 $0x1B8B  }
0xa2: {  	_ =	swait.ge [sflag:s23], $0x1  }
0xa3: {  	[sflag:s23] =	ssyncset.done $0x0  }
0xa4: {  	s25 =	simm.s32 $0x1B8E;
	s24 =	sld [smem:$0x3FFE];
	[sflag:s23] =	ssyncadd.s32 $0xFFFFFFFF  }
0xa5: {  	s26 =	simm.s32 $execute0_lowered;
	[smem:$0x3FD2] =	sst s25  }
0xa6: {  	s5 =	sshll.u32 s26, $0x1;
	_ =	strace $0x80000046;
	[dreg:$0x1] =	wrdreg $0xFFFFFFFF  }
0xa7: {  	s28 =	simm.s32 $_size_execute0_lowered;
	s3 =	sadd.s32 s3, s5;
	[dreg:$0x0] =	wrdreg $0x0  }
0xa8: {  	s5 =	sshll.u32 s28, $0x1;
	[dreg:$0x2] =	wrdreg s3  }
0xa9: {  	[dreg:$0x3] =	wrdreg s5  }
0xaa: {  	[dreg:$0x4] =	wrdreg $0xC0  }
0xab: {  	_ =	task [dreg:s7], $0x5FFFF  }
0xac: {  	[dreg:$0x1] =	wrdreg $0xFFFFFFFF  }
0xad: {  	[dreg:$0x0] =	wrdreg $0x60  }
0xae: {  	[dreg:$0x2] =	wrdreg s2  }
0xaf: {  	[dreg:$0x3] =	wrdreg s24  }
0xb0: {  	[dreg:$0x4] =	wrdreg $0x48000  }
0xb1: {  	[dreg:$0x5] =	wrdreg $0x9  }
0xb2: {  	_ =	task.clear_ibuf [dreg:s7], $0x6FFFF;
	_ =	strace $0x90000046  }
0xb3: {  	s29 =	simm.s32 $0x9;
	_ =	strace $0x80000048  }
0xb4: {  	_ =	swait.ge [sflag:s29], $0x1  }
0xb5: {  	[sflag:s29] =	ssyncadd.s32 $0xFFFFFFFF  }
0xb6: {  	_ =	strace $0x90000048  }
0xb7: {  	_ =	sfence  }
0xb8: {  	s30 =	sld [smem:$0x0];
	_ =	sdelay $0x2  }
0xb9: {  	s31 =	sshll.u32 s1, $0xD;
	s1 =	sshrl.u32 s1, $0x2  }
0xba: {  	s3 =	sand.u32 $0x4000, s31;
	s1 =	sadd.s32 s1, s30  }
0xbb: {  	s0 =	sor.u32 s3, s0;
	s1 =	sshll.u32 s1, $0x11  }
0xbc: {  	s0 =	sor.u32 s1, s0  }
0xbd: {  	s0 =	sadd.s32 $0x8F2B, s0  }
0xbe: {  	[sflag:s0] =	ssyncadd.remote.s32 $0x1  }
0xbf: {  	_ =	sfence.sel $0xFFFF  }
0xc0: {  	[dreg:$0x0] =	wrdreg $0xFFFFFFFF;
	(pc) =	sbr.abs _section_cstart, $3  }
0xc1: {  	[dreg:$0x1] =	wrdreg $0xFFFFFFFF  }
0xc2: {  	_ =	task.clear_ibuf [dreg:s7], $0x2FFFF;
	_ =	strace $0x9FFFFFFF  }
0xc3: {  	(tm) =	ssettm $0x7FFFFFFF  }
tec
execute0_lowered:
.L_overlay_start_1:
0x0: {  	(tag) =	ssettag $0x1  }
0x1: {  	s6 =	rddreg [dreg:$0x0]  }
0x2: {  	s7 =	rddreg [dreg:$0x1]  }
0x3: {  	s1 =	rddreg [dreg:$0x2]  }
0x4: {  	s2 =	srdreg.scid;
	s0 =	rddreg [dreg:$0x3]  }
0x5: {  	s3 =	simm.s32 $0x0;
	s8 =	sand.u32 $0x1, s2;
	s2 =	stileid.u32  }
0x6: {  	s13 =	simm.s32 $0x1;
	[smem:$0x7FF] =	sst s3;
	s9 =	smul.u32 $0x13C00, s8  }
0x7: {  	s4 =	sadd.s32 $0x1800, s7;
	s5 =	sadd.s32 $0x1C00, s7;
	s10 =	smul.u32 $0xA00, s2  }
0x8: {  	_ =	strace $0x80000047;
	s11 =	smul.u32 $0x500, s8;
	s8 =	ssub.s32 $0x2, s8  }
0x9: {  	s12 =	smul.u32 $0x9E00, s2;
	s31 =	sshll.u32 s2, $0x6;
	s29 =	sshrl.u32 s8, $0x1  }
0xa: {  	s7 =	sadd.s32 s9, s7;
	s6 =	sadd.s32 s6, s10;
	s8 =	ssub.s32 s8, s29  }
0xb: {  	s30 =	sadd.s32 s12, s1;
	s15 =	sshrl.u32 s12, $0x3;
	s9 =	simm.s32 $0x2800  }
0xc: {  	s10 =	sor.u32 $0x1C02, s31;
	s12 =	simm.s32 $0x80;
	s6 =	sadd.s32 s11, s6  }
0xd: {  	s14 =	sadd.s32 $0x3000, s7;
	s7 =	smax.u32 s8, $0x1;
	s8 =	simm.s32 $0x2  }
0xe: {  	s11 =	sshrl.u32 s30, $0x3;
	s14 =	sadd.s32 s15, s14;
	s15 =	simm.s32 $0x0  }
.LBB2_1:
0xf: {  	[tilespmem:s3], [sflag:$0x2] =	stream.linear.gather [hbm4b:s6+s3], $0x2800, $0x38;
	[tilespmem:$0xE600] =	vst v63  }
0x10: {  	_ =	swait.ge [sflag:s8], $0x2800  }
0x11: {  	[sflag:s8] =	ssyncset.done $0x0  }
0x12: {  	[sflag:s8] =	ssyncadd.s32 $0xFFFFD800  }
0x13: {  	[tilespmem:s9], [sflag:$0x2] =	stream.linear.gather [hbm4b:s4+s3], $0x2000, $0x38;
	[tilespmem:$0xE600] =	vst v63  }
0x14: {  	_ =	swait.ge [sflag:s8], $0x2000  }
0x15: {  	[sflag:s8] =	ssyncset.done $0x0  }
0x16: {  	[sflag:s8] =	ssyncadd.s32 $0xFFFFE000  }
0x17: {  	[spmem:s11], [sflag:s10] =	dma.local [hbm:s5], $0x13C0  }
0x18: {  	_ =	swait.ge [sflag:s8], $0x13C0  }
0x19: {  	[sflag:s8] =	ssyncset.done $0x0  }
0x1a: {  	[sflag:s8] =	ssyncadd.s32 $0xFFFFEC40  }
0x1b: {  	s16 =	simm.s32 $0x0;
	[bflag:$0x0] =	sbarrier.arrive $0xFFFF  }
0x1c: {  	[spmem:s1] =	stream.indirect.scatter.add.f32 [tilespmem:s9], [sflag:$0x1], $0x40, s16, s12, $0xb8;
	[tilespmem:$0xE600] =	vst v63  }
0x1d: {  	s31 =	simm.s32 $0x80  }
0x1e: {  	[spmem:s1] =	stream.indirect.scatter.add.f32 [tilespmem:s9], [sflag:$0x1], $0x40, s31, s12, $0xb8;
	[tilespmem:$0xE600] =	vst v63  }
0x1f: {  	s17 =	simm.s32 $0x100  }
0x20: {  	[spmem:s1] =	stream.indirect.scatter.add.f32 [tilespmem:s9], [sflag:$0x1], $0x40, s17, s12, $0xb8;
	[tilespmem:$0xE600] =	vst v63  }
0x21: {  	s18 =	simm.s32 $0x180  }
0x22: {  	[spmem:s1] =	stream.indirect.scatter.add.f32 [tilespmem:s9], [sflag:$0x1], $0x40, s18, s12, $0xb8;
	[tilespmem:$0xE600] =	vst v63  }
0x23: {  	s19 =	simm.s32 $0x200  }
0x24: {  	[spmem:s1] =	stream.indirect.scatter.add.f32 [tilespmem:s9], [sflag:$0x1], $0x40, s19, s12, $0xb8;
	[tilespmem:$0xE600] =	vst v63  }
0x25: {  	s20 =	simm.s32 $0x280  }
0x26: {  	[spmem:s1] =	stream.indirect.scatter.add.f32 [tilespmem:s9], [sflag:$0x1], $0x40, s20, s12, $0xb8;
	[tilespmem:$0xE600] =	vst v63  }
0x27: {  	s21 =	simm.s32 $0x300  }
0x28: {  	[spmem:s1] =	stream.indirect.scatter.add.f32 [tilespmem:s9], [sflag:$0x1], $0x40, s21, s12, $0xb8;
	[tilespmem:$0xE600] =	vst v63  }
0x29: {  	s22 =	simm.s32 $0x380  }
0x2a: {  	[spmem:s1] =	stream.indirect.scatter.add.f32 [tilespmem:s9], [sflag:$0x1], $0x40, s22, s12, $0xb8;
	[tilespmem:$0xE600] =	vst v63  }
0x2b: {  	s23 =	simm.s32 $0x400  }
0x2c: {  	[spmem:s1] =	stream.indirect.scatter.add.f32 [tilespmem:s9], [sflag:$0x1], $0x40, s23, s12, $0xb8;
	[tilespmem:$0xE600] =	vst v63  }
0x2d: {  	s24 =	simm.s32 $0x480  }
0x2e: {  	[spmem:s1] =	stream.indirect.scatter.add.f32 [tilespmem:s9], [sflag:$0x1], $0x40, s24, s12, $0xb8;
	[tilespmem:$0xE600] =	vst v63  }
0x2f: {  	s25 =	simm.s32 $0x500  }
0x30: {  	[spmem:s1] =	stream.indirect.scatter.add.f32 [tilespmem:s9], [sflag:$0x1], $0x40, s25, s12, $0xb8;
	[tilespmem:$0xE600] =	vst v63  }
0x31: {  	s26 =	simm.s32 $0x580  }
0x32: {  	[spmem:s1] =	stream.indirect.scatter.add.f32 [tilespmem:s9], [sflag:$0x1], $0x40, s26, s12, $0xb8;
	[tilespmem:$0xE600] =	vst v63  }
0x33: {  	s28 =	simm.s32 $0x600  }
0x34: {  	[spmem:s1] =	stream.indirect.scatter.add.f32 [tilespmem:s9], [sflag:$0x1], $0x40, s28, s12, $0xb8;
	[tilespmem:$0xE600] =	vst v63  }
0x35: {  	s29 =	simm.s32 $0x680  }
0x36: {  	[spmem:s1] =	stream.indirect.scatter.add.f32 [tilespmem:s9], [sflag:$0x1], $0x40, s29, s12, $0xb8;
	[tilespmem:$0xE600] =	vst v63  }
0x37: {  	s30 =	simm.s32 $0x700  }
0x38: {  	[spmem:s1] =	stream.indirect.scatter.add.f32 [tilespmem:s9], [sflag:$0x1], $0x40, s30, s12, $0xb8;
	[tilespmem:$0xE600] =	vst v63  }
0x39: {  	s31 =	simm.s32 $0x780  }
0x3a: {  	[spmem:s1] =	stream.indirect.scatter.add.f32 [tilespmem:s9], [sflag:$0x1], $0x40, s31, s12, $0xb8;
	[tilespmem:$0xE600] =	vst v63  }
0x3b: {  	_ =	swait.ge [sflag:s13], $0x2000  }
0x3c: {  	[sflag:s13] =	ssyncset.done $0x0  }
0x3d: {  	[sflag:s13] =	ssyncadd.s32 $0xFFFFE000  }
0x3e: {  	_ =	swait.ge [sflag:s13], $0x2000  }
0x3f: {  	[sflag:s13] =	ssyncset.done $0x0  }
0x40: {  	[sflag:s13] =	ssyncadd.s32 $0xFFFFE000  }
0x41: {  	_ =	swait.ge [sflag:s13], $0x2000  }
0x42: {  	[sflag:s13] =	ssyncset.done $0x0  }
0x43: {  	[sflag:s13] =	ssyncadd.s32 $0xFFFFE000  }
0x44: {  	_ =	swait.ge [sflag:s13], $0x2000  }
0x45: {  	[sflag:s13] =	ssyncset.done $0x0  }
0x46: {  	[sflag:s13] =	ssyncadd.s32 $0xFFFFE000  }
0x47: {  	_ =	swait.ge [sflag:s13], $0x2000  }
0x48: {  	[sflag:s13] =	ssyncset.done $0x0  }
0x49: {  	[sflag:s13] =	ssyncadd.s32 $0xFFFFE000  }
0x4a: {  	_ =	swait.ge [sflag:s13], $0x2000  }
0x4b: {  	[sflag:s13] =	ssyncset.done $0x0  }
0x4c: {  	[sflag:s13] =	ssyncadd.s32 $0xFFFFE000  }
0x4d: {  	_ =	swait.ge [sflag:s13], $0x2000  }
0x4e: {  	[sflag:s13] =	ssyncset.done $0x0  }
0x4f: {  	[sflag:s13] =	ssyncadd.s32 $0xFFFFE000  }
0x50: {  	_ =	swait.ge [sflag:s13], $0x2000  }
0x51: {  	[sflag:s13] =	ssyncset.done $0x0  }
0x52: {  	[sflag:s13] =	ssyncadd.s32 $0xFFFFE000  }
0x53: {  	_ =	swait.ge [sflag:s13], $0x2000  }
0x54: {  	[sflag:s13] =	ssyncset.done $0x0  }
0x55: {  	[sflag:s13] =	ssyncadd.s32 $0xFFFFE000  }
0x56: {  	_ =	swait.ge [sflag:s13], $0x2000  }
0x57: {  	[sflag:s13] =	ssyncset.done $0x0  }
0x58: {  	[sflag:s13] =	ssyncadd.s32 $0xFFFFE000  }
0x59: {  	_ =	swait.ge [sflag:s13], $0x2000  }
0x5a: {  	[sflag:s13] =	ssyncset.done $0x0  }
0x5b: {  	[sflag:s13] =	ssyncadd.s32 $0xFFFFE000  }
0x5c: {  	_ =	swait.ge [sflag:s13], $0x2000  }
0x5d: {  	[sflag:s13] =	ssyncset.done $0x0  }
0x5e: {  	[sflag:s13] =	ssyncadd.s32 $0xFFFFE000  }
0x5f: {  	_ =	swait.ge [sflag:s13], $0x2000  }
0x60: {  	[sflag:s13] =	ssyncset.done $0x0  }
0x61: {  	[sflag:s13] =	ssyncadd.s32 $0xFFFFE000  }
0x62: {  	_ =	swait.ge [sflag:s13], $0x2000  }
0x63: {  	[sflag:s13] =	ssyncset.done $0x0  }
0x64: {  	[sflag:s13] =	ssyncadd.s32 $0xFFFFE000  }
0x65: {  	_ =	swait.ge [sflag:s13], $0x2000  }
0x66: {  	[sflag:s13] =	ssyncset.done $0x0  }
0x67: {  	[sflag:s13] =	ssyncadd.s32 $0xFFFFE000  }
0x68: {  	_ =	swait.ge [sflag:s13], $0x2000  }
0x69: {  	s16 =	simm.s32 $0x2000;
	s19 =	simm.s32 $0x4000;
	[sflag:s13] =	ssyncset.done $0x0  }
.LBB2_2:
0x6a: {  	s18 =	sshra.s32 s16, $0x2  }
0x6b: {  	[sflag:s13] =	ssyncadd.s32 $0xFFFFE000;
	s16 =	smov.u32 s19;
	s17 =	sadd.s32 $0x2000, s19  }
0x6c: {  	[spmem:s1] =	stream.indirect.scatter.add.f32 [tilespmem:s9], [sflag:$0x1], $0x40, s18, s12, $0xb8;
	[tilespmem:$0xE600] =	vst v63  }
0x6d: {  	p0 =	sne.s32 s19, $0x8000;
	s19 =	sadd.s32 $0x80, s18  }
0x6e: {  	[spmem:s1] =	stream.indirect.scatter.add.f32 [tilespmem:s9], [sflag:$0x1], $0x40, s19, s12, $0xb8;
	[tilespmem:$0xE600] =	vst v63  }
0x6f: {  	s19 =	sadd.s32 $0x100, s18  }
0x70: {  	[spmem:s1] =	stream.indirect.scatter.add.f32 [tilespmem:s9], [sflag:$0x1], $0x40, s19, s12, $0xb8;
	[tilespmem:$0xE600] =	vst v63  }
0x71: {  	s19 =	sadd.s32 $0x180, s18  }
0x72: {  	[spmem:s1] =	stream.indirect.scatter.add.f32 [tilespmem:s9], [sflag:$0x1], $0x40, s19, s12, $0xb8;
	[tilespmem:$0xE600] =	vst v63  }
0x73: {  	s19 =	sadd.s32 $0x200, s18  }
0x74: {  	[spmem:s1] =	stream.indirect.scatter.add.f32 [tilespmem:s9], [sflag:$0x1], $0x40, s19, s12, $0xb8;
	[tilespmem:$0xE600] =	vst v63  }
0x75: {  	s19 =	sadd.s32 $0x280, s18  }
0x76: {  	[spmem:s1] =	stream.indirect.scatter.add.f32 [tilespmem:s9], [sflag:$0x1], $0x40, s19, s12, $0xb8;
	[tilespmem:$0xE600] =	vst v63  }
0x77: {  	s19 =	sadd.s32 $0x300, s18  }
0x78: {  	[spmem:s1] =	stream.indirect.scatter.add.f32 [tilespmem:s9], [sflag:$0x1], $0x40, s19, s12, $0xb8;
	[tilespmem:$0xE600] =	vst v63  }
0x79: {  	s19 =	sadd.s32 $0x380, s18  }
0x7a: {  	[spmem:s1] =	stream.indirect.scatter.add.f32 [tilespmem:s9], [sflag:$0x1], $0x40, s19, s12, $0xb8;
	[tilespmem:$0xE600] =	vst v63  }
0x7b: {  	s19 =	sadd.s32 $0x400, s18  }
0x7c: {  	[spmem:s1] =	stream.indirect.scatter.add.f32 [tilespmem:s9], [sflag:$0x1], $0x40, s19, s12, $0xb8;
	[tilespmem:$0xE600] =	vst v63  }
0x7d: {  	s19 =	sadd.s32 $0x480, s18  }
0x7e: {  	[spmem:s1] =	stream.indirect.scatter.add.f32 [tilespmem:s9], [sflag:$0x1], $0x40, s19, s12, $0xb8;
	[tilespmem:$0xE600] =	vst v63  }
0x7f: {  	s19 =	sadd.s32 $0x500, s18  }
0x80: {  	[spmem:s1] =	stream.indirect.scatter.add.f32 [tilespmem:s9], [sflag:$0x1], $0x40, s19, s12, $0xb8;
	[tilespmem:$0xE600] =	vst v63  }
0x81: {  	s19 =	sadd.s32 $0x580, s18  }
0x82: {  	[spmem:s1] =	stream.indirect.scatter.add.f32 [tilespmem:s9], [sflag:$0x1], $0x40, s19, s12, $0xb8;
	[tilespmem:$0xE600] =	vst v63  }
0x83: {  	s19 =	sadd.s32 $0x600, s18  }
0x84: {  	[spmem:s1] =	stream.indirect.scatter.add.f32 [tilespmem:s9], [sflag:$0x1], $0x40, s19, s12, $0xb8;
	[tilespmem:$0xE600] =	vst v63  }
0x85: {  	s19 =	sadd.s32 $0x680, s18  }
0x86: {  	[spmem:s1] =	stream.indirect.scatter.add.f32 [tilespmem:s9], [sflag:$0x1], $0x40, s19, s12, $0xb8;
	[tilespmem:$0xE600] =	vst v63  }
0x87: {  	s19 =	sadd.s32 $0x700, s18  }
0x88: {  	[spmem:s1] =	stream.indirect.scatter.add.f32 [tilespmem:s9], [sflag:$0x1], $0x40, s19, s12, $0xb8;
	[tilespmem:$0xE600] =	vst v63  }
0x89: {  	s18 =	sadd.s32 $0x780, s18  }
0x8a: {  	[spmem:s1] =	stream.indirect.scatter.add.f32 [tilespmem:s9], [sflag:$0x1], $0x40, s18, s12, $0xb8;
	[tilespmem:$0xE600] =	vst v63  }
0x8b: {  	_ =	swait.ge [sflag:s13], $0x2000  }
0x8c: {  	[sflag:s13] =	ssyncset.done $0x0  }
0x8d: {  	[sflag:s13] =	ssyncadd.s32 $0xFFFFE000  }
0x8e: {  	_ =	swait.ge [sflag:s13], $0x2000  }
0x8f: {  	[sflag:s13] =	ssyncset.done $0x0  }
0x90: {  	[sflag:s13] =	ssyncadd.s32 $0xFFFFE000  }
0x91: {  	_ =	swait.ge [sflag:s13], $0x2000  }
0x92: {  	[sflag:s13] =	ssyncset.done $0x0  }
0x93: {  	[sflag:s13] =	ssyncadd.s32 $0xFFFFE000  }
0x94: {  	_ =	swait.ge [sflag:s13], $0x2000  }
0x95: {  	[sflag:s13] =	ssyncset.done $0x0  }
0x96: {  	[sflag:s13] =	ssyncadd.s32 $0xFFFFE000  }
0x97: {  	_ =	swait.ge [sflag:s13], $0x2000  }
0x98: {  	[sflag:s13] =	ssyncset.done $0x0  }
0x99: {  	[sflag:s13] =	ssyncadd.s32 $0xFFFFE000  }
0x9a: {  	_ =	swait.ge [sflag:s13], $0x2000  }
0x9b: {  	[sflag:s13] =	ssyncset.done $0x0  }
0x9c: {  	[sflag:s13] =	ssyncadd.s32 $0xFFFFE000  }
0x9d: {  	_ =	swait.ge [sflag:s13], $0x2000  }
0x9e: {  	[sflag:s13] =	ssyncset.done $0x0  }
0x9f: {  	[sflag:s13] =	ssyncadd.s32 $0xFFFFE000  }
0xa0: {  	_ =	swait.ge [sflag:s13], $0x2000  }
0xa1: {  	[sflag:s13] =	ssyncset.done $0x0  }
0xa2: {  	[sflag:s13] =	ssyncadd.s32 $0xFFFFE000  }
0xa3: {  	_ =	swait.ge [sflag:s13], $0x2000  }
0xa4: {  	[sflag:s13] =	ssyncset.done $0x0  }
0xa5: {  	[sflag:s13] =	ssyncadd.s32 $0xFFFFE000  }
0xa6: {  	_ =	swait.ge [sflag:s13], $0x2000  }
0xa7: {  	[sflag:s13] =	ssyncset.done $0x0  }
0xa8: {  	[sflag:s13] =	ssyncadd.s32 $0xFFFFE000  }
0xa9: {  	_ =	swait.ge [sflag:s13], $0x2000  }
0xaa: {  	[sflag:s13] =	ssyncset.done $0x0  }
0xab: {  	[sflag:s13] =	ssyncadd.s32 $0xFFFFE000  }
0xac: {  	_ =	swait.ge [sflag:s13], $0x2000  }
0xad: {  	[sflag:s13] =	ssyncset.done $0x0  }
0xae: {  	[sflag:s13] =	ssyncadd.s32 $0xFFFFE000  }
0xaf: {  	_ =	swait.ge [sflag:s13], $0x2000  }
0xb0: {  	[sflag:s13] =	ssyncset.done $0x0  }
0xb1: {  	[sflag:s13] =	ssyncadd.s32 $0xFFFFE000  }
0xb2: {  	_ =	swait.ge [sflag:s13], $0x2000  }
0xb3: {  	[sflag:s13] =	ssyncset.done $0x0  }
0xb4: {  	[sflag:s13] =	ssyncadd.s32 $0xFFFFE000  }
.Ltmp0:
0xb5: {  	_ =	swait.ge [sflag:s13], $0x2000;
	(pc) =	sbr.rel @p0 .LBB2_2-.Ltmp0, $4  }
0xb6: {  	[sflag:s13] =	ssyncset.done $0x0  }
0xb7: {  	[sflag:s13] =	ssyncadd.s32 $0xFFFFE000  }
0xb8: {  	_ =	swait.ge [sflag:s13], $0x2000  }
0xb9: {  	s19 =	smov.u32 s17;
	[sflag:s13] =	ssyncset.done $0x0  }
0xba: {  	s16 =	sshra.s32 s16, $0x2;
	[sflag:s13] =	ssyncadd.s32 $0xFFFFE000  }
0xbb: {  	[spmem:s1] =	stream.indirect.scatter.add.f32 [tilespmem:s9], [sflag:$0x1], $0x40, s16, s12, $0xb8;
	[tilespmem:$0xE600] =	vst v63  }
0xbc: {  	s17 =	sadd.s32 $0x80, s16  }
0xbd: {  	[spmem:s1] =	stream.indirect.scatter.add.f32 [tilespmem:s9], [sflag:$0x1], $0x40, s17, s12, $0xb8;
	[tilespmem:$0xE600] =	vst v63  }
0xbe: {  	s18 =	sadd.s32 $0x100, s16  }
0xbf: {  	[spmem:s1] =	stream.indirect.scatter.add.f32 [tilespmem:s9], [sflag:$0x1], $0x40, s18, s12, $0xb8;
	[tilespmem:$0xE600] =	vst v63  }
0xc0: {  	s19 =	sadd.s32 $0x180, s16  }
0xc1: {  	[spmem:s1] =	stream.indirect.scatter.add.f32 [tilespmem:s9], [sflag:$0x1], $0x40, s19, s12, $0xb8;
	[tilespmem:$0xE600] =	vst v63  }
0xc2: {  	s20 =	sadd.s32 $0x200, s16  }
0xc3: {  	[spmem:s1] =	stream.indirect.scatter.add.f32 [tilespmem:s9], [sflag:$0x1], $0x40, s20, s12, $0xb8;
	[tilespmem:$0xE600] =	vst v63  }
0xc4: {  	s21 =	sadd.s32 $0x280, s16  }
0xc5: {  	[spmem:s1] =	stream.indirect.scatter.add.f32 [tilespmem:s9], [sflag:$0x1], $0x40, s21, s12, $0xb8;
	[tilespmem:$0xE600] =	vst v63  }
0xc6: {  	s22 =	sadd.s32 $0x300, s16  }
0xc7: {  	[spmem:s1] =	stream.indirect.scatter.add.f32 [tilespmem:s9], [sflag:$0x1], $0x40, s22, s12, $0xb8;
	[tilespmem:$0xE600] =	vst v63  }
0xc8: {  	s23 =	sadd.s32 $0x380, s16  }
0xc9: {  	[spmem:s1] =	stream.indirect.scatter.add.f32 [tilespmem:s9], [sflag:$0x1], $0x40, s23, s12, $0xb8;
	[tilespmem:$0xE600] =	vst v63  }
0xca: {  	s24 =	sadd.s32 $0x400, s16  }
0xcb: {  	[spmem:s1] =	stream.indirect.scatter.add.f32 [tilespmem:s9], [sflag:$0x1], $0x40, s24, s12, $0xb8;
	[tilespmem:$0xE600] =	vst v63  }
0xcc: {  	s25 =	sadd.s32 $0x480, s16  }
0xcd: {  	[spmem:s1] =	stream.indirect.scatter.add.f32 [tilespmem:s9], [sflag:$0x1], $0x40, s25, s12, $0xb8;
	[tilespmem:$0xE600] =	vst v63  }
0xce: {  	s26 =	sadd.s32 $0x500, s16  }
0xcf: {  	[spmem:s1] =	stream.indirect.scatter.add.f32 [tilespmem:s9], [sflag:$0x1], $0x40, s26, s12, $0xb8;
	[tilespmem:$0xE600] =	vst v63  }
0xd0: {  	s28 =	sadd.s32 $0x580, s16  }
0xd1: {  	[spmem:s1] =	stream.indirect.scatter.add.f32 [tilespmem:s9], [sflag:$0x1], $0x40, s28, s12, $0xb8;
	[tilespmem:$0xE600] =	vst v63  }
0xd2: {  	s29 =	sadd.s32 $0x600, s16  }
0xd3: {  	[spmem:s1] =	stream.indirect.scatter.add.f32 [tilespmem:s9], [sflag:$0x1], $0x40, s29, s12, $0xb8;
	[tilespmem:$0xE600] =	vst v63  }
0xd4: {  	s30 =	sadd.s32 $0x680, s16  }
0xd5: {  	[spmem:s1] =	stream.indirect.scatter.add.f32 [tilespmem:s9], [sflag:$0x1], $0x40, s30, s12, $0xb8;
	[tilespmem:$0xE600] =	vst v63  }
0xd6: {  	s31 =	sadd.s32 $0x700, s16  }
0xd7: {  	[spmem:s1] =	stream.indirect.scatter.add.f32 [tilespmem:s9], [sflag:$0x1], $0x40, s31, s12, $0xb8;
	[tilespmem:$0xE600] =	vst v63  }
0xd8: {  	s16 =	sadd.s32 $0x780, s16  }
0xd9: {  	[spmem:s1] =	stream.indirect.scatter.add.f32 [tilespmem:s9], [sflag:$0x1], $0x40, s16, s12, $0xb8;
	[tilespmem:$0xE600] =	vst v63  }
0xda: {  	_ =	swait.ge [sflag:s13], $0x2000  }
0xdb: {  	[sflag:s13] =	ssyncset.done $0x0  }
0xdc: {  	[sflag:s13] =	ssyncadd.s32 $0xFFFFE000  }
0xdd: {  	_ =	swait.ge [sflag:s13], $0x2000  }
0xde: {  	[sflag:s13] =	ssyncset.done $0x0  }
0xdf: {  	[sflag:s13] =	ssyncadd.s32 $0xFFFFE000  }
0xe0: {  	_ =	swait.ge [sflag:s13], $0x2000  }
0xe1: {  	[sflag:s13] =	ssyncset.done $0x0  }
0xe2: {  	[sflag:s13] =	ssyncadd.s32 $0xFFFFE000  }
0xe3: {  	_ =	swait.ge [sflag:s13], $0x2000  }
0xe4: {  	[sflag:s13] =	ssyncset.done $0x0  }
0xe5: {  	[sflag:s13] =	ssyncadd.s32 $0xFFFFE000  }
0xe6: {  	_ =	swait.ge [sflag:s13], $0x2000  }
0xe7: {  	[sflag:s13] =	ssyncset.done $0x0  }
0xe8: {  	[sflag:s13] =	ssyncadd.s32 $0xFFFFE000  }
0xe9: {  	_ =	swait.ge [sflag:s13], $0x2000  }
0xea: {  	[sflag:s13] =	ssyncset.done $0x0  }
0xeb: {  	[sflag:s13] =	ssyncadd.s32 $0xFFFFE000  }
0xec: {  	_ =	swait.ge [sflag:s13], $0x2000  }
0xed: {  	[sflag:s13] =	ssyncset.done $0x0  }
0xee: {  	[sflag:s13] =	ssyncadd.s32 $0xFFFFE000  }
0xef: {  	_ =	swait.ge [sflag:s13], $0x2000  }
0xf0: {  	[sflag:s13] =	ssyncset.done $0x0  }
0xf1: {  	[sflag:s13] =	ssyncadd.s32 $0xFFFFE000  }
0xf2: {  	_ =	swait.ge [sflag:s13], $0x2000  }
0xf3: {  	[sflag:s13] =	ssyncset.done $0x0  }
0xf4: {  	[sflag:s13] =	ssyncadd.s32 $0xFFFFE000  }
0xf5: {  	_ =	swait.ge [sflag:s13], $0x2000  }
0xf6: {  	[sflag:s13] =	ssyncset.done $0x0  }
0xf7: {  	[sflag:s13] =	ssyncadd.s32 $0xFFFFE000  }
0xf8: {  	_ =	swait.ge [sflag:s13], $0x2000  }
0xf9: {  	[sflag:s13] =	ssyncset.done $0x0  }
0xfa: {  	[sflag:s13] =	ssyncadd.s32 $0xFFFFE000  }
0xfb: {  	_ =	swait.ge [sflag:s13], $0x2000  }
0xfc: {  	[sflag:s13] =	ssyncset.done $0x0  }
0xfd: {  	[sflag:s13] =	ssyncadd.s32 $0xFFFFE000  }
0xfe: {  	_ =	swait.ge [sflag:s13], $0x2000  }
0xff: {  	[sflag:s13] =	ssyncset.done $0x0  }
0x100: {  	[sflag:s13] =	ssyncadd.s32 $0xFFFFE000  }
0x101: {  	_ =	swait.ge [sflag:s13], $0x2000  }
0x102: {  	[sflag:s13] =	ssyncset.done $0x0  }
0x103: {  	[sflag:s13] =	ssyncadd.s32 $0xFFFFE000  }
0x104: {  	_ =	swait.ge [sflag:s13], $0x2000  }
0x105: {  	[sflag:s13] =	ssyncset.done $0x0  }
0x106: {  	[sflag:s13] =	ssyncadd.s32 $0xFFFFE000  }
0x107: {  	_ =	swait.ge [sflag:s13], $0x2000  }
0x108: {  	s15 =	sadd.s32 $0x1, s15;
	[sflag:s13] =	ssyncset.done $0x0  }
0x109: {  	p0 =	sne.s32 s15, s7;
	[sflag:s13] =	ssyncadd.s32 $0xFFFFE000  }
.Ltmp1:
0x10a: {  	[bflag:$0x0] =	sbarrier.arrive $0xFFFF;
	(pc) =	sbr.rel @p0 .LBB2_1-.Ltmp1, $4  }
0x10b: {  	[hbm:s14], [sflag:s10] =	dma.local [spmem:s11], $0x13C0  }
0x10c: {  	_ =	swait.ge [sflag:s8], $0x13C0  }
0x10d: {  	[sflag:s8] =	ssyncset.done $0x0  }
0x10e: {  	[sflag:s8] =	ssyncadd.s32 $0xFFFFEC40  }
0x10f: {  	_ =	sfence.sel $0x180000  }
0x110: {  	[bflag:$0x0] =	sbarrier.arrive $0xFFFF  }
0x111: {  	p0 =	sne.s32 s2, $0x0;
	_ =	strace $0x90000047  }
0x112: {  	s0 =	sadd.s32 @!p0 $0x100000, s0;
	[bflag:$0x2] =	sbarrier.arrive $0xFFFF  }
0x113: {  	[sflag:s0] =	ssyncadd.tile.s32 @!p0 $0x1;
	_ =	shalt  }
.Lfunc_end2:
_tile_overlayer_lowered:
.L_overlay_start_2:
0x114: {  	(tag) =	ssettag $0x2  }
0x115: {  	s0 =	rddreg [dreg:$0x0];
	s2 =	stileid.u32  }
0x116: {  	s1 =	rddreg [dreg:$0x1];
	p0 =	sne.s32 s2, $0x0  }
0x117: {  	s3 =	rddreg [dreg:$0x2];
	[bflag:$0x3] =	sbarrier.arrive $0xFFFF;
	s2 =	simm.s32 @!p0 $0x1C02  }
0x118: {  	[timem:s3], [sflag:s2] =	dma.local @!p0 [hbm:s0], s1  }
0x119: {  	s0 =	simm.s32 @!p0 $0x2  }
0x11a: {  	_ =	swait.ge @!p0 [sflag:s0], s1  }
0x11b: {  	s1 =	ssub.s32 @!p0 $0x0, s1;
	[sflag:s0] =	ssyncset.done @!p0 $0x0  }
0x11c: {  	[sflag:s0] =	ssyncadd.s32 @!p0 s1  }
0x11d: {  	[bflag:$0x3] =	sbarrier.arrive $0xFFFF  }
0x11e: {  	_ =	shalt  }

</sc_bundles>
